<compile_context>
chip_gen: v7x
topology: tpu7x:2x2x1
jax: 0.10.2.dev20260603
libtpu: 0.0.44.dev20260713+nightly
codegen_flags: <defaults>
</compile_context>

<pallas_src>
import functools

import jax
import jax.numpy as jnp
from jax import lax
from jax.experimental import pallas as pl
from jax.experimental.pallas import tpu as pltpu
from jax.experimental.pallas import tpu_sc as plsc

N = 10000
E = 320000
HIDDEN = 128
CLASSES = 40

D_PAD = 48
N_PAD = 10112
NC = 2
NS = 16
LANE = 128
CHUNKS = E // LANE
N_CORE0 = 1252
N_CORE1 = CHUNKS - N_CORE0
Q0, R0 = divmod(N_CORE0, NS)
Q1, R1 = divmod(N_CORE1, NS)
CH_MAX0 = Q0 + (1 if R0 else 0)
CH_MAX1 = Q1 + (1 if R1 else 0)
STRIPE = N_PAD // NS


def _mm_body(w11_ref, wout_ref, m_ref):
    m_ref[...] = lax.dot_general(
        w11_ref[...], wout_ref[...],
        dimension_numbers=(((0,), (1,)), ((), ())),
        preferred_element_type=jnp.float32,
    )


def _make_table(w11, woutp):
    return pl.pallas_call(
        _mm_body,
        out_shape=jax.ShapeDtypeStruct((N, D_PAD), jnp.float32),
    )(w11, woutp)


NBUF = 6


def _sc_body(m_hbm, ei_hbm, zero_hbm, out_hbm,
             col_v, row_v, buf0, buf1, buf2, buf3, buf4, buf5, acc,
             gs0, gs1, gs2, gs3, gs4, gs5, ss0, ss1, ss2, ss3, ss4, ss5):
    cid = lax.axis_index("c")
    sid = lax.axis_index("s")
    pltpu.sync_copy(zero_hbm, acc.at[pl.ds(sid * STRIPE, STRIPE)])
    plsc.subcore_barrier()

    bufs = (buf0, buf1, buf2, buf3, buf4, buf5)
    gsem = (gs0, gs1, gs2, gs3, gs4, gs5)
    ssem = (ss0, ss1, ss2, ss3, ss4, ss5)

    def run(ch_max, q, r, base):
        start = base + sid * q + jnp.minimum(sid, r)
        cnt = q + jnp.where(sid < r, 1, 0)
        pltpu.sync_copy(ei_hbm.at[0, pl.ds(start * LANE, ch_max * LANE)],
                        row_v.at[pl.ds(0, ch_max * LANE)])
        pltpu.sync_copy(ei_hbm.at[1, pl.ds(start * LANE, ch_max * LANE)],
                        col_v.at[pl.ds(0, ch_max * LANE)])

        def gather_fire(c, b):
            pltpu.async_copy(
                m_hbm.at[col_v.at[pl.ds(c * LANE, LANE)]], bufs[b], gsem[b])

        def gather_wait(b):
            pltpu.make_async_copy(m_hbm.at[pl.ds(0, LANE)],
                                  bufs[b], gsem[b]).wait()

        def scatter_fire(c, b):
            pltpu.async_copy(bufs[b],
                             acc.at[row_v.at[pl.ds(c * LANE, LANE)]],
                             ssem[b], add=True)

        def scatter_wait(b):
            pltpu.make_async_copy(m_hbm.at[pl.ds(0, LANE)],
                                  bufs[b], ssem[b]).wait()

        @pl.when(cnt > 0)
        def _():
            gather_fire(0, 0)

        @pl.when(cnt > 1)
        def _():
            gather_fire(1, 1)

        @pl.when(cnt > 2)
        def _():
            gather_fire(2, 2)

        def body(j, carry):
            for b in range(NBUF):
                c = NBUF * j + b
                bo = (b + 3) % NBUF

                @pl.when(c < cnt)
                def _():
                    @pl.when(c >= 3)
                    def _():
                        scatter_wait(bo)

                    @pl.when(c + 3 < cnt)
                    def _():
                        gather_fire(c + 3, bo)

                    gather_wait(b)
                    scatter_fire(c, b)

            return carry

        lax.fori_loop(0, (cnt + NBUF - 1) // NBUF, body, 0)

        for b in range(NBUF):
            outst = ((cnt >= 1) & ((cnt - 1) % NBUF == b)) \
                | ((cnt >= 2) & ((cnt - 2) % NBUF == b)) \
                | ((cnt >= 3) & ((cnt - 3) % NBUF == b))

            @pl.when(outst)
            def _():
                scatter_wait(b)

    @pl.when(cid == 0)
    def _():
        run(CH_MAX0, Q0, R0, 0)

    @pl.when(cid == 1)
    def _():
        run(CH_MAX1, Q1, R1, N_CORE0)

    plsc.subcore_barrier()
    pltpu.sync_copy(acc.at[pl.ds(sid * STRIPE, STRIPE)],
                    out_hbm.at[cid, pl.ds(sid * STRIPE, STRIPE),
                               pl.ds(0, D_PAD)])


@functools.cache
def _sc_scatter():
    ch_max = max(CH_MAX0, CH_MAX1)
    return pl.kernel(
        _sc_body,
        out_type=jax.ShapeDtypeStruct((NC, N_PAD, 128), jnp.float32),
        mesh=plsc.VectorSubcoreMesh(core_axis_name="c", subcore_axis_name="s",
                                    num_cores=NC, num_subcores=NS),
        scratch_types=[
            pltpu.VMEM((ch_max * LANE,), jnp.int32),
            pltpu.VMEM((ch_max * LANE,), jnp.int32),
            pltpu.VMEM((LANE, D_PAD), jnp.float32),
            pltpu.VMEM((LANE, D_PAD), jnp.float32),
            pltpu.VMEM((LANE, D_PAD), jnp.float32),
            pltpu.VMEM((LANE, D_PAD), jnp.float32),
            pltpu.VMEM((LANE, D_PAD), jnp.float32),
            pltpu.VMEM((LANE, D_PAD), jnp.float32),
            pltpu.VMEM_SHARED((N_PAD, D_PAD), jnp.float32),
        ] + [pltpu.SemaphoreType.DMA] * 12,
        compiler_params=pltpu.CompilerParams(use_tc_tiling_on_sc=False),
    )


def _softmax_body(p_ref, b11_ref, wout_ref, bout_ref, ls_ref, h_ref):
    rows = p_ref.shape[1]
    out_rows = ls_ref.shape[0]
    bias = lax.dot_general(
        b11_ref[...], wout_ref[...],
        dimension_numbers=(((1,), (1,)), ((), ())),
        preferred_element_type=jnp.float32,
    ) + bout_ref[...]
    h = p_ref[0] + p_ref[1] + bias
    col = lax.broadcasted_iota(jnp.int32, (rows, 128), 1)
    hm = jnp.where(col < CLASSES, h, -jnp.inf)
    m = jnp.max(hm, axis=1, keepdims=True)
    lse = jnp.log(jnp.sum(jnp.exp(hm - m), axis=1, keepdims=True)) + m
    ls = h - lse
    ls_ref[...] = ls[:out_rows, :CLASSES]
    h_ref[...] = h[:out_rows, :CLASSES]


def _finalize(partials, b11r, woutp, boutr):
    return pl.pallas_call(
        _softmax_body,
        out_shape=(jax.ShapeDtypeStruct((N, CLASSES), jnp.float32),
                   jax.ShapeDtypeStruct((N, CLASSES), jnp.float32)),
    )(partials, b11r, woutp, boutr)


def kernel(x, edge_index, W11, b11, Wout, bout):
    del x
    woutp = jnp.pad(Wout, ((0, D_PAD - CLASSES), (0, 0)))
    wout128 = jnp.pad(Wout, ((0, 128 - CLASSES), (0, 0)))
    boutr = jnp.pad(bout, (0, 128 - CLASSES)).reshape(1, 128)
    b11r = b11.reshape(1, HIDDEN)
    zero = jnp.zeros((STRIPE, D_PAD), jnp.float32)

    m_table = _make_table(W11, woutp)
    partials = _sc_scatter()(m_table, edge_index, zero)
    return _finalize(partials, b11r, wout128, boutr)

# --- scband reference (transcript-rebuilt; emitter-appended) ---
"""Pipeline reference for scband-model2-36773509988627 (READ-ONLY COPY).

The authoritative reference and input builder live on the scoring server;
editing this copy changes nothing except your own understanding.
"""

import jax, jax.numpy as jnp
import numpy as np

N = 10000
E = 320000
D_FEAT = 128
HIDDEN = 128
CLASSES = 40

def setup_inputs(seed: int = 0) -> dict:
    key = jax.random.key(seed)
    k1, k2, k3, k4, k5 = jax.random.split(key, 5)
    x = jax.random.normal(k1, (N, D_FEAT), dtype=jnp.float32)
    edge_index = jax.random.randint(k2, (2, E), 0, N, dtype=jnp.int32)
    # Linear(N, hidden): weight [hidden, N], bias [hidden]
    W11 = jax.random.normal(k3, (HIDDEN, N), dtype=jnp.float32) * (1.0 / np.sqrt(N))
    b11 = jnp.zeros((HIDDEN,), dtype=jnp.float32)
    # Linear(hidden, classes): weight [classes, hidden], bias [classes]
    Wout = jax.random.normal(k4, (CLASSES, HIDDEN), dtype=jnp.float32) * (1.0 / np.sqrt(HIDDEN))
    bout = jnp.zeros((CLASSES,), dtype=jnp.float32)
    return {"x": x, "edge_index": edge_index, "W11": W11, "b11": b11, "Wout": Wout, "bout": bout}

def reference(x, edge_index, W11, b11, Wout, bout):
    # adj_ = sparse NxN with 1 at (row, col) (duplicates sum under spmm)
    # w11(adj_) = adj_ @ W11.T + b11 ; entry [i, h] = sum_{edges with row=i} W11[h, col]
    n = x.shape[0]
    row = edge_index[0]
    col = edge_index[1]
    gathered = jnp.take(W11.T, col, axis=0)  # [E, HIDDEN] gather
    adj = jax.ops.segment_sum(gathered, row, num_segments=n) + b11  # [N, HIDDEN] scatter-add
    h = adj @ Wout.T + bout  # [N, CLASSES]
    return (jax.nn.log_softmax(h, axis=1), h)

if __name__ == "__main__":
    import jax
    _d = setup_inputs()
    print(jax.jit(kernel)(*tuple(_d.values())))

</pallas_src>

<mosaic_0001>
#map = affine_map<(d0, d1) -> (0, 0)>
#map1 = affine_map<(d0, d1) -> (0, 0, 0)>
module attributes {stable_mosaic.version = 14 : i64} {
  func.func @_sc_body(%arg0: i32, %arg1: i32, %arg2: memref<10000x48xf32, #tpu.memory_space<hbm>>, %arg3: memref<2x320000xi32, #tpu.memory_space<hbm>>, %arg4: memref<632x48xf32, #tpu.memory_space<hbm>>, %arg5: memref<2x10112x128xf32, #tpu.memory_space<hbm>>, %arg6: memref<10112xi32, #tpu.memory_space<vmem>>, %arg7: memref<10112xi32, #tpu.memory_space<vmem>>, %arg8: memref<128x48xf32, #tpu.memory_space<vmem>>, %arg9: memref<128x48xf32, #tpu.memory_space<vmem>>, %arg10: memref<128x48xf32, #tpu.memory_space<vmem>>, %arg11: memref<128x48xf32, #tpu.memory_space<vmem>>, %arg12: memref<128x48xf32, #tpu.memory_space<vmem>>, %arg13: memref<128x48xf32, #tpu.memory_space<vmem>>, %arg14: memref<10112x48xf32, #tpu.memory_space<vmem_shared>>, %arg15: memref<!tpu.dma_semaphore, #tpu.memory_space<semaphore_mem>>, %arg16: memref<!tpu.dma_semaphore, #tpu.memory_space<semaphore_mem>>, %arg17: memref<!tpu.dma_semaphore, #tpu.memory_space<semaphore_mem>>, %arg18: memref<!tpu.dma_semaphore, #tpu.memory_space<semaphore_mem>>, %arg19: memref<!tpu.dma_semaphore, #tpu.memory_space<semaphore_mem>>, %arg20: memref<!tpu.dma_semaphore, #tpu.memory_space<semaphore_mem>>, %arg21: memref<!tpu.dma_semaphore, #tpu.memory_space<semaphore_mem>>, %arg22: memref<!tpu.dma_semaphore, #tpu.memory_space<semaphore_mem>>, %arg23: memref<!tpu.dma_semaphore, #tpu.memory_space<semaphore_mem>>, %arg24: memref<!tpu.dma_semaphore, #tpu.memory_space<semaphore_mem>>, %arg25: memref<!tpu.dma_semaphore, #tpu.memory_space<semaphore_mem>>, %arg26: memref<!tpu.dma_semaphore, #tpu.memory_space<semaphore_mem>>) attributes {dimension_semantics = [#tpu.dimension_semantics<core_parallel>, #tpu.dimension_semantics<subcore_parallel>], iteration_bounds = array<i64: 2, 16>, scalar_prefetch = 0 : i64, scratch_operands = 21 : i64, tpu.core_type = #tpu.core_type<sc_vector_subcore>, window_params = [{transform_indices = #map}, {transform_indices = #map}, {transform_indices = #map}, {transform_indices = #map1}]} {
    %mul3A = arith.constant 632 : i32
    %mul3A_0 = arith.muli %arg1, %mul3A : i32
    "tpu.region"() ({
      %run_scoped3A = tpu.sem_alloc : memref<!tpu.dma_semaphore, #tpu.memory_space<semaphore_mem>>
      %dma_start3A = arith.constant 0 : i32
      %dma_start3A_13 = tpu.memref_slice %arg14[%mul3A_0, %dma_start3A] : memref<10112x48xf32, #tpu.memory_space<vmem_shared>> -> memref<632x48xf32, #tpu.memory_space<vmem_shared>>
      tpu.enqueue_dma source(%arg4 : memref<632x48xf32, #tpu.memory_space<hbm>>) target(%dma_start3A_13 : memref<632x48xf32, #tpu.memory_space<vmem_shared>>) target_semaphore(%run_scoped3A : memref<!tpu.dma_semaphore, #tpu.memory_space<semaphore_mem>>)
      %dma_wait3A = arith.constant 0 : i32
      %dma_wait3A_14 = tpu.memref_slice %arg14[%mul3A_0, %dma_wait3A] : memref<10112x48xf32, #tpu.memory_space<vmem_shared>> -> memref<632x48xf32, #tpu.memory_space<vmem_shared>>
      tpu.wait_dma2 semaphore(%run_scoped3A : memref<!tpu.dma_semaphore, #tpu.memory_space<semaphore_mem>>) src(%arg4 : memref<632x48xf32, #tpu.memory_space<hbm>>) dst(%dma_wait3A_14 : memref<632x48xf32, #tpu.memory_space<vmem_shared>>)
      tpu.yield
    }) : () -> ()
    %barrier3A = arith.constant 0 : index
    tpu.barrier barrier_id(%barrier3A)
    %eq3A = arith.constant 0 : i32
    %eq3A_1 = arith.cmpi eq, %arg0, %eq3A : i32
    %convert_element_type3A = arith.extui %eq3A_1 : i1 to i32
    %cond3A = arith.constant 0 : i32
    %cond3A_2 = arith.cmpi ne, %convert_element_type3A, %cond3A : i32
    scf.if %cond3A_2 {
      %mul3A_13 = arith.constant 78 : i32
      %mul3A_14 = arith.muli %arg1, %mul3A_13 : i32
      %add3A = arith.constant 0 : i32
      %add3A_15 = arith.addi %add3A, %mul3A_14 : i32
      %min3A = arith.constant 4 : i32
      %min3A_16 = arith.minsi %arg1, %min3A : i32
      %add3A_17 = arith.addi %add3A_15, %min3A_16 : i32
      %lt3A = arith.constant 4 : i32
      %lt3A_18 = arith.cmpi slt, %arg1, %lt3A : i32
      %jit3A = arith.constant 1 : i32
      %jit3A_19 = arith.constant 0 : i32
      %select_n3A = arith.select %lt3A_18, %jit3A, %jit3A_19 : i32
      %add3A_20 = arith.constant 78 : i32
      %add3A_21 = arith.addi %add3A_20, %select_n3A : i32
      %mul3A_22 = arith.constant 128 : i32
      %mul3A_23 = arith.muli %add3A_17, %mul3A_22 : i32
      %run_scoped3A = arith.constant 0 : i32
      "tpu.region"() ({
        %run_scoped3A_514 = tpu.sem_alloc : memref<!tpu.dma_semaphore, #tpu.memory_space<semaphore_mem>>
        %dma_start3A = arith.constant 0 : i32
        %dma_start3A_515 = tpu.memref_slice %arg7[%dma_start3A] : memref<10112xi32, #tpu.memory_space<vmem>> -> memref<10112xi32, #tpu.memory_space<vmem>>
        %dma_start3A_516 = tpu.memref_slice %arg3[%run_scoped3A, %mul3A_23] : memref<2x320000xi32, #tpu.memory_space<hbm>> -> memref<1x10112xi32, #tpu.memory_space<hbm>>
        %dma_start3A_517 = tpu.memref_squeeze %dma_start3A_516 : memref<1x10112xi32, #tpu.memory_space<hbm>> -> memref<10112xi32, #tpu.memory_space<hbm>>
        %dma_start3A_518 = arith.constant 0 : i32
        %dma_start3A_519 = tpu.memref_slice %arg7[%dma_start3A_518] : memref<10112xi32, #tpu.memory_space<vmem>> -> memref<10112xi32, #tpu.memory_space<vmem>>
        %dma_start3A_520 = tpu.memref_slice %arg3[%run_scoped3A, %mul3A_23] : memref<2x320000xi32, #tpu.memory_space<hbm>> -> memref<1x10112xi32, #tpu.memory_space<hbm>>
        %dma_start3A_521 = tpu.memref_squeeze %dma_start3A_520 : memref<1x10112xi32, #tpu.memory_space<hbm>> -> memref<10112xi32, #tpu.memory_space<hbm>>
        tpu.enqueue_dma source(%dma_start3A_521 : memref<10112xi32, #tpu.memory_space<hbm>>) target(%dma_start3A_519 : memref<10112xi32, #tpu.memory_space<vmem>>) target_semaphore(%run_scoped3A_514 : memref<!tpu.dma_semaphore, #tpu.memory_space<semaphore_mem>>)
        %dma_wait3A = arith.constant 0 : i32
        %dma_wait3A_522 = tpu.memref_slice %arg7[%dma_wait3A] : memref<10112xi32, #tpu.memory_space<vmem>> -> memref<10112xi32, #tpu.memory_space<vmem>>
        %dma_wait3A_523 = tpu.memref_slice %arg3[%run_scoped3A, %mul3A_23] : memref<2x320000xi32, #tpu.memory_space<hbm>> -> memref<1x10112xi32, #tpu.memory_space<hbm>>
        %dma_wait3A_524 = tpu.memref_squeeze %dma_wait3A_523 : memref<1x10112xi32, #tpu.memory_space<hbm>> -> memref<10112xi32, #tpu.memory_space<hbm>>
        %dma_wait3A_525 = arith.constant 0 : i32
        %dma_wait3A_526 = tpu.memref_slice %arg7[%dma_wait3A_525] : memref<10112xi32, #tpu.memory_space<vmem>> -> memref<10112xi32, #tpu.memory_space<vmem>>
        %dma_wait3A_527 = tpu.memref_slice %arg3[%run_scoped3A, %mul3A_23] : memref<2x320000xi32, #tpu.memory_space<hbm>> -> memref<1x10112xi32, #tpu.memory_space<hbm>>
        %dma_wait3A_528 = tpu.memref_squeeze %dma_wait3A_527 : memref<1x10112xi32, #tpu.memory_space<hbm>> -> memref<10112xi32, #tpu.memory_space<hbm>>
        tpu.wait_dma2 semaphore(%run_scoped3A_514 : memref<!tpu.dma_semaphore, #tpu.memory_space<semaphore_mem>>) src(%dma_wait3A_528 : memref<10112xi32, #tpu.memory_space<hbm>>) dst(%dma_wait3A_526 : memref<10112xi32, #tpu.memory_space<vmem>>)
        tpu.yield
      }) : () -> ()
      %mul3A_24 = arith.constant 128 : i32
      %mul3A_25 = arith.muli %add3A_17, %mul3A_24 : i32
      %run_scoped3A_26 = arith.constant 1 : i32
      "tpu.region"() ({
        %run_scoped3A_514 = tpu.sem_alloc : memref<!tpu.dma_semaphore, #tpu.memory_space<semaphore_mem>>
        %dma_start3A = arith.constant 0 : i32
        %dma_start3A_515 = tpu.memref_slice %arg6[%dma_start3A] : memref<10112xi32, #tpu.memory_space<vmem>> -> memref<10112xi32, #tpu.memory_space<vmem>>
        %dma_start3A_516 = tpu.memref_slice %arg3[%run_scoped3A_26, %mul3A_25] : memref<2x320000xi32, #tpu.memory_space<hbm>> -> memref<1x10112xi32, #tpu.memory_space<hbm>>
        %dma_start3A_517 = tpu.memref_squeeze %dma_start3A_516 : memref<1x10112xi32, #tpu.memory_space<hbm>> -> memref<10112xi32, #tpu.memory_space<hbm>>
        %dma_start3A_518 = arith.constant 0 : i32
        %dma_start3A_519 = tpu.memref_slice %arg6[%dma_start3A_518] : memref<10112xi32, #tpu.memory_space<vmem>> -> memref<10112xi32, #tpu.memory_space<vmem>>
        %dma_start3A_520 = tpu.memref_slice %arg3[%run_scoped3A_26, %mul3A_25] : memref<2x320000xi32, #tpu.memory_space<hbm>> -> memref<1x10112xi32, #tpu.memory_space<hbm>>
        %dma_start3A_521 = tpu.memref_squeeze %dma_start3A_520 : memref<1x10112xi32, #tpu.memory_space<hbm>> -> memref<10112xi32, #tpu.memory_space<hbm>>
        tpu.enqueue_dma source(%dma_start3A_521 : memref<10112xi32, #tpu.memory_space<hbm>>) target(%dma_start3A_519 : memref<10112xi32, #tpu.memory_space<vmem>>) target_semaphore(%run_scoped3A_514 : memref<!tpu.dma_semaphore, #tpu.memory_space<semaphore_mem>>)
        %dma_wait3A = arith.constant 0 : i32
        %dma_wait3A_522 = tpu.memref_slice %arg6[%dma_wait3A] : memref<10112xi32, #tpu.memory_space<vmem>> -> memref<10112xi32, #tpu.memory_space<vmem>>
        %dma_wait3A_523 = tpu.memref_slice %arg3[%run_scoped3A_26, %mul3A_25] : memref<2x320000xi32, #tpu.memory_space<hbm>> -> memref<1x10112xi32, #tpu.memory_space<hbm>>
        %dma_wait3A_524 = tpu.memref_squeeze %dma_wait3A_523 : memref<1x10112xi32, #tpu.memory_space<hbm>> -> memref<10112xi32, #tpu.memory_space<hbm>>
        %dma_wait3A_525 = arith.constant 0 : i32
        %dma_wait3A_526 = tpu.memref_slice %arg6[%dma_wait3A_525] : memref<10112xi32, #tpu.memory_space<vmem>> -> memref<10112xi32, #tpu.memory_space<vmem>>
        %dma_wait3A_527 = tpu.memref_slice %arg3[%run_scoped3A_26, %mul3A_25] : memref<2x320000xi32, #tpu.memory_space<hbm>> -> memref<1x10112xi32, #tpu.memory_space<hbm>>
        %dma_wait3A_528 = tpu.memref_squeeze %dma_wait3A_527 : memref<1x10112xi32, #tpu.memory_space<hbm>> -> memref<10112xi32, #tpu.memory_space<hbm>>
        tpu.wait_dma2 semaphore(%run_scoped3A_514 : memref<!tpu.dma_semaphore, #tpu.memory_space<semaphore_mem>>) src(%dma_wait3A_528 : memref<10112xi32, #tpu.memory_space<hbm>>) dst(%dma_wait3A_526 : memref<10112xi32, #tpu.memory_space<vmem>>)
        tpu.yield
      }) : () -> ()
      %gt3A = arith.constant 0 : i32
      %gt3A_27 = arith.cmpi sgt, %add3A_21, %gt3A : i32
      %convert_element_type3A_28 = arith.extui %gt3A_27 : i1 to i32
      %cond3A_29 = arith.constant 0 : i32
      %cond3A_30 = arith.cmpi ne, %convert_element_type3A_28, %cond3A_29 : i32
      scf.if %cond3A_30 {
        %dma_start3A = arith.constant 0 : i32
        %dma_start3A_514 = tpu.memref_slice %arg6[%dma_start3A] : memref<10112xi32, #tpu.memory_space<vmem>> -> memref<128xi32, #tpu.memory_space<vmem>>
        %dma_start3A_515 = arith.constant 0 : i32
        %dma_start3A_516 = arith.constant 0 : i32
        %dma_start3A_517 = tpu.memref_slice %arg2[%dma_start3A_515, %dma_start3A_516] : memref<10000x48xf32, #tpu.memory_space<hbm>> -> memref<10000x48xf32, #tpu.memory_space<hbm>>
        tpu.enqueue_indirect_dma source(%dma_start3A_517 : memref<10000x48xf32, #tpu.memory_space<hbm>>) target(%arg8 : memref<128x48xf32, #tpu.memory_space<vmem>>) offsets(%dma_start3A_514 : memref<128xi32, #tpu.memory_space<vmem>>) semaphore(%arg15 : memref<!tpu.dma_semaphore, #tpu.memory_space<semaphore_mem>>)
      } else {
      }
      %gt3A_31 = arith.constant 1 : i32
      %gt3A_32 = arith.cmpi sgt, %add3A_21, %gt3A_31 : i32
      %convert_element_type3A_33 = arith.extui %gt3A_32 : i1 to i32
      %cond3A_34 = arith.constant 0 : i32
      %cond3A_35 = arith.cmpi ne, %convert_element_type3A_33, %cond3A_34 : i32
      scf.if %cond3A_35 {
        %dma_start3A = arith.constant 128 : i32
        %dma_start3A_514 = tpu.memref_slice %arg6[%dma_start3A] : memref<10112xi32, #tpu.memory_space<vmem>> -> memref<128xi32, #tpu.memory_space<vmem>>
        %dma_start3A_515 = arith.constant 0 : i32
        %dma_start3A_516 = arith.constant 0 : i32
        %dma_start3A_517 = tpu.memref_slice %arg2[%dma_start3A_515, %dma_start3A_516] : memref<10000x48xf32, #tpu.memory_space<hbm>> -> memref<10000x48xf32, #tpu.memory_space<hbm>>
        tpu.enqueue_indirect_dma source(%dma_start3A_517 : memref<10000x48xf32, #tpu.memory_space<hbm>>) target(%arg9 : memref<128x48xf32, #tpu.memory_space<vmem>>) offsets(%dma_start3A_514 : memref<128xi32, #tpu.memory_space<vmem>>) semaphore(%arg16 : memref<!tpu.dma_semaphore, #tpu.memory_space<semaphore_mem>>)
      } else {
      }
      %gt3A_36 = arith.constant 2 : i32
      %gt3A_37 = arith.cmpi sgt, %add3A_21, %gt3A_36 : i32
      %convert_element_type3A_38 = arith.extui %gt3A_37 : i1 to i32
      %cond3A_39 = arith.constant 0 : i32
      %cond3A_40 = arith.cmpi ne, %convert_element_type3A_38, %cond3A_39 : i32
      scf.if %cond3A_40 {
        %dma_start3A = arith.constant 256 : i32
        %dma_start3A_514 = tpu.memref_slice %arg6[%dma_start3A] : memref<10112xi32, #tpu.memory_space<vmem>> -> memref<128xi32, #tpu.memory_space<vmem>>
        %dma_start3A_515 = arith.constant 0 : i32
        %dma_start3A_516 = arith.constant 0 : i32
        %dma_start3A_517 = tpu.memref_slice %arg2[%dma_start3A_515, %dma_start3A_516] : memref<10000x48xf32, #tpu.memory_space<hbm>> -> memref<10000x48xf32, #tpu.memory_space<hbm>>
        tpu.enqueue_indirect_dma source(%dma_start3A_517 : memref<10000x48xf32, #tpu.memory_space<hbm>>) target(%arg10 : memref<128x48xf32, #tpu.memory_space<vmem>>) offsets(%dma_start3A_514 : memref<128xi32, #tpu.memory_space<vmem>>) semaphore(%arg17 : memref<!tpu.dma_semaphore, #tpu.memory_space<semaphore_mem>>)
      } else {
      }
      %add3A_41 = arith.constant 6 : i32
      %add3A_42 = arith.addi %add3A_21, %add3A_41 : i32
      %sub3A = arith.constant 1 : i32
      %sub3A_43 = arith.subi %add3A_42, %sub3A : i32
      %jit3A_44 = arith.constant 6 : i32
      %div3A = arith.divsi %sub3A_43, %jit3A_44 : i32
      %sign3A = arith.constant 0 : i32
      %sign3A_45 = arith.cmpi sgt, %sub3A_43, %sign3A : i32
      %sign3A_46 = arith.extui %sign3A_45 : i1 to i32
      %sign3A_47 = arith.constant 0 : i32
      %sign3A_48 = arith.cmpi slt, %sub3A_43, %sign3A_47 : i32
      %sign3A_49 = arith.extui %sign3A_48 : i1 to i32
      %sign3A_50 = arith.subi %sign3A_46, %sign3A_49 : i32
      %sign3A_51 = arith.constant 0 : i32
      %sign3A_52 = arith.cmpi sgt, %jit3A_44, %sign3A_51 : i32
      %sign3A_53 = arith.extui %sign3A_52 : i1 to i32
      %sign3A_54 = arith.constant 0 : i32
      %sign3A_55 = arith.cmpi slt, %jit3A_44, %sign3A_54 : i32
      %sign3A_56 = arith.extui %sign3A_55 : i1 to i32
      %sign3A_57 = arith.subi %sign3A_53, %sign3A_56 : i32
      %ne3A = arith.cmpi ne, %sign3A_50, %sign3A_57 : i32
      %rem3A = arith.remsi %sub3A_43, %jit3A_44 : i32
      %ne3A_58 = arith.constant 0 : i32
      %ne3A_59 = arith.cmpi ne, %rem3A, %ne3A_58 : i32
      %and3A = arith.andi %ne3A, %ne3A_59 : i1
      %sub3A_60 = arith.constant 1 : i32
      %sub3A_61 = arith.subi %div3A, %sub3A_60 : i32
      %select_n3A_62 = arith.select %and3A, %sub3A_61, %div3A : i32
      %while3A = arith.constant 0 : i32
      %while3A_63 = arith.constant 0 : i32
      %while3A_64 = arith.subi %select_n3A_62, %while3A_63 : i32
      %while3A_65 = arith.addi %while3A_63, %while3A_64 : i32
      %while3A_66 = arith.constant 1 : i32
      %while3A_67 = arith.divsi %while3A_64, %while3A_66 : i32
      %while3A_68 = arith.muli %while3A_67, %while3A_66 : i32
      %while3A_69 = arith.addi %while3A_63, %while3A_68 : i32
      %while3A_70 = arith.constant 1 : i32
      scf.for %while3A_514 = %while3A_63 to %while3A_69 step %while3A_70  : i32 {
        %mul3A_515 = arith.constant 6 : i32
        %mul3A_516 = arith.muli %mul3A_515, %while3A_514 : i32
        %add3A_517 = arith.constant 0 : i32
        %add3A_518 = arith.addi %mul3A_516, %add3A_517 : i32
        %lt3A_519 = arith.cmpi slt, %add3A_518, %add3A_21 : i32
        %convert_element_type3A_520 = arith.extui %lt3A_519 : i1 to i32
        %cond3A_521 = arith.constant 0 : i32
        %cond3A_522 = arith.cmpi ne, %convert_element_type3A_520, %cond3A_521 : i32
        scf.if %cond3A_522 {
          %ge3A_563 = arith.constant 3 : i32
          %ge3A_564 = arith.cmpi sge, %add3A_518, %ge3A_563 : i32
          %convert_element_type3A_565 = arith.extui %ge3A_564 : i1 to i32
          %cond3A_566 = arith.constant 0 : i32
          %cond3A_567 = arith.cmpi ne, %convert_element_type3A_565, %cond3A_566 : i32
          scf.if %cond3A_567 {
            %dma_wait3A_584 = arith.constant 0 : i32
            %dma_wait3A_585 = arith.constant 0 : i32
            %dma_wait3A_586 = tpu.memref_slice %arg2[%dma_wait3A_584, %dma_wait3A_585] : memref<10000x48xf32, #tpu.memory_space<hbm>> -> memref<128x48xf32, #tpu.memory_space<hbm>>
            %dma_wait3A_587 = arith.constant 0 : i32
            %dma_wait3A_588 = arith.constant 0 : i32
            %dma_wait3A_589 = tpu.memref_slice %arg2[%dma_wait3A_587, %dma_wait3A_588] : memref<10000x48xf32, #tpu.memory_space<hbm>> -> memref<128x48xf32, #tpu.memory_space<hbm>>
            tpu.wait_dma2 semaphore(%arg24 : memref<!tpu.dma_semaphore, #tpu.memory_space<semaphore_mem>>) src(%dma_wait3A_589 : memref<128x48xf32, #tpu.memory_space<hbm>>) dst(%arg11 : memref<128x48xf32, #tpu.memory_space<vmem>>)
          } else {
          }
          %add3A_568 = arith.constant 3 : i32
          %add3A_569 = arith.addi %add3A_518, %add3A_568 : i32
          %lt3A_570 = arith.cmpi slt, %add3A_569, %add3A_21 : i32
          %convert_element_type3A_571 = arith.extui %lt3A_570 : i1 to i32
          %cond3A_572 = arith.constant 0 : i32
          %cond3A_573 = arith.cmpi ne, %convert_element_type3A_571, %cond3A_572 : i32
          scf.if %cond3A_573 {
            %add3A_584 = arith.constant 3 : i32
            %add3A_585 = arith.addi %add3A_518, %add3A_584 : i32
            %mul3A_586 = arith.constant 128 : i32
            %mul3A_587 = arith.muli %add3A_585, %mul3A_586 : i32
            %dma_start3A_588 = tpu.memref_slice %arg6[%mul3A_587] : memref<10112xi32, #tpu.memory_space<vmem>> -> memref<128xi32, #tpu.memory_space<vmem>>
            %dma_start3A_589 = arith.constant 0 : i32
            %dma_start3A_590 = arith.constant 0 : i32
            %dma_start3A_591 = tpu.memref_slice %arg2[%dma_start3A_589, %dma_start3A_590] : memref<10000x48xf32, #tpu.memory_space<hbm>> -> memref<10000x48xf32, #tpu.memory_space<hbm>>
            tpu.enqueue_indirect_dma source(%dma_start3A_591 : memref<10000x48xf32, #tpu.memory_space<hbm>>) target(%arg11 : memref<128x48xf32, #tpu.memory_space<vmem>>) offsets(%dma_start3A_588 : memref<128xi32, #tpu.memory_space<vmem>>) semaphore(%arg18 : memref<!tpu.dma_semaphore, #tpu.memory_space<semaphore_mem>>)
          } else {
          }
          %dma_wait3A = arith.constant 0 : i32
          %dma_wait3A_574 = arith.constant 0 : i32
          %dma_wait3A_575 = tpu.memref_slice %arg2[%dma_wait3A, %dma_wait3A_574] : memref<10000x48xf32, #tpu.memory_space<hbm>> -> memref<128x48xf32, #tpu.memory_space<hbm>>
          %dma_wait3A_576 = arith.constant 0 : i32
          %dma_wait3A_577 = arith.constant 0 : i32
          %dma_wait3A_578 = tpu.memref_slice %arg2[%dma_wait3A_576, %dma_wait3A_577] : memref<10000x48xf32, #tpu.memory_space<hbm>> -> memref<128x48xf32, #tpu.memory_space<hbm>>
          tpu.wait_dma2 semaphore(%arg15 : memref<!tpu.dma_semaphore, #tpu.memory_space<semaphore_mem>>) src(%dma_wait3A_578 : memref<128x48xf32, #tpu.memory_space<hbm>>) dst(%arg8 : memref<128x48xf32, #tpu.memory_space<vmem>>)
          %mul3A_579 = arith.constant 128 : i32
          %mul3A_580 = arith.muli %add3A_518, %mul3A_579 : i32
          %dma_start3A = tpu.memref_slice %arg7[%mul3A_580] : memref<10112xi32, #tpu.memory_space<vmem>> -> memref<128xi32, #tpu.memory_space<vmem>>
          %dma_start3A_581 = arith.constant 0 : i32
          %dma_start3A_582 = arith.constant 0 : i32
          %dma_start3A_583 = tpu.memref_slice %arg14[%dma_start3A_581, %dma_start3A_582] : memref<10112x48xf32, #tpu.memory_space<vmem_shared>> -> memref<10112x48xf32, #tpu.memory_space<vmem_shared>>
          tpu.enqueue_indirect_dma source(%arg8 : memref<128x48xf32, #tpu.memory_space<vmem>>) target(%dma_start3A_583 : memref<10112x48xf32, #tpu.memory_space<vmem_shared>>) offsets(%dma_start3A : memref<128xi32, #tpu.memory_space<vmem>>) semaphore(%arg21 : memref<!tpu.dma_semaphore, #tpu.memory_space<semaphore_mem>>) {add = true}
        } else {
        }
        %mul3A_523 = arith.constant 6 : i32
        %mul3A_524 = arith.muli %mul3A_523, %while3A_514 : i32
        %add3A_525 = arith.constant 1 : i32
        %add3A_526 = arith.addi %mul3A_524, %add3A_525 : i32
        %lt3A_527 = arith.cmpi slt, %add3A_526, %add3A_21 : i32
        %convert_element_type3A_528 = arith.extui %lt3A_527 : i1 to i32
        %cond3A_529 = arith.constant 0 : i32
        %cond3A_530 = arith.cmpi ne, %convert_element_type3A_528, %cond3A_529 : i32
        scf.if %cond3A_530 {
          %ge3A_563 = arith.constant 3 : i32
          %ge3A_564 = arith.cmpi sge, %add3A_526, %ge3A_563 : i32
          %convert_element_type3A_565 = arith.extui %ge3A_564 : i1 to i32
          %cond3A_566 = arith.constant 0 : i32
          %cond3A_567 = arith.cmpi ne, %convert_element_type3A_565, %cond3A_566 : i32
          scf.if %cond3A_567 {
            %dma_wait3A_584 = arith.constant 0 : i32
            %dma_wait3A_585 = arith.constant 0 : i32
            %dma_wait3A_586 = tpu.memref_slice %arg2[%dma_wait3A_584, %dma_wait3A_585] : memref<10000x48xf32, #tpu.memory_space<hbm>> -> memref<128x48xf32, #tpu.memory_space<hbm>>
            %dma_wait3A_587 = arith.constant 0 : i32
            %dma_wait3A_588 = arith.constant 0 : i32
            %dma_wait3A_589 = tpu.memref_slice %arg2[%dma_wait3A_587, %dma_wait3A_588] : memref<10000x48xf32, #tpu.memory_space<hbm>> -> memref<128x48xf32, #tpu.memory_space<hbm>>
            tpu.wait_dma2 semaphore(%arg25 : memref<!tpu.dma_semaphore, #tpu.memory_space<semaphore_mem>>) src(%dma_wait3A_589 : memref<128x48xf32, #tpu.memory_space<hbm>>) dst(%arg12 : memref<128x48xf32, #tpu.memory_space<vmem>>)
          } else {
          }
          %add3A_568 = arith.constant 3 : i32
          %add3A_569 = arith.addi %add3A_526, %add3A_568 : i32
          %lt3A_570 = arith.cmpi slt, %add3A_569, %add3A_21 : i32
          %convert_element_type3A_571 = arith.extui %lt3A_570 : i1 to i32
          %cond3A_572 = arith.constant 0 : i32
          %cond3A_573 = arith.cmpi ne, %convert_element_type3A_571, %cond3A_572 : i32
          scf.if %cond3A_573 {
            %add3A_584 = arith.constant 3 : i32
            %add3A_585 = arith.addi %add3A_526, %add3A_584 : i32
            %mul3A_586 = arith.constant 128 : i32
            %mul3A_587 = arith.muli %add3A_585, %mul3A_586 : i32
            %dma_start3A_588 = tpu.memref_slice %arg6[%mul3A_587] : memref<10112xi32, #tpu.memory_space<vmem>> -> memref<128xi32, #tpu.memory_space<vmem>>
            %dma_start3A_589 = arith.constant 0 : i32
            %dma_start3A_590 = arith.constant 0 : i32
            %dma_start3A_591 = tpu.memref_slice %arg2[%dma_start3A_589, %dma_start3A_590] : memref<10000x48xf32, #tpu.memory_space<hbm>> -> memref<10000x48xf32, #tpu.memory_space<hbm>>
            tpu.enqueue_indirect_dma source(%dma_start3A_591 : memref<10000x48xf32, #tpu.memory_space<hbm>>) target(%arg12 : memref<128x48xf32, #tpu.memory_space<vmem>>) offsets(%dma_start3A_588 : memref<128xi32, #tpu.memory_space<vmem>>) semaphore(%arg19 : memref<!tpu.dma_semaphore, #tpu.memory_space<semaphore_mem>>)
          } else {
          }
          %dma_wait3A = arith.constant 0 : i32
          %dma_wait3A_574 = arith.constant 0 : i32
          %dma_wait3A_575 = tpu.memref_slice %arg2[%dma_wait3A, %dma_wait3A_574] : memref<10000x48xf32, #tpu.memory_space<hbm>> -> memref<128x48xf32, #tpu.memory_space<hbm>>
          %dma_wait3A_576 = arith.constant 0 : i32
          %dma_wait3A_577 = arith.constant 0 : i32
          %dma_wait3A_578 = tpu.memref_slice %arg2[%dma_wait3A_576, %dma_wait3A_577] : memref<10000x48xf32, #tpu.memory_space<hbm>> -> memref<128x48xf32, #tpu.memory_space<hbm>>
          tpu.wait_dma2 semaphore(%arg16 : memref<!tpu.dma_semaphore, #tpu.memory_space<semaphore_mem>>) src(%dma_wait3A_578 : memref<128x48xf32, #tpu.memory_space<hbm>>) dst(%arg9 : memref<128x48xf32, #tpu.memory_space<vmem>>)
          %mul3A_579 = arith.constant 128 : i32
          %mul3A_580 = arith.muli %add3A_526, %mul3A_579 : i32
          %dma_start3A = tpu.memref_slice %arg7[%mul3A_580] : memref<10112xi32, #tpu.memory_space<vmem>> -> memref<128xi32, #tpu.memory_space<vmem>>
          %dma_start3A_581 = arith.constant 0 : i32
          %dma_start3A_582 = arith.constant 0 : i32
          %dma_start3A_583 = tpu.memref_slice %arg14[%dma_start3A_581, %dma_start3A_582] : memref<10112x48xf32, #tpu.memory_space<vmem_shared>> -> memref<10112x48xf32, #tpu.memory_space<vmem_shared>>
          tpu.enqueue_indirect_dma source(%arg9 : memref<128x48xf32, #tpu.memory_space<vmem>>) target(%dma_start3A_583 : memref<10112x48xf32, #tpu.memory_space<vmem_shared>>) offsets(%dma_start3A : memref<128xi32, #tpu.memory_space<vmem>>) semaphore(%arg22 : memref<!tpu.dma_semaphore, #tpu.memory_space<semaphore_mem>>) {add = true}
        } else {
        }
        %mul3A_531 = arith.constant 6 : i32
        %mul3A_532 = arith.muli %mul3A_531, %while3A_514 : i32
        %add3A_533 = arith.constant 2 : i32
        %add3A_534 = arith.addi %mul3A_532, %add3A_533 : i32
        %lt3A_535 = arith.cmpi slt, %add3A_534, %add3A_21 : i32
        %convert_element_type3A_536 = arith.extui %lt3A_535 : i1 to i32
        %cond3A_537 = arith.constant 0 : i32
        %cond3A_538 = arith.cmpi ne, %convert_element_type3A_536, %cond3A_537 : i32
        scf.if %cond3A_538 {
          %ge3A_563 = arith.constant 3 : i32
          %ge3A_564 = arith.cmpi sge, %add3A_534, %ge3A_563 : i32
          %convert_element_type3A_565 = arith.extui %ge3A_564 : i1 to i32
          %cond3A_566 = arith.constant 0 : i32
          %cond3A_567 = arith.cmpi ne, %convert_element_type3A_565, %cond3A_566 : i32
          scf.if %cond3A_567 {
            %dma_wait3A_584 = arith.constant 0 : i32
            %dma_wait3A_585 = arith.constant 0 : i32
            %dma_wait3A_586 = tpu.memref_slice %arg2[%dma_wait3A_584, %dma_wait3A_585] : memref<10000x48xf32, #tpu.memory_space<hbm>> -> memref<128x48xf32, #tpu.memory_space<hbm>>
            %dma_wait3A_587 = arith.constant 0 : i32
            %dma_wait3A_588 = arith.constant 0 : i32
            %dma_wait3A_589 = tpu.memref_slice %arg2[%dma_wait3A_587, %dma_wait3A_588] : memref<10000x48xf32, #tpu.memory_space<hbm>> -> memref<128x48xf32, #tpu.memory_space<hbm>>
            tpu.wait_dma2 semaphore(%arg26 : memref<!tpu.dma_semaphore, #tpu.memory_space<semaphore_mem>>) src(%dma_wait3A_589 : memref<128x48xf32, #tpu.memory_space<hbm>>) dst(%arg13 : memref<128x48xf32, #tpu.memory_space<vmem>>)
          } else {
          }
          %add3A_568 = arith.constant 3 : i32
          %add3A_569 = arith.addi %add3A_534, %add3A_568 : i32
          %lt3A_570 = arith.cmpi slt, %add3A_569, %add3A_21 : i32
          %convert_element_type3A_571 = arith.extui %lt3A_570 : i1 to i32
          %cond3A_572 = arith.constant 0 : i32
          %cond3A_573 = arith.cmpi ne, %convert_element_type3A_571, %cond3A_572 : i32
          scf.if %cond3A_573 {
            %add3A_584 = arith.constant 3 : i32
            %add3A_585 = arith.addi %add3A_534, %add3A_584 : i32
            %mul3A_586 = arith.constant 128 : i32
            %mul3A_587 = arith.muli %add3A_585, %mul3A_586 : i32
            %dma_start3A_588 = tpu.memref_slice %arg6[%mul3A_587] : memref<10112xi32, #tpu.memory_space<vmem>> -> memref<128xi32, #tpu.memory_space<vmem>>
            %dma_start3A_589 = arith.constant 0 : i32
            %dma_start3A_590 = arith.constant 0 : i32
            %dma_start3A_591 = tpu.memref_slice %arg2[%dma_start3A_589, %dma_start3A_590] : memref<10000x48xf32, #tpu.memory_space<hbm>> -> memref<10000x48xf32, #tpu.memory_space<hbm>>
            tpu.enqueue_indirect_dma source(%dma_start3A_591 : memref<10000x48xf32, #tpu.memory_space<hbm>>) target(%arg13 : memref<128x48xf32, #tpu.memory_space<vmem>>) offsets(%dma_start3A_588 : memref<128xi32, #tpu.memory_space<vmem>>) semaphore(%arg20 : memref<!tpu.dma_semaphore, #tpu.memory_space<semaphore_mem>>)
          } else {
          }
          %dma_wait3A = arith.constant 0 : i32
          %dma_wait3A_574 = arith.constant 0 : i32
          %dma_wait3A_575 = tpu.memref_slice %arg2[%dma_wait3A, %dma_wait3A_574] : memref<10000x48xf32, #tpu.memory_space<hbm>> -> memref<128x48xf32, #tpu.memory_space<hbm>>
          %dma_wait3A_576 = arith.constant 0 : i32
          %dma_wait3A_577 = arith.constant 0 : i32
          %dma_wait3A_578 = tpu.memref_slice %arg2[%dma_wait3A_576, %dma_wait3A_577] : memref<10000x48xf32, #tpu.memory_space<hbm>> -> memref<128x48xf32, #tpu.memory_space<hbm>>
          tpu.wait_dma2 semaphore(%arg17 : memref<!tpu.dma_semaphore, #tpu.memory_space<semaphore_mem>>) src(%dma_wait3A_578 : memref<128x48xf32, #tpu.memory_space<hbm>>) dst(%arg10 : memref<128x48xf32, #tpu.memory_space<vmem>>)
          %mul3A_579 = arith.constant 128 : i32
          %mul3A_580 = arith.muli %add3A_534, %mul3A_579 : i32
          %dma_start3A = tpu.memref_slice %arg7[%mul3A_580] : memref<10112xi32, #tpu.memory_space<vmem>> -> memref<128xi32, #tpu.memory_space<vmem>>
          %dma_start3A_581 = arith.constant 0 : i32
          %dma_start3A_582 = arith.constant 0 : i32
          %dma_start3A_583 = tpu.memref_slice %arg14[%dma_start3A_581, %dma_start3A_582] : memref<10112x48xf32, #tpu.memory_space<vmem_shared>> -> memref<10112x48xf32, #tpu.memory_space<vmem_shared>>
          tpu.enqueue_indirect_dma source(%arg10 : memref<128x48xf32, #tpu.memory_space<vmem>>) target(%dma_start3A_583 : memref<10112x48xf32, #tpu.memory_space<vmem_shared>>) offsets(%dma_start3A : memref<128xi32, #tpu.memory_space<vmem>>) semaphore(%arg23 : memref<!tpu.dma_semaphore, #tpu.memory_space<semaphore_mem>>) {add = true}
        } else {
        }
        %mul3A_539 = arith.constant 6 : i32
        %mul3A_540 = arith.muli %mul3A_539, %while3A_514 : i32
        %add3A_541 = arith.constant 3 : i32
        %add3A_542 = arith.addi %mul3A_540, %add3A_541 : i32
        %lt3A_543 = arith.cmpi slt, %add3A_542, %add3A_21 : i32
        %convert_element_type3A_544 = arith.extui %lt3A_543 : i1 to i32
        %cond3A_545 = arith.constant 0 : i32
        %cond3A_546 = arith.cmpi ne, %convert_element_type3A_544, %cond3A_545 : i32
        scf.if %cond3A_546 {
          %ge3A_563 = arith.constant 3 : i32
          %ge3A_564 = arith.cmpi sge, %add3A_542, %ge3A_563 : i32
          %convert_element_type3A_565 = arith.extui %ge3A_564 : i1 to i32
          %cond3A_566 = arith.constant 0 : i32
          %cond3A_567 = arith.cmpi ne, %convert_element_type3A_565, %cond3A_566 : i32
          scf.if %cond3A_567 {
            %dma_wait3A_584 = arith.constant 0 : i32
            %dma_wait3A_585 = arith.constant 0 : i32
            %dma_wait3A_586 = tpu.memref_slice %arg2[%dma_wait3A_584, %dma_wait3A_585] : memref<10000x48xf32, #tpu.memory_space<hbm>> -> memref<128x48xf32, #tpu.memory_space<hbm>>
            %dma_wait3A_587 = arith.constant 0 : i32
            %dma_wait3A_588 = arith.constant 0 : i32
            %dma_wait3A_589 = tpu.memref_slice %arg2[%dma_wait3A_587, %dma_wait3A_588] : memref<10000x48xf32, #tpu.memory_space<hbm>> -> memref<128x48xf32, #tpu.memory_space<hbm>>
            tpu.wait_dma2 semaphore(%arg21 : memref<!tpu.dma_semaphore, #tpu.memory_space<semaphore_mem>>) src(%dma_wait3A_589 : memref<128x48xf32, #tpu.memory_space<hbm>>) dst(%arg8 : memref<128x48xf32, #tpu.memory_space<vmem>>)
          } else {
          }
          %add3A_568 = arith.constant 3 : i32
          %add3A_569 = arith.addi %add3A_542, %add3A_568 : i32
          %lt3A_570 = arith.cmpi slt, %add3A_569, %add3A_21 : i32
          %convert_element_type3A_571 = arith.extui %lt3A_570 : i1 to i32
          %cond3A_572 = arith.constant 0 : i32
          %cond3A_573 = arith.cmpi ne, %convert_element_type3A_571, %cond3A_572 : i32
          scf.if %cond3A_573 {
            %add3A_584 = arith.constant 3 : i32
            %add3A_585 = arith.addi %add3A_542, %add3A_584 : i32
            %mul3A_586 = arith.constant 128 : i32
            %mul3A_587 = arith.muli %add3A_585, %mul3A_586 : i32
            %dma_start3A_588 = tpu.memref_slice %arg6[%mul3A_587] : memref<10112xi32, #tpu.memory_space<vmem>> -> memref<128xi32, #tpu.memory_space<vmem>>
            %dma_start3A_589 = arith.constant 0 : i32
            %dma_start3A_590 = arith.constant 0 : i32
            %dma_start3A_591 = tpu.memref_slice %arg2[%dma_start3A_589, %dma_start3A_590] : memref<10000x48xf32, #tpu.memory_space<hbm>> -> memref<10000x48xf32, #tpu.memory_space<hbm>>
            tpu.enqueue_indirect_dma source(%dma_start3A_591 : memref<10000x48xf32, #tpu.memory_space<hbm>>) target(%arg8 : memref<128x48xf32, #tpu.memory_space<vmem>>) offsets(%dma_start3A_588 : memref<128xi32, #tpu.memory_space<vmem>>) semaphore(%arg15 : memref<!tpu.dma_semaphore, #tpu.memory_space<semaphore_mem>>)
          } else {
          }
          %dma_wait3A = arith.constant 0 : i32
          %dma_wait3A_574 = arith.constant 0 : i32
          %dma_wait3A_575 = tpu.memref_slice %arg2[%dma_wait3A, %dma_wait3A_574] : memref<10000x48xf32, #tpu.memory_space<hbm>> -> memref<128x48xf32, #tpu.memory_space<hbm>>
          %dma_wait3A_576 = arith.constant 0 : i32
          %dma_wait3A_577 = arith.constant 0 : i32
          %dma_wait3A_578 = tpu.memref_slice %arg2[%dma_wait3A_576, %dma_wait3A_577] : memref<10000x48xf32, #tpu.memory_space<hbm>> -> memref<128x48xf32, #tpu.memory_space<hbm>>
          tpu.wait_dma2 semaphore(%arg18 : memref<!tpu.dma_semaphore, #tpu.memory_space<semaphore_mem>>) src(%dma_wait3A_578 : memref<128x48xf32, #tpu.memory_space<hbm>>) dst(%arg11 : memref<128x48xf32, #tpu.memory_space<vmem>>)
          %mul3A_579 = arith.constant 128 : i32
          %mul3A_580 = arith.muli %add3A_542, %mul3A_579 : i32
          %dma_start3A = tpu.memref_slice %arg7[%mul3A_580] : memref<10112xi32, #tpu.memory_space<vmem>> -> memref<128xi32, #tpu.memory_space<vmem>>
          %dma_start3A_581 = arith.constant 0 : i32
          %dma_start3A_582 = arith.constant 0 : i32
          %dma_start3A_583 = tpu.memref_slice %arg14[%dma_start3A_581, %dma_start3A_582] : memref<10112x48xf32, #tpu.memory_space<vmem_shared>> -> memref<10112x48xf32, #tpu.memory_space<vmem_shared>>
          tpu.enqueue_indirect_dma source(%arg11 : memref<128x48xf32, #tpu.memory_space<vmem>>) target(%dma_start3A_583 : memref<10112x48xf32, #tpu.memory_space<vmem_shared>>) offsets(%dma_start3A : memref<128xi32, #tpu.memory_space<vmem>>) semaphore(%arg24 : memref<!tpu.dma_semaphore, #tpu.memory_space<semaphore_mem>>) {add = true}
        } else {
        }
        %mul3A_547 = arith.constant 6 : i32
        %mul3A_548 = arith.muli %mul3A_547, %while3A_514 : i32
        %add3A_549 = arith.constant 4 : i32
        %add3A_550 = arith.addi %mul3A_548, %add3A_549 : i32
        %lt3A_551 = arith.cmpi slt, %add3A_550, %add3A_21 : i32
        %convert_element_type3A_552 = arith.extui %lt3A_551 : i1 to i32
        %cond3A_553 = arith.constant 0 : i32
        %cond3A_554 = arith.cmpi ne, %convert_element_type3A_552, %cond3A_553 : i32
        scf.if %cond3A_554 {
          %ge3A_563 = arith.constant 3 : i32
          %ge3A_564 = arith.cmpi sge, %add3A_550, %ge3A_563 : i32
          %convert_element_type3A_565 = arith.extui %ge3A_564 : i1 to i32
          %cond3A_566 = arith.constant 0 : i32
          %cond3A_567 = arith.cmpi ne, %convert_element_type3A_565, %cond3A_566 : i32
          scf.if %cond3A_567 {
            %dma_wait3A_584 = arith.constant 0 : i32
            %dma_wait3A_585 = arith.constant 0 : i32
            %dma_wait3A_586 = tpu.memref_slice %arg2[%dma_wait3A_584, %dma_wait3A_585] : memref<10000x48xf32, #tpu.memory_space<hbm>> -> memref<128x48xf32, #tpu.memory_space<hbm>>
            %dma_wait3A_587 = arith.constant 0 : i32
            %dma_wait3A_588 = arith.constant 0 : i32
            %dma_wait3A_589 = tpu.memref_slice %arg2[%dma_wait3A_587, %dma_wait3A_588] : memref<10000x48xf32, #tpu.memory_space<hbm>> -> memref<128x48xf32, #tpu.memory_space<hbm>>
            tpu.wait_dma2 semaphore(%arg22 : memref<!tpu.dma_semaphore, #tpu.memory_space<semaphore_mem>>) src(%dma_wait3A_589 : memref<128x48xf32, #tpu.memory_space<hbm>>) dst(%arg9 : memref<128x48xf32, #tpu.memory_space<vmem>>)
          } else {
          }
          %add3A_568 = arith.constant 3 : i32
          %add3A_569 = arith.addi %add3A_550, %add3A_568 : i32
          %lt3A_570 = arith.cmpi slt, %add3A_569, %add3A_21 : i32
          %convert_element_type3A_571 = arith.extui %lt3A_570 : i1 to i32
          %cond3A_572 = arith.constant 0 : i32
          %cond3A_573 = arith.cmpi ne, %convert_element_type3A_571, %cond3A_572 : i32
          scf.if %cond3A_573 {
            %add3A_584 = arith.constant 3 : i32
            %add3A_585 = arith.addi %add3A_550, %add3A_584 : i32
            %mul3A_586 = arith.constant 128 : i32
            %mul3A_587 = arith.muli %add3A_585, %mul3A_586 : i32
            %dma_start3A_588 = tpu.memref_slice %arg6[%mul3A_587] : memref<10112xi32, #tpu.memory_space<vmem>> -> memref<128xi32, #tpu.memory_space<vmem>>
            %dma_start3A_589 = arith.constant 0 : i32
            %dma_start3A_590 = arith.constant 0 : i32
            %dma_start3A_591 = tpu.memref_slice %arg2[%dma_start3A_589, %dma_start3A_590] : memref<10000x48xf32, #tpu.memory_space<hbm>> -> memref<10000x48xf32, #tpu.memory_space<hbm>>
            tpu.enqueue_indirect_dma source(%dma_start3A_591 : memref<10000x48xf32, #tpu.memory_space<hbm>>) target(%arg9 : memref<128x48xf32, #tpu.memory_space<vmem>>) offsets(%dma_start3A_588 : memref<128xi32, #tpu.memory_space<vmem>>) semaphore(%arg16 : memref<!tpu.dma_semaphore, #tpu.memory_space<semaphore_mem>>)
          } else {
          }
          %dma_wait3A = arith.constant 0 : i32
          %dma_wait3A_574 = arith.constant 0 : i32
          %dma_wait3A_575 = tpu.memref_slice %arg2[%dma_wait3A, %dma_wait3A_574] : memref<10000x48xf32, #tpu.memory_space<hbm>> -> memref<128x48xf32, #tpu.memory_space<hbm>>
          %dma_wait3A_576 = arith.constant 0 : i32
          %dma_wait3A_577 = arith.constant 0 : i32
          %dma_wait3A_578 = tpu.memref_slice %arg2[%dma_wait3A_576, %dma_wait3A_577] : memref<10000x48xf32, #tpu.memory_space<hbm>> -> memref<128x48xf32, #tpu.memory_space<hbm>>
          tpu.wait_dma2 semaphore(%arg19 : memref<!tpu.dma_semaphore, #tpu.memory_space<semaphore_mem>>) src(%dma_wait3A_578 : memref<128x48xf32, #tpu.memory_space<hbm>>) dst(%arg12 : memref<128x48xf32, #tpu.memory_space<vmem>>)
          %mul3A_579 = arith.constant 128 : i32
          %mul3A_580 = arith.muli %add3A_550, %mul3A_579 : i32
          %dma_start3A = tpu.memref_slice %arg7[%mul3A_580] : memref<10112xi32, #tpu.memory_space<vmem>> -> memref<128xi32, #tpu.memory_space<vmem>>
          %dma_start3A_581 = arith.constant 0 : i32
          %dma_start3A_582 = arith.constant 0 : i32
          %dma_start3A_583 = tpu.memref_slice %arg14[%dma_start3A_581, %dma_start3A_582] : memref<10112x48xf32, #tpu.memory_space<vmem_shared>> -> memref<10112x48xf32, #tpu.memory_space<vmem_shared>>
          tpu.enqueue_indirect_dma source(%arg12 : memref<128x48xf32, #tpu.memory_space<vmem>>) target(%dma_start3A_583 : memref<10112x48xf32, #tpu.memory_space<vmem_shared>>) offsets(%dma_start3A : memref<128xi32, #tpu.memory_space<vmem>>) semaphore(%arg25 : memref<!tpu.dma_semaphore, #tpu.memory_space<semaphore_mem>>) {add = true}
        } else {
        }
        %mul3A_555 = arith.constant 6 : i32
        %mul3A_556 = arith.muli %mul3A_555, %while3A_514 : i32
        %add3A_557 = arith.constant 5 : i32
        %add3A_558 = arith.addi %mul3A_556, %add3A_557 : i32
        %lt3A_559 = arith.cmpi slt, %add3A_558, %add3A_21 : i32
        %convert_element_type3A_560 = arith.extui %lt3A_559 : i1 to i32
        %cond3A_561 = arith.constant 0 : i32
        %cond3A_562 = arith.cmpi ne, %convert_element_type3A_560, %cond3A_561 : i32
        scf.if %cond3A_562 {
          %ge3A_563 = arith.constant 3 : i32
          %ge3A_564 = arith.cmpi sge, %add3A_558, %ge3A_563 : i32
          %convert_element_type3A_565 = arith.extui %ge3A_564 : i1 to i32
          %cond3A_566 = arith.constant 0 : i32
          %cond3A_567 = arith.cmpi ne, %convert_element_type3A_565, %cond3A_566 : i32
          scf.if %cond3A_567 {
            %dma_wait3A_584 = arith.constant 0 : i32
            %dma_wait3A_585 = arith.constant 0 : i32
            %dma_wait3A_586 = tpu.memref_slice %arg2[%dma_wait3A_584, %dma_wait3A_585] : memref<10000x48xf32, #tpu.memory_space<hbm>> -> memref<128x48xf32, #tpu.memory_space<hbm>>
            %dma_wait3A_587 = arith.constant 0 : i32
            %dma_wait3A_588 = arith.constant 0 : i32
            %dma_wait3A_589 = tpu.memref_slice %arg2[%dma_wait3A_587, %dma_wait3A_588] : memref<10000x48xf32, #tpu.memory_space<hbm>> -> memref<128x48xf32, #tpu.memory_space<hbm>>
            tpu.wait_dma2 semaphore(%arg23 : memref<!tpu.dma_semaphore, #tpu.memory_space<semaphore_mem>>) src(%dma_wait3A_589 : memref<128x48xf32, #tpu.memory_space<hbm>>) dst(%arg10 : memref<128x48xf32, #tpu.memory_space<vmem>>)
          } else {
          }
          %add3A_568 = arith.constant 3 : i32
          %add3A_569 = arith.addi %add3A_558, %add3A_568 : i32
          %lt3A_570 = arith.cmpi slt, %add3A_569, %add3A_21 : i32
          %convert_element_type3A_571 = arith.extui %lt3A_570 : i1 to i32
          %cond3A_572 = arith.constant 0 : i32
          %cond3A_573 = arith.cmpi ne, %convert_element_type3A_571, %cond3A_572 : i32
          scf.if %cond3A_573 {
            %add3A_584 = arith.constant 3 : i32
            %add3A_585 = arith.addi %add3A_558, %add3A_584 : i32
            %mul3A_586 = arith.constant 128 : i32
            %mul3A_587 = arith.muli %add3A_585, %mul3A_586 : i32
            %dma_start3A_588 = tpu.memref_slice %arg6[%mul3A_587] : memref<10112xi32, #tpu.memory_space<vmem>> -> memref<128xi32, #tpu.memory_space<vmem>>
            %dma_start3A_589 = arith.constant 0 : i32
            %dma_start3A_590 = arith.constant 0 : i32
            %dma_start3A_591 = tpu.memref_slice %arg2[%dma_start3A_589, %dma_start3A_590] : memref<10000x48xf32, #tpu.memory_space<hbm>> -> memref<10000x48xf32, #tpu.memory_space<hbm>>
            tpu.enqueue_indirect_dma source(%dma_start3A_591 : memref<10000x48xf32, #tpu.memory_space<hbm>>) target(%arg10 : memref<128x48xf32, #tpu.memory_space<vmem>>) offsets(%dma_start3A_588 : memref<128xi32, #tpu.memory_space<vmem>>) semaphore(%arg17 : memref<!tpu.dma_semaphore, #tpu.memory_space<semaphore_mem>>)
          } else {
          }
          %dma_wait3A = arith.constant 0 : i32
          %dma_wait3A_574 = arith.constant 0 : i32
          %dma_wait3A_575 = tpu.memref_slice %arg2[%dma_wait3A, %dma_wait3A_574] : memref<10000x48xf32, #tpu.memory_space<hbm>> -> memref<128x48xf32, #tpu.memory_space<hbm>>
          %dma_wait3A_576 = arith.constant 0 : i32
          %dma_wait3A_577 = arith.constant 0 : i32
          %dma_wait3A_578 = tpu.memref_slice %arg2[%dma_wait3A_576, %dma_wait3A_577] : memref<10000x48xf32, #tpu.memory_space<hbm>> -> memref<128x48xf32, #tpu.memory_space<hbm>>
          tpu.wait_dma2 semaphore(%arg20 : memref<!tpu.dma_semaphore, #tpu.memory_space<semaphore_mem>>) src(%dma_wait3A_578 : memref<128x48xf32, #tpu.memory_space<hbm>>) dst(%arg13 : memref<128x48xf32, #tpu.memory_space<vmem>>)
          %mul3A_579 = arith.constant 128 : i32
          %mul3A_580 = arith.muli %add3A_558, %mul3A_579 : i32
          %dma_start3A = tpu.memref_slice %arg7[%mul3A_580] : memref<10112xi32, #tpu.memory_space<vmem>> -> memref<128xi32, #tpu.memory_space<vmem>>
          %dma_start3A_581 = arith.constant 0 : i32
          %dma_start3A_582 = arith.constant 0 : i32
          %dma_start3A_583 = tpu.memref_slice %arg14[%dma_start3A_581, %dma_start3A_582] : memref<10112x48xf32, #tpu.memory_space<vmem_shared>> -> memref<10112x48xf32, #tpu.memory_space<vmem_shared>>
          tpu.enqueue_indirect_dma source(%arg13 : memref<128x48xf32, #tpu.memory_space<vmem>>) target(%dma_start3A_583 : memref<10112x48xf32, #tpu.memory_space<vmem_shared>>) offsets(%dma_start3A : memref<128xi32, #tpu.memory_space<vmem>>) semaphore(%arg26 : memref<!tpu.dma_semaphore, #tpu.memory_space<semaphore_mem>>) {add = true}
        } else {
        }
      }
      %while3A_71 = arith.constant 1 : i32
      scf.for %while3A_514 = %while3A_69 to %while3A_65 step %while3A_71  : i32 {
        %mul3A_515 = arith.constant 6 : i32
        %mul3A_516 = arith.muli %mul3A_515, %while3A_514 : i32
        %add3A_517 = arith.constant 0 : i32
        %add3A_518 = arith.addi %mul3A_516, %add3A_517 : i32
        %lt3A_519 = arith.cmpi slt, %add3A_518, %add3A_21 : i32
        %convert_element_type3A_520 = arith.extui %lt3A_519 : i1 to i32
        %cond3A_521 = arith.constant 0 : i32
        %cond3A_522 = arith.cmpi ne, %convert_element_type3A_520, %cond3A_521 : i32
        scf.if %cond3A_522 {
          %ge3A_563 = arith.constant 3 : i32
          %ge3A_564 = arith.cmpi sge, %add3A_518, %ge3A_563 : i32
          %convert_element_type3A_565 = arith.extui %ge3A_564 : i1 to i32
          %cond3A_566 = arith.constant 0 : i32
          %cond3A_567 = arith.cmpi ne, %convert_element_type3A_565, %cond3A_566 : i32
          scf.if %cond3A_567 {
            %dma_wait3A_584 = arith.constant 0 : i32
            %dma_wait3A_585 = arith.constant 0 : i32
            %dma_wait3A_586 = tpu.memref_slice %arg2[%dma_wait3A_584, %dma_wait3A_585] : memref<10000x48xf32, #tpu.memory_space<hbm>> -> memref<128x48xf32, #tpu.memory_space<hbm>>
            %dma_wait3A_587 = arith.constant 0 : i32
            %dma_wait3A_588 = arith.constant 0 : i32
            %dma_wait3A_589 = tpu.memref_slice %arg2[%dma_wait3A_587, %dma_wait3A_588] : memref<10000x48xf32, #tpu.memory_space<hbm>> -> memref<128x48xf32, #tpu.memory_space<hbm>>
            tpu.wait_dma2 semaphore(%arg24 : memref<!tpu.dma_semaphore, #tpu.memory_space<semaphore_mem>>) src(%dma_wait3A_589 : memref<128x48xf32, #tpu.memory_space<hbm>>) dst(%arg11 : memref<128x48xf32, #tpu.memory_space<vmem>>)
          } else {
          }
          %add3A_568 = arith.constant 3 : i32
          %add3A_569 = arith.addi %add3A_518, %add3A_568 : i32
          %lt3A_570 = arith.cmpi slt, %add3A_569, %add3A_21 : i32
          %convert_element_type3A_571 = arith.extui %lt3A_570 : i1 to i32
          %cond3A_572 = arith.constant 0 : i32
          %cond3A_573 = arith.cmpi ne, %convert_element_type3A_571, %cond3A_572 : i32
          scf.if %cond3A_573 {
            %add3A_584 = arith.constant 3 : i32
            %add3A_585 = arith.addi %add3A_518, %add3A_584 : i32
            %mul3A_586 = arith.constant 128 : i32
            %mul3A_587 = arith.muli %add3A_585, %mul3A_586 : i32
            %dma_start3A_588 = tpu.memref_slice %arg6[%mul3A_587] : memref<10112xi32, #tpu.memory_space<vmem>> -> memref<128xi32, #tpu.memory_space<vmem>>
            %dma_start3A_589 = arith.constant 0 : i32
            %dma_start3A_590 = arith.constant 0 : i32
            %dma_start3A_591 = tpu.memref_slice %arg2[%dma_start3A_589, %dma_start3A_590] : memref<10000x48xf32, #tpu.memory_space<hbm>> -> memref<10000x48xf32, #tpu.memory_space<hbm>>
            tpu.enqueue_indirect_dma source(%dma_start3A_591 : memref<10000x48xf32, #tpu.memory_space<hbm>>) target(%arg11 : memref<128x48xf32, #tpu.memory_space<vmem>>) offsets(%dma_start3A_588 : memref<128xi32, #tpu.memory_space<vmem>>) semaphore(%arg18 : memref<!tpu.dma_semaphore, #tpu.memory_space<semaphore_mem>>)
          } else {
          }
          %dma_wait3A = arith.constant 0 : i32
          %dma_wait3A_574 = arith.constant 0 : i32
          %dma_wait3A_575 = tpu.memref_slice %arg2[%dma_wait3A, %dma_wait3A_574] : memref<10000x48xf32, #tpu.memory_space<hbm>> -> memref<128x48xf32, #tpu.memory_space<hbm>>
          %dma_wait3A_576 = arith.constant 0 : i32
          %dma_wait3A_577 = arith.constant 0 : i32
          %dma_wait3A_578 = tpu.memref_slice %arg2[%dma_wait3A_576, %dma_wait3A_577] : memref<10000x48xf32, #tpu.memory_space<hbm>> -> memref<128x48xf32, #tpu.memory_space<hbm>>
          tpu.wait_dma2 semaphore(%arg15 : memref<!tpu.dma_semaphore, #tpu.memory_space<semaphore_mem>>) src(%dma_wait3A_578 : memref<128x48xf32, #tpu.memory_space<hbm>>) dst(%arg8 : memref<128x48xf32, #tpu.memory_space<vmem>>)
          %mul3A_579 = arith.constant 128 : i32
          %mul3A_580 = arith.muli %add3A_518, %mul3A_579 : i32
          %dma_start3A = tpu.memref_slice %arg7[%mul3A_580] : memref<10112xi32, #tpu.memory_space<vmem>> -> memref<128xi32, #tpu.memory_space<vmem>>
          %dma_start3A_581 = arith.constant 0 : i32
          %dma_start3A_582 = arith.constant 0 : i32
          %dma_start3A_583 = tpu.memref_slice %arg14[%dma_start3A_581, %dma_start3A_582] : memref<10112x48xf32, #tpu.memory_space<vmem_shared>> -> memref<10112x48xf32, #tpu.memory_space<vmem_shared>>
          tpu.enqueue_indirect_dma source(%arg8 : memref<128x48xf32, #tpu.memory_space<vmem>>) target(%dma_start3A_583 : memref<10112x48xf32, #tpu.memory_space<vmem_shared>>) offsets(%dma_start3A : memref<128xi32, #tpu.memory_space<vmem>>) semaphore(%arg21 : memref<!tpu.dma_semaphore, #tpu.memory_space<semaphore_mem>>) {add = true}
        } else {
        }
        %mul3A_523 = arith.constant 6 : i32
        %mul3A_524 = arith.muli %mul3A_523, %while3A_514 : i32
        %add3A_525 = arith.constant 1 : i32
        %add3A_526 = arith.addi %mul3A_524, %add3A_525 : i32
        %lt3A_527 = arith.cmpi slt, %add3A_526, %add3A_21 : i32
        %convert_element_type3A_528 = arith.extui %lt3A_527 : i1 to i32
        %cond3A_529 = arith.constant 0 : i32
        %cond3A_530 = arith.cmpi ne, %convert_element_type3A_528, %cond3A_529 : i32
        scf.if %cond3A_530 {
          %ge3A_563 = arith.constant 3 : i32
          %ge3A_564 = arith.cmpi sge, %add3A_526, %ge3A_563 : i32
          %convert_element_type3A_565 = arith.extui %ge3A_564 : i1 to i32
          %cond3A_566 = arith.constant 0 : i32
          %cond3A_567 = arith.cmpi ne, %convert_element_type3A_565, %cond3A_566 : i32
          scf.if %cond3A_567 {
            %dma_wait3A_584 = arith.constant 0 : i32
            %dma_wait3A_585 = arith.constant 0 : i32
            %dma_wait3A_586 = tpu.memref_slice %arg2[%dma_wait3A_584, %dma_wait3A_585] : memref<10000x48xf32, #tpu.memory_space<hbm>> -> memref<128x48xf32, #tpu.memory_space<hbm>>
            %dma_wait3A_587 = arith.constant 0 : i32
            %dma_wait3A_588 = arith.constant 0 : i32
            %dma_wait3A_589 = tpu.memref_slice %arg2[%dma_wait3A_587, %dma_wait3A_588] : memref<10000x48xf32, #tpu.memory_space<hbm>> -> memref<128x48xf32, #tpu.memory_space<hbm>>
            tpu.wait_dma2 semaphore(%arg25 : memref<!tpu.dma_semaphore, #tpu.memory_space<semaphore_mem>>) src(%dma_wait3A_589 : memref<128x48xf32, #tpu.memory_space<hbm>>) dst(%arg12 : memref<128x48xf32, #tpu.memory_space<vmem>>)
          } else {
          }
          %add3A_568 = arith.constant 3 : i32
          %add3A_569 = arith.addi %add3A_526, %add3A_568 : i32
          %lt3A_570 = arith.cmpi slt, %add3A_569, %add3A_21 : i32
          %convert_element_type3A_571 = arith.extui %lt3A_570 : i1 to i32
          %cond3A_572 = arith.constant 0 : i32
          %cond3A_573 = arith.cmpi ne, %convert_element_type3A_571, %cond3A_572 : i32
          scf.if %cond3A_573 {
            %add3A_584 = arith.constant 3 : i32
            %add3A_585 = arith.addi %add3A_526, %add3A_584 : i32
            %mul3A_586 = arith.constant 128 : i32
            %mul3A_587 = arith.muli %add3A_585, %mul3A_586 : i32
            %dma_start3A_588 = tpu.memref_slice %arg6[%mul3A_587] : memref<10112xi32, #tpu.memory_space<vmem>> -> memref<128xi32, #tpu.memory_space<vmem>>
            %dma_start3A_589 = arith.constant 0 : i32
            %dma_start3A_590 = arith.constant 0 : i32
            %dma_start3A_591 = tpu.memref_slice %arg2[%dma_start3A_589, %dma_start3A_590] : memref<10000x48xf32, #tpu.memory_space<hbm>> -> memref<10000x48xf32, #tpu.memory_space<hbm>>
            tpu.enqueue_indirect_dma source(%dma_start3A_591 : memref<10000x48xf32, #tpu.memory_space<hbm>>) target(%arg12 : memref<128x48xf32, #tpu.memory_space<vmem>>) offsets(%dma_start3A_588 : memref<128xi32, #tpu.memory_space<vmem>>) semaphore(%arg19 : memref<!tpu.dma_semaphore, #tpu.memory_space<semaphore_mem>>)
          } else {
          }
          %dma_wait3A = arith.constant 0 : i32
          %dma_wait3A_574 = arith.constant 0 : i32
          %dma_wait3A_575 = tpu.memref_slice %arg2[%dma_wait3A, %dma_wait3A_574] : memref<10000x48xf32, #tpu.memory_space<hbm>> -> memref<128x48xf32, #tpu.memory_space<hbm>>
          %dma_wait3A_576 = arith.constant 0 : i32
          %dma_wait3A_577 = arith.constant 0 : i32
          %dma_wait3A_578 = tpu.memref_slice %arg2[%dma_wait3A_576, %dma_wait3A_577] : memref<10000x48xf32, #tpu.memory_space<hbm>> -> memref<128x48xf32, #tpu.memory_space<hbm>>
          tpu.wait_dma2 semaphore(%arg16 : memref<!tpu.dma_semaphore, #tpu.memory_space<semaphore_mem>>) src(%dma_wait3A_578 : memref<128x48xf32, #tpu.memory_space<hbm>>) dst(%arg9 : memref<128x48xf32, #tpu.memory_space<vmem>>)
          %mul3A_579 = arith.constant 128 : i32
          %mul3A_580 = arith.muli %add3A_526, %mul3A_579 : i32
          %dma_start3A = tpu.memref_slice %arg7[%mul3A_580] : memref<10112xi32, #tpu.memory_space<vmem>> -> memref<128xi32, #tpu.memory_space<vmem>>
          %dma_start3A_581 = arith.constant 0 : i32
          %dma_start3A_582 = arith.constant 0 : i32
          %dma_start3A_583 = tpu.memref_slice %arg14[%dma_start3A_581, %dma_start3A_582] : memref<10112x48xf32, #tpu.memory_space<vmem_shared>> -> memref<10112x48xf32, #tpu.memory_space<vmem_shared>>
          tpu.enqueue_indirect_dma source(%arg9 : memref<128x48xf32, #tpu.memory_space<vmem>>) target(%dma_start3A_583 : memref<10112x48xf32, #tpu.memory_space<vmem_shared>>) offsets(%dma_start3A : memref<128xi32, #tpu.memory_space<vmem>>) semaphore(%arg22 : memref<!tpu.dma_semaphore, #tpu.memory_space<semaphore_mem>>) {add = true}
        } else {
        }
        %mul3A_531 = arith.constant 6 : i32
        %mul3A_532 = arith.muli %mul3A_531, %while3A_514 : i32
        %add3A_533 = arith.constant 2 : i32
        %add3A_534 = arith.addi %mul3A_532, %add3A_533 : i32
        %lt3A_535 = arith.cmpi slt, %add3A_534, %add3A_21 : i32
        %convert_element_type3A_536 = arith.extui %lt3A_535 : i1 to i32
        %cond3A_537 = arith.constant 0 : i32
        %cond3A_538 = arith.cmpi ne, %convert_element_type3A_536, %cond3A_537 : i32
        scf.if %cond3A_538 {
          %ge3A_563 = arith.constant 3 : i32
          %ge3A_564 = arith.cmpi sge, %add3A_534, %ge3A_563 : i32
          %convert_element_type3A_565 = arith.extui %ge3A_564 : i1 to i32
          %cond3A_566 = arith.constant 0 : i32
          %cond3A_567 = arith.cmpi ne, %convert_element_type3A_565, %cond3A_566 : i32
          scf.if %cond3A_567 {
            %dma_wait3A_584 = arith.constant 0 : i32
            %dma_wait3A_585 = arith.constant 0 : i32
            %dma_wait3A_586 = tpu.memref_slice %arg2[%dma_wait3A_584, %dma_wait3A_585] : memref<10000x48xf32, #tpu.memory_space<hbm>> -> memref<128x48xf32, #tpu.memory_space<hbm>>
            %dma_wait3A_587 = arith.constant 0 : i32
            %dma_wait3A_588 = arith.constant 0 : i32
            %dma_wait3A_589 = tpu.memref_slice %arg2[%dma_wait3A_587, %dma_wait3A_588] : memref<10000x48xf32, #tpu.memory_space<hbm>> -> memref<128x48xf32, #tpu.memory_space<hbm>>
            tpu.wait_dma2 semaphore(%arg26 : memref<!tpu.dma_semaphore, #tpu.memory_space<semaphore_mem>>) src(%dma_wait3A_589 : memref<128x48xf32, #tpu.memory_space<hbm>>) dst(%arg13 : memref<128x48xf32, #tpu.memory_space<vmem>>)
          } else {
          }
          %add3A_568 = arith.constant 3 : i32
          %add3A_569 = arith.addi %add3A_534, %add3A_568 : i32
          %lt3A_570 = arith.cmpi slt, %add3A_569, %add3A_21 : i32
          %convert_element_type3A_571 = arith.extui %lt3A_570 : i1 to i32
          %cond3A_572 = arith.constant 0 : i32
          %cond3A_573 = arith.cmpi ne, %convert_element_type3A_571, %cond3A_572 : i32
          scf.if %cond3A_573 {
            %add3A_584 = arith.constant 3 : i32
            %add3A_585 = arith.addi %add3A_534, %add3A_584 : i32
            %mul3A_586 = arith.constant 128 : i32
            %mul3A_587 = arith.muli %add3A_585, %mul3A_586 : i32
            %dma_start3A_588 = tpu.memref_slice %arg6[%mul3A_587] : memref<10112xi32, #tpu.memory_space<vmem>> -> memref<128xi32, #tpu.memory_space<vmem>>
            %dma_start3A_589 = arith.constant 0 : i32
            %dma_start3A_590 = arith.constant 0 : i32
            %dma_start3A_591 = tpu.memref_slice %arg2[%dma_start3A_589, %dma_start3A_590] : memref<10000x48xf32, #tpu.memory_space<hbm>> -> memref<10000x48xf32, #tpu.memory_space<hbm>>
            tpu.enqueue_indirect_dma source(%dma_start3A_591 : memref<10000x48xf32, #tpu.memory_space<hbm>>) target(%arg13 : memref<128x48xf32, #tpu.memory_space<vmem>>) offsets(%dma_start3A_588 : memref<128xi32, #tpu.memory_space<vmem>>) semaphore(%arg20 : memref<!tpu.dma_semaphore, #tpu.memory_space<semaphore_mem>>)
          } else {
          }
          %dma_wait3A = arith.constant 0 : i32
          %dma_wait3A_574 = arith.constant 0 : i32
          %dma_wait3A_575 = tpu.memref_slice %arg2[%dma_wait3A, %dma_wait3A_574] : memref<10000x48xf32, #tpu.memory_space<hbm>> -> memref<128x48xf32, #tpu.memory_space<hbm>>
          %dma_wait3A_576 = arith.constant 0 : i32
          %dma_wait3A_577 = arith.constant 0 : i32
          %dma_wait3A_578 = tpu.memref_slice %arg2[%dma_wait3A_576, %dma_wait3A_577] : memref<10000x48xf32, #tpu.memory_space<hbm>> -> memref<128x48xf32, #tpu.memory_space<hbm>>
          tpu.wait_dma2 semaphore(%arg17 : memref<!tpu.dma_semaphore, #tpu.memory_space<semaphore_mem>>) src(%dma_wait3A_578 : memref<128x48xf32, #tpu.memory_space<hbm>>) dst(%arg10 : memref<128x48xf32, #tpu.memory_space<vmem>>)
          %mul3A_579 = arith.constant 128 : i32
          %mul3A_580 = arith.muli %add3A_534, %mul3A_579 : i32
          %dma_start3A = tpu.memref_slice %arg7[%mul3A_580] : memref<10112xi32, #tpu.memory_space<vmem>> -> memref<128xi32, #tpu.memory_space<vmem>>
          %dma_start3A_581 = arith.constant 0 : i32
          %dma_start3A_582 = arith.constant 0 : i32
          %dma_start3A_583 = tpu.memref_slice %arg14[%dma_start3A_581, %dma_start3A_582] : memref<10112x48xf32, #tpu.memory_space<vmem_shared>> -> memref<10112x48xf32, #tpu.memory_space<vmem_shared>>
          tpu.enqueue_indirect_dma source(%arg10 : memref<128x48xf32, #tpu.memory_space<vmem>>) target(%dma_start3A_583 : memref<10112x48xf32, #tpu.memory_space<vmem_shared>>) offsets(%dma_start3A : memref<128xi32, #tpu.memory_space<vmem>>) semaphore(%arg23 : memref<!tpu.dma_semaphore, #tpu.memory_space<semaphore_mem>>) {add = true}
        } else {
        }
        %mul3A_539 = arith.constant 6 : i32
        %mul3A_540 = arith.muli %mul3A_539, %while3A_514 : i32
        %add3A_541 = arith.constant 3 : i32
        %add3A_542 = arith.addi %mul3A_540, %add3A_541 : i32
        %lt3A_543 = arith.cmpi slt, %add3A_542, %add3A_21 : i32
        %convert_element_type3A_544 = arith.extui %lt3A_543 : i1 to i32
        %cond3A_545 = arith.constant 0 : i32
        %cond3A_546 = arith.cmpi ne, %convert_element_type3A_544, %cond3A_545 : i32
        scf.if %cond3A_546 {
          %ge3A_563 = arith.constant 3 : i32
          %ge3A_564 = arith.cmpi sge, %add3A_542, %ge3A_563 : i32
          %convert_element_type3A_565 = arith.extui %ge3A_564 : i1 to i32
          %cond3A_566 = arith.constant 0 : i32
          %cond3A_567 = arith.cmpi ne, %convert_element_type3A_565, %cond3A_566 : i32
          scf.if %cond3A_567 {
            %dma_wait3A_584 = arith.constant 0 : i32
            %dma_wait3A_585 = arith.constant 0 : i32
            %dma_wait3A_586 = tpu.memref_slice %arg2[%dma_wait3A_584, %dma_wait3A_585] : memref<10000x48xf32, #tpu.memory_space<hbm>> -> memref<128x48xf32, #tpu.memory_space<hbm>>
            %dma_wait3A_587 = arith.constant 0 : i32
            %dma_wait3A_588 = arith.constant 0 : i32
            %dma_wait3A_589 = tpu.memref_slice %arg2[%dma_wait3A_587, %dma_wait3A_588] : memref<10000x48xf32, #tpu.memory_space<hbm>> -> memref<128x48xf32, #tpu.memory_space<hbm>>
            tpu.wait_dma2 semaphore(%arg21 : memref<!tpu.dma_semaphore, #tpu.memory_space<semaphore_mem>>) src(%dma_wait3A_589 : memref<128x48xf32, #tpu.memory_space<hbm>>) dst(%arg8 : memref<128x48xf32, #tpu.memory_space<vmem>>)
          } else {
          }
          %add3A_568 = arith.constant 3 : i32
          %add3A_569 = arith.addi %add3A_542, %add3A_568 : i32
          %lt3A_570 = arith.cmpi slt, %add3A_569, %add3A_21 : i32
          %convert_element_type3A_571 = arith.extui %lt3A_570 : i1 to i32
          %cond3A_572 = arith.constant 0 : i32
          %cond3A_573 = arith.cmpi ne, %convert_element_type3A_571, %cond3A_572 : i32
          scf.if %cond3A_573 {
            %add3A_584 = arith.constant 3 : i32
            %add3A_585 = arith.addi %add3A_542, %add3A_584 : i32
            %mul3A_586 = arith.constant 128 : i32
            %mul3A_587 = arith.muli %add3A_585, %mul3A_586 : i32
            %dma_start3A_588 = tpu.memref_slice %arg6[%mul3A_587] : memref<10112xi32, #tpu.memory_space<vmem>> -> memref<128xi32, #tpu.memory_space<vmem>>
            %dma_start3A_589 = arith.constant 0 : i32
            %dma_start3A_590 = arith.constant 0 : i32
            %dma_start3A_591 = tpu.memref_slice %arg2[%dma_start3A_589, %dma_start3A_590] : memref<10000x48xf32, #tpu.memory_space<hbm>> -> memref<10000x48xf32, #tpu.memory_space<hbm>>
            tpu.enqueue_indirect_dma source(%dma_start3A_591 : memref<10000x48xf32, #tpu.memory_space<hbm>>) target(%arg8 : memref<128x48xf32, #tpu.memory_space<vmem>>) offsets(%dma_start3A_588 : memref<128xi32, #tpu.memory_space<vmem>>) semaphore(%arg15 : memref<!tpu.dma_semaphore, #tpu.memory_space<semaphore_mem>>)
          } else {
          }
          %dma_wait3A = arith.constant 0 : i32
          %dma_wait3A_574 = arith.constant 0 : i32
          %dma_wait3A_575 = tpu.memref_slice %arg2[%dma_wait3A, %dma_wait3A_574] : memref<10000x48xf32, #tpu.memory_space<hbm>> -> memref<128x48xf32, #tpu.memory_space<hbm>>
          %dma_wait3A_576 = arith.constant 0 : i32
          %dma_wait3A_577 = arith.constant 0 : i32
          %dma_wait3A_578 = tpu.memref_slice %arg2[%dma_wait3A_576, %dma_wait3A_577] : memref<10000x48xf32, #tpu.memory_space<hbm>> -> memref<128x48xf32, #tpu.memory_space<hbm>>
          tpu.wait_dma2 semaphore(%arg18 : memref<!tpu.dma_semaphore, #tpu.memory_space<semaphore_mem>>) src(%dma_wait3A_578 : memref<128x48xf32, #tpu.memory_space<hbm>>) dst(%arg11 : memref<128x48xf32, #tpu.memory_space<vmem>>)
          %mul3A_579 = arith.constant 128 : i32
          %mul3A_580 = arith.muli %add3A_542, %mul3A_579 : i32
          %dma_start3A = tpu.memref_slice %arg7[%mul3A_580] : memref<10112xi32, #tpu.memory_space<vmem>> -> memref<128xi32, #tpu.memory_space<vmem>>
          %dma_start3A_581 = arith.constant 0 : i32
          %dma_start3A_582 = arith.constant 0 : i32
          %dma_start3A_583 = tpu.memref_slice %arg14[%dma_start3A_581, %dma_start3A_582] : memref<10112x48xf32, #tpu.memory_space<vmem_shared>> -> memref<10112x48xf32, #tpu.memory_space<vmem_shared>>
          tpu.enqueue_indirect_dma source(%arg11 : memref<128x48xf32, #tpu.memory_space<vmem>>) target(%dma_start3A_583 : memref<10112x48xf32, #tpu.memory_space<vmem_shared>>) offsets(%dma_start3A : memref<128xi32, #tpu.memory_space<vmem>>) semaphore(%arg24 : memref<!tpu.dma_semaphore, #tpu.memory_space<semaphore_mem>>) {add = true}
        } else {
        }
        %mul3A_547 = arith.constant 6 : i32
        %mul3A_548 = arith.muli %mul3A_547, %while3A_514 : i32
        %add3A_549 = arith.constant 4 : i32
        %add3A_550 = arith.addi %mul3A_548, %add3A_549 : i32
        %lt3A_551 = arith.cmpi slt, %add3A_550, %add3A_21 : i32
        %convert_element_type3A_552 = arith.extui %lt3A_551 : i1 to i32
        %cond3A_553 = arith.constant 0 : i32
        %cond3A_554 = arith.cmpi ne, %convert_element_type3A_552, %cond3A_553 : i32
        scf.if %cond3A_554 {
          %ge3A_563 = arith.constant 3 : i32
          %ge3A_564 = arith.cmpi sge, %add3A_550, %ge3A_563 : i32
          %convert_element_type3A_565 = arith.extui %ge3A_564 : i1 to i32
          %cond3A_566 = arith.constant 0 : i32
          %cond3A_567 = arith.cmpi ne, %convert_element_type3A_565, %cond3A_566 : i32
          scf.if %cond3A_567 {
            %dma_wait3A_584 = arith.constant 0 : i32
            %dma_wait3A_585 = arith.constant 0 : i32
            %dma_wait3A_586 = tpu.memref_slice %arg2[%dma_wait3A_584, %dma_wait3A_585] : memref<10000x48xf32, #tpu.memory_space<hbm>> -> memref<128x48xf32, #tpu.memory_space<hbm>>
            %dma_wait3A_587 = arith.constant 0 : i32
            %dma_wait3A_588 = arith.constant 0 : i32
            %dma_wait3A_589 = tpu.memref_slice %arg2[%dma_wait3A_587, %dma_wait3A_588] : memref<10000x48xf32, #tpu.memory_space<hbm>> -> memref<128x48xf32, #tpu.memory_space<hbm>>
            tpu.wait_dma2 semaphore(%arg22 : memref<!tpu.dma_semaphore, #tpu.memory_space<semaphore_mem>>) src(%dma_wait3A_589 : memref<128x48xf32, #tpu.memory_space<hbm>>) dst(%arg9 : memref<128x48xf32, #tpu.memory_space<vmem>>)
          } else {
          }
          %add3A_568 = arith.constant 3 : i32
          %add3A_569 = arith.addi %add3A_550, %add3A_568 : i32
          %lt3A_570 = arith.cmpi slt, %add3A_569, %add3A_21 : i32
          %convert_element_type3A_571 = arith.extui %lt3A_570 : i1 to i32
          %cond3A_572 = arith.constant 0 : i32
          %cond3A_573 = arith.cmpi ne, %convert_element_type3A_571, %cond3A_572 : i32
          scf.if %cond3A_573 {
            %add3A_584 = arith.constant 3 : i32
            %add3A_585 = arith.addi %add3A_550, %add3A_584 : i32
            %mul3A_586 = arith.constant 128 : i32
            %mul3A_587 = arith.muli %add3A_585, %mul3A_586 : i32
            %dma_start3A_588 = tpu.memref_slice %arg6[%mul3A_587] : memref<10112xi32, #tpu.memory_space<vmem>> -> memref<128xi32, #tpu.memory_space<vmem>>
            %dma_start3A_589 = arith.constant 0 : i32
            %dma_start3A_590 = arith.constant 0 : i32
            %dma_start3A_591 = tpu.memref_slice %arg2[%dma_start3A_589, %dma_start3A_590] : memref<10000x48xf32, #tpu.memory_space<hbm>> -> memref<10000x48xf32, #tpu.memory_space<hbm>>
            tpu.enqueue_indirect_dma source(%dma_start3A_591 : memref<10000x48xf32, #tpu.memory_space<hbm>>) target(%arg9 : memref<128x48xf32, #tpu.memory_space<vmem>>) offsets(%dma_start3A_588 : memref<128xi32, #tpu.memory_space<vmem>>) semaphore(%arg16 : memref<!tpu.dma_semaphore, #tpu.memory_space<semaphore_mem>>)
          } else {
          }
          %dma_wait3A = arith.constant 0 : i32
          %dma_wait3A_574 = arith.constant 0 : i32
          %dma_wait3A_575 = tpu.memref_slice %arg2[%dma_wait3A, %dma_wait3A_574] : memref<10000x48xf32, #tpu.memory_space<hbm>> -> memref<128x48xf32, #tpu.memory_space<hbm>>
          %dma_wait3A_576 = arith.constant 0 : i32
          %dma_wait3A_577 = arith.constant 0 : i32
          %dma_wait3A_578 = tpu.memref_slice %arg2[%dma_wait3A_576, %dma_wait3A_577] : memref<10000x48xf32, #tpu.memory_space<hbm>> -> memref<128x48xf32, #tpu.memory_space<hbm>>
          tpu.wait_dma2 semaphore(%arg19 : memref<!tpu.dma_semaphore, #tpu.memory_space<semaphore_mem>>) src(%dma_wait3A_578 : memref<128x48xf32, #tpu.memory_space<hbm>>) dst(%arg12 : memref<128x48xf32, #tpu.memory_space<vmem>>)
          %mul3A_579 = arith.constant 128 : i32
          %mul3A_580 = arith.muli %add3A_550, %mul3A_579 : i32
          %dma_start3A = tpu.memref_slice %arg7[%mul3A_580] : memref<10112xi32, #tpu.memory_space<vmem>> -> memref<128xi32, #tpu.memory_space<vmem>>
          %dma_start3A_581 = arith.constant 0 : i32
          %dma_start3A_582 = arith.constant 0 : i32
          %dma_start3A_583 = tpu.memref_slice %arg14[%dma_start3A_581, %dma_start3A_582] : memref<10112x48xf32, #tpu.memory_space<vmem_shared>> -> memref<10112x48xf32, #tpu.memory_space<vmem_shared>>
          tpu.enqueue_indirect_dma source(%arg12 : memref<128x48xf32, #tpu.memory_space<vmem>>) target(%dma_start3A_583 : memref<10112x48xf32, #tpu.memory_space<vmem_shared>>) offsets(%dma_start3A : memref<128xi32, #tpu.memory_space<vmem>>) semaphore(%arg25 : memref<!tpu.dma_semaphore, #tpu.memory_space<semaphore_mem>>) {add = true}
        } else {
        }
        %mul3A_555 = arith.constant 6 : i32
        %mul3A_556 = arith.muli %mul3A_555, %while3A_514 : i32
        %add3A_557 = arith.constant 5 : i32
        %add3A_558 = arith.addi %mul3A_556, %add3A_557 : i32
        %lt3A_559 = arith.cmpi slt, %add3A_558, %add3A_21 : i32
        %convert_element_type3A_560 = arith.extui %lt3A_559 : i1 to i32
        %cond3A_561 = arith.constant 0 : i32
        %cond3A_562 = arith.cmpi ne, %convert_element_type3A_560, %cond3A_561 : i32
        scf.if %cond3A_562 {
          %ge3A_563 = arith.constant 3 : i32
          %ge3A_564 = arith.cmpi sge, %add3A_558, %ge3A_563 : i32
          %convert_element_type3A_565 = arith.extui %ge3A_564 : i1 to i32
          %cond3A_566 = arith.constant 0 : i32
          %cond3A_567 = arith.cmpi ne, %convert_element_type3A_565, %cond3A_566 : i32
          scf.if %cond3A_567 {
            %dma_wait3A_584 = arith.constant 0 : i32
            %dma_wait3A_585 = arith.constant 0 : i32
            %dma_wait3A_586 = tpu.memref_slice %arg2[%dma_wait3A_584, %dma_wait3A_585] : memref<10000x48xf32, #tpu.memory_space<hbm>> -> memref<128x48xf32, #tpu.memory_space<hbm>>
            %dma_wait3A_587 = arith.constant 0 : i32
            %dma_wait3A_588 = arith.constant 0 : i32
            %dma_wait3A_589 = tpu.memref_slice %arg2[%dma_wait3A_587, %dma_wait3A_588] : memref<10000x48xf32, #tpu.memory_space<hbm>> -> memref<128x48xf32, #tpu.memory_space<hbm>>
            tpu.wait_dma2 semaphore(%arg23 : memref<!tpu.dma_semaphore, #tpu.memory_space<semaphore_mem>>) src(%dma_wait3A_589 : memref<128x48xf32, #tpu.memory_space<hbm>>) dst(%arg10 : memref<128x48xf32, #tpu.memory_space<vmem>>)
          } else {
          }
          %add3A_568 = arith.constant 3 : i32
          %add3A_569 = arith.addi %add3A_558, %add3A_568 : i32
          %lt3A_570 = arith.cmpi slt, %add3A_569, %add3A_21 : i32
          %convert_element_type3A_571 = arith.extui %lt3A_570 : i1 to i32
          %cond3A_572 = arith.constant 0 : i32
          %cond3A_573 = arith.cmpi ne, %convert_element_type3A_571, %cond3A_572 : i32
          scf.if %cond3A_573 {
            %add3A_584 = arith.constant 3 : i32
            %add3A_585 = arith.addi %add3A_558, %add3A_584 : i32
            %mul3A_586 = arith.constant 128 : i32
            %mul3A_587 = arith.muli %add3A_585, %mul3A_586 : i32
            %dma_start3A_588 = tpu.memref_slice %arg6[%mul3A_587] : memref<10112xi32, #tpu.memory_space<vmem>> -> memref<128xi32, #tpu.memory_space<vmem>>
            %dma_start3A_589 = arith.constant 0 : i32
            %dma_start3A_590 = arith.constant 0 : i32
            %dma_start3A_591 = tpu.memref_slice %arg2[%dma_start3A_589, %dma_start3A_590] : memref<10000x48xf32, #tpu.memory_space<hbm>> -> memref<10000x48xf32, #tpu.memory_space<hbm>>
            tpu.enqueue_indirect_dma source(%dma_start3A_591 : memref<10000x48xf32, #tpu.memory_space<hbm>>) target(%arg10 : memref<128x48xf32, #tpu.memory_space<vmem>>) offsets(%dma_start3A_588 : memref<128xi32, #tpu.memory_space<vmem>>) semaphore(%arg17 : memref<!tpu.dma_semaphore, #tpu.memory_space<semaphore_mem>>)
          } else {
          }
          %dma_wait3A = arith.constant 0 : i32
          %dma_wait3A_574 = arith.constant 0 : i32
          %dma_wait3A_575 = tpu.memref_slice %arg2[%dma_wait3A, %dma_wait3A_574] : memref<10000x48xf32, #tpu.memory_space<hbm>> -> memref<128x48xf32, #tpu.memory_space<hbm>>
          %dma_wait3A_576 = arith.constant 0 : i32
          %dma_wait3A_577 = arith.constant 0 : i32
          %dma_wait3A_578 = tpu.memref_slice %arg2[%dma_wait3A_576, %dma_wait3A_577] : memref<10000x48xf32, #tpu.memory_space<hbm>> -> memref<128x48xf32, #tpu.memory_space<hbm>>
          tpu.wait_dma2 semaphore(%arg20 : memref<!tpu.dma_semaphore, #tpu.memory_space<semaphore_mem>>) src(%dma_wait3A_578 : memref<128x48xf32, #tpu.memory_space<hbm>>) dst(%arg13 : memref<128x48xf32, #tpu.memory_space<vmem>>)
          %mul3A_579 = arith.constant 128 : i32
          %mul3A_580 = arith.muli %add3A_558, %mul3A_579 : i32
          %dma_start3A = tpu.memref_slice %arg7[%mul3A_580] : memref<10112xi32, #tpu.memory_space<vmem>> -> memref<128xi32, #tpu.memory_space<vmem>>
          %dma_start3A_581 = arith.constant 0 : i32
          %dma_start3A_582 = arith.constant 0 : i32
          %dma_start3A_583 = tpu.memref_slice %arg14[%dma_start3A_581, %dma_start3A_582] : memref<10112x48xf32, #tpu.memory_space<vmem_shared>> -> memref<10112x48xf32, #tpu.memory_space<vmem_shared>>
          tpu.enqueue_indirect_dma source(%arg13 : memref<128x48xf32, #tpu.memory_space<vmem>>) target(%dma_start3A_583 : memref<10112x48xf32, #tpu.memory_space<vmem_shared>>) offsets(%dma_start3A : memref<128xi32, #tpu.memory_space<vmem>>) semaphore(%arg26 : memref<!tpu.dma_semaphore, #tpu.memory_space<semaphore_mem>>) {add = true}
        } else {
        }
      }
      %ge3A = arith.constant 1 : i32
      %ge3A_72 = arith.cmpi sge, %add3A_21, %ge3A : i32
      %sub3A_73 = arith.constant 1 : i32
      %sub3A_74 = arith.subi %add3A_21, %sub3A_73 : i32
      %jit3A_75 = arith.constant 6 : i32
      %eq3A_76 = arith.constant 0 : i32
      %eq3A_77 = arith.cmpi eq, %jit3A_75, %eq3A_76 : i32
      %jit3A_78 = arith.constant 1 : i32
      %select_n3A_79 = arith.select %eq3A_77, %jit3A_78, %jit3A_75 : i32
      %rem3A_80 = arith.remsi %sub3A_74, %select_n3A_79 : i32
      %ne3A_81 = arith.constant 0 : i32
      %ne3A_82 = arith.cmpi ne, %rem3A_80, %ne3A_81 : i32
      %lt3A_83 = arith.constant 0 : i32
      %lt3A_84 = arith.cmpi slt, %rem3A_80, %lt3A_83 : i32
      %lt3A_85 = arith.constant 0 : i32
      %lt3A_86 = arith.cmpi slt, %select_n3A_79, %lt3A_85 : i32
      %ne3A_87 = arith.xori %lt3A_84, %lt3A_86 : i1
      %and3A_88 = arith.andi %ne3A_87, %ne3A_82 : i1
      %add3A_89 = arith.addi %rem3A_80, %select_n3A_79 : i32
      %select_n3A_90 = arith.select %and3A_88, %add3A_89, %rem3A_80 : i32
      %eq3A_91 = arith.constant 0 : i32
      %eq3A_92 = arith.cmpi eq, %select_n3A_90, %eq3A_91 : i32
      %and3A_93 = arith.andi %ge3A_72, %eq3A_92 : i1
      %ge3A_94 = arith.constant 2 : i32
      %ge3A_95 = arith.cmpi sge, %add3A_21, %ge3A_94 : i32
      %sub3A_96 = arith.constant 2 : i32
      %sub3A_97 = arith.subi %add3A_21, %sub3A_96 : i32
      %jit3A_98 = arith.constant 6 : i32
      %eq3A_99 = arith.constant 0 : i32
      %eq3A_100 = arith.cmpi eq, %jit3A_98, %eq3A_99 : i32
      %jit3A_101 = arith.constant 1 : i32
      %select_n3A_102 = arith.select %eq3A_100, %jit3A_101, %jit3A_98 : i32
      %rem3A_103 = arith.remsi %sub3A_97, %select_n3A_102 : i32
      %ne3A_104 = arith.constant 0 : i32
      %ne3A_105 = arith.cmpi ne, %rem3A_103, %ne3A_104 : i32
      %lt3A_106 = arith.constant 0 : i32
      %lt3A_107 = arith.cmpi slt, %rem3A_103, %lt3A_106 : i32
      %lt3A_108 = arith.constant 0 : i32
      %lt3A_109 = arith.cmpi slt, %select_n3A_102, %lt3A_108 : i32
      %ne3A_110 = arith.xori %lt3A_107, %lt3A_109 : i1
      %and3A_111 = arith.andi %ne3A_110, %ne3A_105 : i1
      %add3A_112 = arith.addi %rem3A_103, %select_n3A_102 : i32
      %select_n3A_113 = arith.select %and3A_111, %add3A_112, %rem3A_103 : i32
      %eq3A_114 = arith.constant 0 : i32
      %eq3A_115 = arith.cmpi eq, %select_n3A_113, %eq3A_114 : i32
      %and3A_116 = arith.andi %ge3A_95, %eq3A_115 : i1
      %or3A = arith.ori %and3A_93, %and3A_116 : i1
      %ge3A_117 = arith.constant 3 : i32
      %ge3A_118 = arith.cmpi sge, %add3A_21, %ge3A_117 : i32
      %sub3A_119 = arith.constant 3 : i32
      %sub3A_120 = arith.subi %add3A_21, %sub3A_119 : i32
      %jit3A_121 = arith.constant 6 : i32
      %eq3A_122 = arith.constant 0 : i32
      %eq3A_123 = arith.cmpi eq, %jit3A_121, %eq3A_122 : i32
      %jit3A_124 = arith.constant 1 : i32
      %select_n3A_125 = arith.select %eq3A_123, %jit3A_124, %jit3A_121 : i32
      %rem3A_126 = arith.remsi %sub3A_120, %select_n3A_125 : i32
      %ne3A_127 = arith.constant 0 : i32
      %ne3A_128 = arith.cmpi ne, %rem3A_126, %ne3A_127 : i32
      %lt3A_129 = arith.constant 0 : i32
      %lt3A_130 = arith.cmpi slt, %rem3A_126, %lt3A_129 : i32
      %lt3A_131 = arith.constant 0 : i32
      %lt3A_132 = arith.cmpi slt, %select_n3A_125, %lt3A_131 : i32
      %ne3A_133 = arith.xori %lt3A_130, %lt3A_132 : i1
      %and3A_134 = arith.andi %ne3A_133, %ne3A_128 : i1
      %add3A_135 = arith.addi %rem3A_126, %select_n3A_125 : i32
      %select_n3A_136 = arith.select %and3A_134, %add3A_135, %rem3A_126 : i32
      %eq3A_137 = arith.constant 0 : i32
      %eq3A_138 = arith.cmpi eq, %select_n3A_136, %eq3A_137 : i32
      %and3A_139 = arith.andi %ge3A_118, %eq3A_138 : i1
      %or3A_140 = arith.ori %or3A, %and3A_139 : i1
      %convert_element_type3A_141 = arith.extui %or3A_140 : i1 to i32
      %cond3A_142 = arith.constant 0 : i32
      %cond3A_143 = arith.cmpi ne, %convert_element_type3A_141, %cond3A_142 : i32
      scf.if %cond3A_143 {
        %dma_wait3A = arith.constant 0 : i32
        %dma_wait3A_514 = arith.constant 0 : i32
        %dma_wait3A_515 = tpu.memref_slice %arg2[%dma_wait3A, %dma_wait3A_514] : memref<10000x48xf32, #tpu.memory_space<hbm>> -> memref<128x48xf32, #tpu.memory_space<hbm>>
        %dma_wait3A_516 = arith.constant 0 : i32
        %dma_wait3A_517 = arith.constant 0 : i32
        %dma_wait3A_518 = tpu.memref_slice %arg2[%dma_wait3A_516, %dma_wait3A_517] : memref<10000x48xf32, #tpu.memory_space<hbm>> -> memref<128x48xf32, #tpu.memory_space<hbm>>
        tpu.wait_dma2 semaphore(%arg21 : memref<!tpu.dma_semaphore, #tpu.memory_space<semaphore_mem>>) src(%dma_wait3A_518 : memref<128x48xf32, #tpu.memory_space<hbm>>) dst(%arg8 : memref<128x48xf32, #tpu.memory_space<vmem>>)
      } else {
      }
      %ge3A_144 = arith.constant 1 : i32
      %ge3A_145 = arith.cmpi sge, %add3A_21, %ge3A_144 : i32
      %sub3A_146 = arith.constant 1 : i32
      %sub3A_147 = arith.subi %add3A_21, %sub3A_146 : i32
      %jit3A_148 = arith.constant 6 : i32
      %eq3A_149 = arith.constant 0 : i32
      %eq3A_150 = arith.cmpi eq, %jit3A_148, %eq3A_149 : i32
      %jit3A_151 = arith.constant 1 : i32
      %select_n3A_152 = arith.select %eq3A_150, %jit3A_151, %jit3A_148 : i32
      %rem3A_153 = arith.remsi %sub3A_147, %select_n3A_152 : i32
      %ne3A_154 = arith.constant 0 : i32
      %ne3A_155 = arith.cmpi ne, %rem3A_153, %ne3A_154 : i32
      %lt3A_156 = arith.constant 0 : i32
      %lt3A_157 = arith.cmpi slt, %rem3A_153, %lt3A_156 : i32
      %lt3A_158 = arith.constant 0 : i32
      %lt3A_159 = arith.cmpi slt, %select_n3A_152, %lt3A_158 : i32
      %ne3A_160 = arith.xori %lt3A_157, %lt3A_159 : i1
      %and3A_161 = arith.andi %ne3A_160, %ne3A_155 : i1
      %add3A_162 = arith.addi %rem3A_153, %select_n3A_152 : i32
      %select_n3A_163 = arith.select %and3A_161, %add3A_162, %rem3A_153 : i32
      %eq3A_164 = arith.constant 1 : i32
      %eq3A_165 = arith.cmpi eq, %select_n3A_163, %eq3A_164 : i32
      %and3A_166 = arith.andi %ge3A_145, %eq3A_165 : i1
      %ge3A_167 = arith.constant 2 : i32
      %ge3A_168 = arith.cmpi sge, %add3A_21, %ge3A_167 : i32
      %sub3A_169 = arith.constant 2 : i32
      %sub3A_170 = arith.subi %add3A_21, %sub3A_169 : i32
      %jit3A_171 = arith.constant 6 : i32
      %eq3A_172 = arith.constant 0 : i32
      %eq3A_173 = arith.cmpi eq, %jit3A_171, %eq3A_172 : i32
      %jit3A_174 = arith.constant 1 : i32
      %select_n3A_175 = arith.select %eq3A_173, %jit3A_174, %jit3A_171 : i32
      %rem3A_176 = arith.remsi %sub3A_170, %select_n3A_175 : i32
      %ne3A_177 = arith.constant 0 : i32
      %ne3A_178 = arith.cmpi ne, %rem3A_176, %ne3A_177 : i32
      %lt3A_179 = arith.constant 0 : i32
      %lt3A_180 = arith.cmpi slt, %rem3A_176, %lt3A_179 : i32
      %lt3A_181 = arith.constant 0 : i32
      %lt3A_182 = arith.cmpi slt, %select_n3A_175, %lt3A_181 : i32
      %ne3A_183 = arith.xori %lt3A_180, %lt3A_182 : i1
      %and3A_184 = arith.andi %ne3A_183, %ne3A_178 : i1
      %add3A_185 = arith.addi %rem3A_176, %select_n3A_175 : i32
      %select_n3A_186 = arith.select %and3A_184, %add3A_185, %rem3A_176 : i32
      %eq3A_187 = arith.constant 1 : i32
      %eq3A_188 = arith.cmpi eq, %select_n3A_186, %eq3A_187 : i32
      %and3A_189 = arith.andi %ge3A_168, %eq3A_188 : i1
      %or3A_190 = arith.ori %and3A_166, %and3A_189 : i1
      %ge3A_191 = arith.constant 3 : i32
      %ge3A_192 = arith.cmpi sge, %add3A_21, %ge3A_191 : i32
      %sub3A_193 = arith.constant 3 : i32
      %sub3A_194 = arith.subi %add3A_21, %sub3A_193 : i32
      %jit3A_195 = arith.constant 6 : i32
      %eq3A_196 = arith.constant 0 : i32
      %eq3A_197 = arith.cmpi eq, %jit3A_195, %eq3A_196 : i32
      %jit3A_198 = arith.constant 1 : i32
      %select_n3A_199 = arith.select %eq3A_197, %jit3A_198, %jit3A_195 : i32
      %rem3A_200 = arith.remsi %sub3A_194, %select_n3A_199 : i32
      %ne3A_201 = arith.constant 0 : i32
      %ne3A_202 = arith.cmpi ne, %rem3A_200, %ne3A_201 : i32
      %lt3A_203 = arith.constant 0 : i32
      %lt3A_204 = arith.cmpi slt, %rem3A_200, %lt3A_203 : i32
      %lt3A_205 = arith.constant 0 : i32
      %lt3A_206 = arith.cmpi slt, %select_n3A_199, %lt3A_205 : i32
      %ne3A_207 = arith.xori %lt3A_204, %lt3A_206 : i1
      %and3A_208 = arith.andi %ne3A_207, %ne3A_202 : i1
      %add3A_209 = arith.addi %rem3A_200, %select_n3A_199 : i32
      %select_n3A_210 = arith.select %and3A_208, %add3A_209, %rem3A_200 : i32
      %eq3A_211 = arith.constant 1 : i32
      %eq3A_212 = arith.cmpi eq, %select_n3A_210, %eq3A_211 : i32
      %and3A_213 = arith.andi %ge3A_192, %eq3A_212 : i1
      %or3A_214 = arith.ori %or3A_190, %and3A_213 : i1
      %convert_element_type3A_215 = arith.extui %or3A_214 : i1 to i32
      %cond3A_216 = arith.constant 0 : i32
      %cond3A_217 = arith.cmpi ne, %convert_element_type3A_215, %cond3A_216 : i32
      scf.if %cond3A_217 {
        %dma_wait3A = arith.constant 0 : i32
        %dma_wait3A_514 = arith.constant 0 : i32
        %dma_wait3A_515 = tpu.memref_slice %arg2[%dma_wait3A, %dma_wait3A_514] : memref<10000x48xf32, #tpu.memory_space<hbm>> -> memref<128x48xf32, #tpu.memory_space<hbm>>
        %dma_wait3A_516 = arith.constant 0 : i32
        %dma_wait3A_517 = arith.constant 0 : i32
        %dma_wait3A_518 = tpu.memref_slice %arg2[%dma_wait3A_516, %dma_wait3A_517] : memref<10000x48xf32, #tpu.memory_space<hbm>> -> memref<128x48xf32, #tpu.memory_space<hbm>>
        tpu.wait_dma2 semaphore(%arg22 : memref<!tpu.dma_semaphore, #tpu.memory_space<semaphore_mem>>) src(%dma_wait3A_518 : memref<128x48xf32, #tpu.memory_space<hbm>>) dst(%arg9 : memref<128x48xf32, #tpu.memory_space<vmem>>)
      } else {
      }
      %ge3A_218 = arith.constant 1 : i32
      %ge3A_219 = arith.cmpi sge, %add3A_21, %ge3A_218 : i32
      %sub3A_220 = arith.constant 1 : i32
      %sub3A_221 = arith.subi %add3A_21, %sub3A_220 : i32
      %jit3A_222 = arith.constant 6 : i32
      %eq3A_223 = arith.constant 0 : i32
      %eq3A_224 = arith.cmpi eq, %jit3A_222, %eq3A_223 : i32
      %jit3A_225 = arith.constant 1 : i32
      %select_n3A_226 = arith.select %eq3A_224, %jit3A_225, %jit3A_222 : i32
      %rem3A_227 = arith.remsi %sub3A_221, %select_n3A_226 : i32
      %ne3A_228 = arith.constant 0 : i32
      %ne3A_229 = arith.cmpi ne, %rem3A_227, %ne3A_228 : i32
      %lt3A_230 = arith.constant 0 : i32
      %lt3A_231 = arith.cmpi slt, %rem3A_227, %lt3A_230 : i32
      %lt3A_232 = arith.constant 0 : i32
      %lt3A_233 = arith.cmpi slt, %select_n3A_226, %lt3A_232 : i32
      %ne3A_234 = arith.xori %lt3A_231, %lt3A_233 : i1
      %and3A_235 = arith.andi %ne3A_234, %ne3A_229 : i1
      %add3A_236 = arith.addi %rem3A_227, %select_n3A_226 : i32
      %select_n3A_237 = arith.select %and3A_235, %add3A_236, %rem3A_227 : i32
      %eq3A_238 = arith.constant 2 : i32
      %eq3A_239 = arith.cmpi eq, %select_n3A_237, %eq3A_238 : i32
      %and3A_240 = arith.andi %ge3A_219, %eq3A_239 : i1
      %ge3A_241 = arith.constant 2 : i32
      %ge3A_242 = arith.cmpi sge, %add3A_21, %ge3A_241 : i32
      %sub3A_243 = arith.constant 2 : i32
      %sub3A_244 = arith.subi %add3A_21, %sub3A_243 : i32
      %jit3A_245 = arith.constant 6 : i32
      %eq3A_246 = arith.constant 0 : i32
      %eq3A_247 = arith.cmpi eq, %jit3A_245, %eq3A_246 : i32
      %jit3A_248 = arith.constant 1 : i32
      %select_n3A_249 = arith.select %eq3A_247, %jit3A_248, %jit3A_245 : i32
      %rem3A_250 = arith.remsi %sub3A_244, %select_n3A_249 : i32
      %ne3A_251 = arith.constant 0 : i32
      %ne3A_252 = arith.cmpi ne, %rem3A_250, %ne3A_251 : i32
      %lt3A_253 = arith.constant 0 : i32
      %lt3A_254 = arith.cmpi slt, %rem3A_250, %lt3A_253 : i32
      %lt3A_255 = arith.constant 0 : i32
      %lt3A_256 = arith.cmpi slt, %select_n3A_249, %lt3A_255 : i32
      %ne3A_257 = arith.xori %lt3A_254, %lt3A_256 : i1
      %and3A_258 = arith.andi %ne3A_257, %ne3A_252 : i1
      %add3A_259 = arith.addi %rem3A_250, %select_n3A_249 : i32
      %select_n3A_260 = arith.select %and3A_258, %add3A_259, %rem3A_250 : i32
      %eq3A_261 = arith.constant 2 : i32
      %eq3A_262 = arith.cmpi eq, %select_n3A_260, %eq3A_261 : i32
      %and3A_263 = arith.andi %ge3A_242, %eq3A_262 : i1
      %or3A_264 = arith.ori %and3A_240, %and3A_263 : i1
      %ge3A_265 = arith.constant 3 : i32
      %ge3A_266 = arith.cmpi sge, %add3A_21, %ge3A_265 : i32
      %sub3A_267 = arith.constant 3 : i32
      %sub3A_268 = arith.subi %add3A_21, %sub3A_267 : i32
      %jit3A_269 = arith.constant 6 : i32
      %eq3A_270 = arith.constant 0 : i32
      %eq3A_271 = arith.cmpi eq, %jit3A_269, %eq3A_270 : i32
      %jit3A_272 = arith.constant 1 : i32
      %select_n3A_273 = arith.select %eq3A_271, %jit3A_272, %jit3A_269 : i32
      %rem3A_274 = arith.remsi %sub3A_268, %select_n3A_273 : i32
      %ne3A_275 = arith.constant 0 : i32
      %ne3A_276 = arith.cmpi ne, %rem3A_274, %ne3A_275 : i32
      %lt3A_277 = arith.constant 0 : i32
      %lt3A_278 = arith.cmpi slt, %rem3A_274, %lt3A_277 : i32
      %lt3A_279 = arith.constant 0 : i32
      %lt3A_280 = arith.cmpi slt, %select_n3A_273, %lt3A_279 : i32
      %ne3A_281 = arith.xori %lt3A_278, %lt3A_280 : i1
      %and3A_282 = arith.andi %ne3A_281, %ne3A_276 : i1
      %add3A_283 = arith.addi %rem3A_274, %select_n3A_273 : i32
      %select_n3A_284 = arith.select %and3A_282, %add3A_283, %rem3A_274 : i32
      %eq3A_285 = arith.constant 2 : i32
      %eq3A_286 = arith.cmpi eq, %select_n3A_284, %eq3A_285 : i32
      %and3A_287 = arith.andi %ge3A_266, %eq3A_286 : i1
      %or3A_288 = arith.ori %or3A_264, %and3A_287 : i1
      %convert_element_type3A_289 = arith.extui %or3A_288 : i1 to i32
      %cond3A_290 = arith.constant 0 : i32
      %cond3A_291 = arith.cmpi ne, %convert_element_type3A_289, %cond3A_290 : i32
      scf.if %cond3A_291 {
        %dma_wait3A = arith.constant 0 : i32
        %dma_wait3A_514 = arith.constant 0 : i32
        %dma_wait3A_515 = tpu.memref_slice %arg2[%dma_wait3A, %dma_wait3A_514] : memref<10000x48xf32, #tpu.memory_space<hbm>> -> memref<128x48xf32, #tpu.memory_space<hbm>>
        %dma_wait3A_516 = arith.constant 0 : i32
        %dma_wait3A_517 = arith.constant 0 : i32
        %dma_wait3A_518 = tpu.memref_slice %arg2[%dma_wait3A_516, %dma_wait3A_517] : memref<10000x48xf32, #tpu.memory_space<hbm>> -> memref<128x48xf32, #tpu.memory_space<hbm>>
        tpu.wait_dma2 semaphore(%arg23 : memref<!tpu.dma_semaphore, #tpu.memory_space<semaphore_mem>>) src(%dma_wait3A_518 : memref<128x48xf32, #tpu.memory_space<hbm>>) dst(%arg10 : memref<128x48xf32, #tpu.memory_space<vmem>>)
      } else {
      }
      %ge3A_292 = arith.constant 1 : i32
      %ge3A_293 = arith.cmpi sge, %add3A_21, %ge3A_292 : i32
      %sub3A_294 = arith.constant 1 : i32
      %sub3A_295 = arith.subi %add3A_21, %sub3A_294 : i32
      %jit3A_296 = arith.constant 6 : i32
      %eq3A_297 = arith.constant 0 : i32
      %eq3A_298 = arith.cmpi eq, %jit3A_296, %eq3A_297 : i32
      %jit3A_299 = arith.constant 1 : i32
      %select_n3A_300 = arith.select %eq3A_298, %jit3A_299, %jit3A_296 : i32
      %rem3A_301 = arith.remsi %sub3A_295, %select_n3A_300 : i32
      %ne3A_302 = arith.constant 0 : i32
      %ne3A_303 = arith.cmpi ne, %rem3A_301, %ne3A_302 : i32
      %lt3A_304 = arith.constant 0 : i32
      %lt3A_305 = arith.cmpi slt, %rem3A_301, %lt3A_304 : i32
      %lt3A_306 = arith.constant 0 : i32
      %lt3A_307 = arith.cmpi slt, %select_n3A_300, %lt3A_306 : i32
      %ne3A_308 = arith.xori %lt3A_305, %lt3A_307 : i1
      %and3A_309 = arith.andi %ne3A_308, %ne3A_303 : i1
      %add3A_310 = arith.addi %rem3A_301, %select_n3A_300 : i32
      %select_n3A_311 = arith.select %and3A_309, %add3A_310, %rem3A_301 : i32
      %eq3A_312 = arith.constant 3 : i32
      %eq3A_313 = arith.cmpi eq, %select_n3A_311, %eq3A_312 : i32
      %and3A_314 = arith.andi %ge3A_293, %eq3A_313 : i1
      %ge3A_315 = arith.constant 2 : i32
      %ge3A_316 = arith.cmpi sge, %add3A_21, %ge3A_315 : i32
      %sub3A_317 = arith.constant 2 : i32
      %sub3A_318 = arith.subi %add3A_21, %sub3A_317 : i32
      %jit3A_319 = arith.constant 6 : i32
      %eq3A_320 = arith.constant 0 : i32
      %eq3A_321 = arith.cmpi eq, %jit3A_319, %eq3A_320 : i32
      %jit3A_322 = arith.constant 1 : i32
      %select_n3A_323 = arith.select %eq3A_321, %jit3A_322, %jit3A_319 : i32
      %rem3A_324 = arith.remsi %sub3A_318, %select_n3A_323 : i32
      %ne3A_325 = arith.constant 0 : i32
      %ne3A_326 = arith.cmpi ne, %rem3A_324, %ne3A_325 : i32
      %lt3A_327 = arith.constant 0 : i32
      %lt3A_328 = arith.cmpi slt, %rem3A_324, %lt3A_327 : i32
      %lt3A_329 = arith.constant 0 : i32
      %lt3A_330 = arith.cmpi slt, %select_n3A_323, %lt3A_329 : i32
      %ne3A_331 = arith.xori %lt3A_328, %lt3A_330 : i1
      %and3A_332 = arith.andi %ne3A_331, %ne3A_326 : i1
      %add3A_333 = arith.addi %rem3A_324, %select_n3A_323 : i32
      %select_n3A_334 = arith.select %and3A_332, %add3A_333, %rem3A_324 : i32
      %eq3A_335 = arith.constant 3 : i32
      %eq3A_336 = arith.cmpi eq, %select_n3A_334, %eq3A_335 : i32
      %and3A_337 = arith.andi %ge3A_316, %eq3A_336 : i1
      %or3A_338 = arith.ori %and3A_314, %and3A_337 : i1
      %ge3A_339 = arith.constant 3 : i32
      %ge3A_340 = arith.cmpi sge, %add3A_21, %ge3A_339 : i32
      %sub3A_341 = arith.constant 3 : i32
      %sub3A_342 = arith.subi %add3A_21, %sub3A_341 : i32
      %jit3A_343 = arith.constant 6 : i32
      %eq3A_344 = arith.constant 0 : i32
      %eq3A_345 = arith.cmpi eq, %jit3A_343, %eq3A_344 : i32
      %jit3A_346 = arith.constant 1 : i32
      %select_n3A_347 = arith.select %eq3A_345, %jit3A_346, %jit3A_343 : i32
      %rem3A_348 = arith.remsi %sub3A_342, %select_n3A_347 : i32
      %ne3A_349 = arith.constant 0 : i32
      %ne3A_350 = arith.cmpi ne, %rem3A_348, %ne3A_349 : i32
      %lt3A_351 = arith.constant 0 : i32
      %lt3A_352 = arith.cmpi slt, %rem3A_348, %lt3A_351 : i32
      %lt3A_353 = arith.constant 0 : i32
      %lt3A_354 = arith.cmpi slt, %select_n3A_347, %lt3A_353 : i32
      %ne3A_355 = arith.xori %lt3A_352, %lt3A_354 : i1
      %and3A_356 = arith.andi %ne3A_355, %ne3A_350 : i1
      %add3A_357 = arith.addi %rem3A_348, %select_n3A_347 : i32
      %select_n3A_358 = arith.select %and3A_356, %add3A_357, %rem3A_348 : i32
      %eq3A_359 = arith.constant 3 : i32
      %eq3A_360 = arith.cmpi eq, %select_n3A_358, %eq3A_359 : i32
      %and3A_361 = arith.andi %ge3A_340, %eq3A_360 : i1
      %or3A_362 = arith.ori %or3A_338, %and3A_361 : i1
      %convert_element_type3A_363 = arith.extui %or3A_362 : i1 to i32
      %cond3A_364 = arith.constant 0 : i32
      %cond3A_365 = arith.cmpi ne, %convert_element_type3A_363, %cond3A_364 : i32
      scf.if %cond3A_365 {
        %dma_wait3A = arith.constant 0 : i32
        %dma_wait3A_514 = arith.constant 0 : i32
        %dma_wait3A_515 = tpu.memref_slice %arg2[%dma_wait3A, %dma_wait3A_514] : memref<10000x48xf32, #tpu.memory_space<hbm>> -> memref<128x48xf32, #tpu.memory_space<hbm>>
        %dma_wait3A_516 = arith.constant 0 : i32
        %dma_wait3A_517 = arith.constant 0 : i32
        %dma_wait3A_518 = tpu.memref_slice %arg2[%dma_wait3A_516, %dma_wait3A_517] : memref<10000x48xf32, #tpu.memory_space<hbm>> -> memref<128x48xf32, #tpu.memory_space<hbm>>
        tpu.wait_dma2 semaphore(%arg24 : memref<!tpu.dma_semaphore, #tpu.memory_space<semaphore_mem>>) src(%dma_wait3A_518 : memref<128x48xf32, #tpu.memory_space<hbm>>) dst(%arg11 : memref<128x48xf32, #tpu.memory_space<vmem>>)
      } else {
      }
      %ge3A_366 = arith.constant 1 : i32
      %ge3A_367 = arith.cmpi sge, %add3A_21, %ge3A_366 : i32
      %sub3A_368 = arith.constant 1 : i32
      %sub3A_369 = arith.subi %add3A_21, %sub3A_368 : i32
      %jit3A_370 = arith.constant 6 : i32
      %eq3A_371 = arith.constant 0 : i32
      %eq3A_372 = arith.cmpi eq, %jit3A_370, %eq3A_371 : i32
      %jit3A_373 = arith.constant 1 : i32
      %select_n3A_374 = arith.select %eq3A_372, %jit3A_373, %jit3A_370 : i32
      %rem3A_375 = arith.remsi %sub3A_369, %select_n3A_374 : i32
      %ne3A_376 = arith.constant 0 : i32
      %ne3A_377 = arith.cmpi ne, %rem3A_375, %ne3A_376 : i32
      %lt3A_378 = arith.constant 0 : i32
      %lt3A_379 = arith.cmpi slt, %rem3A_375, %lt3A_378 : i32
      %lt3A_380 = arith.constant 0 : i32
      %lt3A_381 = arith.cmpi slt, %select_n3A_374, %lt3A_380 : i32
      %ne3A_382 = arith.xori %lt3A_379, %lt3A_381 : i1
      %and3A_383 = arith.andi %ne3A_382, %ne3A_377 : i1
      %add3A_384 = arith.addi %rem3A_375, %select_n3A_374 : i32
      %select_n3A_385 = arith.select %and3A_383, %add3A_384, %rem3A_375 : i32
      %eq3A_386 = arith.constant 4 : i32
      %eq3A_387 = arith.cmpi eq, %select_n3A_385, %eq3A_386 : i32
      %and3A_388 = arith.andi %ge3A_367, %eq3A_387 : i1
      %ge3A_389 = arith.constant 2 : i32
      %ge3A_390 = arith.cmpi sge, %add3A_21, %ge3A_389 : i32
      %sub3A_391 = arith.constant 2 : i32
      %sub3A_392 = arith.subi %add3A_21, %sub3A_391 : i32
      %jit3A_393 = arith.constant 6 : i32
      %eq3A_394 = arith.constant 0 : i32
      %eq3A_395 = arith.cmpi eq, %jit3A_393, %eq3A_394 : i32
      %jit3A_396 = arith.constant 1 : i32
      %select_n3A_397 = arith.select %eq3A_395, %jit3A_396, %jit3A_393 : i32
      %rem3A_398 = arith.remsi %sub3A_392, %select_n3A_397 : i32
      %ne3A_399 = arith.constant 0 : i32
      %ne3A_400 = arith.cmpi ne, %rem3A_398, %ne3A_399 : i32
      %lt3A_401 = arith.constant 0 : i32
      %lt3A_402 = arith.cmpi slt, %rem3A_398, %lt3A_401 : i32
      %lt3A_403 = arith.constant 0 : i32
      %lt3A_404 = arith.cmpi slt, %select_n3A_397, %lt3A_403 : i32
      %ne3A_405 = arith.xori %lt3A_402, %lt3A_404 : i1
      %and3A_406 = arith.andi %ne3A_405, %ne3A_400 : i1
      %add3A_407 = arith.addi %rem3A_398, %select_n3A_397 : i32
      %select_n3A_408 = arith.select %and3A_406, %add3A_407, %rem3A_398 : i32
      %eq3A_409 = arith.constant 4 : i32
      %eq3A_410 = arith.cmpi eq, %select_n3A_408, %eq3A_409 : i32
      %and3A_411 = arith.andi %ge3A_390, %eq3A_410 : i1
      %or3A_412 = arith.ori %and3A_388, %and3A_411 : i1
      %ge3A_413 = arith.constant 3 : i32
      %ge3A_414 = arith.cmpi sge, %add3A_21, %ge3A_413 : i32
      %sub3A_415 = arith.constant 3 : i32
      %sub3A_416 = arith.subi %add3A_21, %sub3A_415 : i32
      %jit3A_417 = arith.constant 6 : i32
      %eq3A_418 = arith.constant 0 : i32
      %eq3A_419 = arith.cmpi eq, %jit3A_417, %eq3A_418 : i32
      %jit3A_420 = arith.constant 1 : i32
      %select_n3A_421 = arith.select %eq3A_419, %jit3A_420, %jit3A_417 : i32
      %rem3A_422 = arith.remsi %sub3A_416, %select_n3A_421 : i32
      %ne3A_423 = arith.constant 0 : i32
      %ne3A_424 = arith.cmpi ne, %rem3A_422, %ne3A_423 : i32
      %lt3A_425 = arith.constant 0 : i32
      %lt3A_426 = arith.cmpi slt, %rem3A_422, %lt3A_425 : i32
      %lt3A_427 = arith.constant 0 : i32
      %lt3A_428 = arith.cmpi slt, %select_n3A_421, %lt3A_427 : i32
      %ne3A_429 = arith.xori %lt3A_426, %lt3A_428 : i1
      %and3A_430 = arith.andi %ne3A_429, %ne3A_424 : i1
      %add3A_431 = arith.addi %rem3A_422, %select_n3A_421 : i32
      %select_n3A_432 = arith.select %and3A_430, %add3A_431, %rem3A_422 : i32
      %eq3A_433 = arith.constant 4 : i32
      %eq3A_434 = arith.cmpi eq, %select_n3A_432, %eq3A_433 : i32
      %and3A_435 = arith.andi %ge3A_414, %eq3A_434 : i1
      %or3A_436 = arith.ori %or3A_412, %and3A_435 : i1
      %convert_element_type3A_437 = arith.extui %or3A_436 : i1 to i32
      %cond3A_438 = arith.constant 0 : i32
      %cond3A_439 = arith.cmpi ne, %convert_element_type3A_437, %cond3A_438 : i32
      scf.if %cond3A_439 {
        %dma_wait3A = arith.constant 0 : i32
        %dma_wait3A_514 = arith.constant 0 : i32
        %dma_wait3A_515 = tpu.memref_slice %arg2[%dma_wait3A, %dma_wait3A_514] : memref<10000x48xf32, #tpu.memory_space<hbm>> -> memref<128x48xf32, #tpu.memory_space<hbm>>
        %dma_wait3A_516 = arith.constant 0 : i32
        %dma_wait3A_517 = arith.constant 0 : i32
        %dma_wait3A_518 = tpu.memref_slice %arg2[%dma_wait3A_516, %dma_wait3A_517] : memref<10000x48xf32, #tpu.memory_space<hbm>> -> memref<128x48xf32, #tpu.memory_space<hbm>>
        tpu.wait_dma2 semaphore(%arg25 : memref<!tpu.dma_semaphore, #tpu.memory_space<semaphore_mem>>) src(%dma_wait3A_518 : memref<128x48xf32, #tpu.memory_space<hbm>>) dst(%arg12 : memref<128x48xf32, #tpu.memory_space<vmem>>)
      } else {
      }
      %ge3A_440 = arith.constant 1 : i32
      %ge3A_441 = arith.cmpi sge, %add3A_21, %ge3A_440 : i32
      %sub3A_442 = arith.constant 1 : i32
      %sub3A_443 = arith.subi %add3A_21, %sub3A_442 : i32
      %jit3A_444 = arith.constant 6 : i32
      %eq3A_445 = arith.constant 0 : i32
      %eq3A_446 = arith.cmpi eq, %jit3A_444, %eq3A_445 : i32
      %jit3A_447 = arith.constant 1 : i32
      %select_n3A_448 = arith.select %eq3A_446, %jit3A_447, %jit3A_444 : i32
      %rem3A_449 = arith.remsi %sub3A_443, %select_n3A_448 : i32
      %ne3A_450 = arith.constant 0 : i32
      %ne3A_451 = arith.cmpi ne, %rem3A_449, %ne3A_450 : i32
      %lt3A_452 = arith.constant 0 : i32
      %lt3A_453 = arith.cmpi slt, %rem3A_449, %lt3A_452 : i32
      %lt3A_454 = arith.constant 0 : i32
      %lt3A_455 = arith.cmpi slt, %select_n3A_448, %lt3A_454 : i32
      %ne3A_456 = arith.xori %lt3A_453, %lt3A_455 : i1
      %and3A_457 = arith.andi %ne3A_456, %ne3A_451 : i1
      %add3A_458 = arith.addi %rem3A_449, %select_n3A_448 : i32
      %select_n3A_459 = arith.select %and3A_457, %add3A_458, %rem3A_449 : i32
      %eq3A_460 = arith.constant 5 : i32
      %eq3A_461 = arith.cmpi eq, %select_n3A_459, %eq3A_460 : i32
      %and3A_462 = arith.andi %ge3A_441, %eq3A_461 : i1
      %ge3A_463 = arith.constant 2 : i32
      %ge3A_464 = arith.cmpi sge, %add3A_21, %ge3A_463 : i32
      %sub3A_465 = arith.constant 2 : i32
      %sub3A_466 = arith.subi %add3A_21, %sub3A_465 : i32
      %jit3A_467 = arith.constant 6 : i32
      %eq3A_468 = arith.constant 0 : i32
      %eq3A_469 = arith.cmpi eq, %jit3A_467, %eq3A_468 : i32
      %jit3A_470 = arith.constant 1 : i32
      %select_n3A_471 = arith.select %eq3A_469, %jit3A_470, %jit3A_467 : i32
      %rem3A_472 = arith.remsi %sub3A_466, %select_n3A_471 : i32
      %ne3A_473 = arith.constant 0 : i32
      %ne3A_474 = arith.cmpi ne, %rem3A_472, %ne3A_473 : i32
      %lt3A_475 = arith.constant 0 : i32
      %lt3A_476 = arith.cmpi slt, %rem3A_472, %lt3A_475 : i32
      %lt3A_477 = arith.constant 0 : i32
      %lt3A_478 = arith.cmpi slt, %select_n3A_471, %lt3A_477 : i32
      %ne3A_479 = arith.xori %lt3A_476, %lt3A_478 : i1
      %and3A_480 = arith.andi %ne3A_479, %ne3A_474 : i1
      %add3A_481 = arith.addi %rem3A_472, %select_n3A_471 : i32
      %select_n3A_482 = arith.select %and3A_480, %add3A_481, %rem3A_472 : i32
      %eq3A_483 = arith.constant 5 : i32
      %eq3A_484 = arith.cmpi eq, %select_n3A_482, %eq3A_483 : i32
      %and3A_485 = arith.andi %ge3A_464, %eq3A_484 : i1
      %or3A_486 = arith.ori %and3A_462, %and3A_485 : i1
      %ge3A_487 = arith.constant 3 : i32
      %ge3A_488 = arith.cmpi sge, %add3A_21, %ge3A_487 : i32
      %sub3A_489 = arith.constant 3 : i32
      %sub3A_490 = arith.subi %add3A_21, %sub3A_489 : i32
      %jit3A_491 = arith.constant 6 : i32
      %eq3A_492 = arith.constant 0 : i32
      %eq3A_493 = arith.cmpi eq, %jit3A_491, %eq3A_492 : i32
      %jit3A_494 = arith.constant 1 : i32
      %select_n3A_495 = arith.select %eq3A_493, %jit3A_494, %jit3A_491 : i32
      %rem3A_496 = arith.remsi %sub3A_490, %select_n3A_495 : i32
      %ne3A_497 = arith.constant 0 : i32
      %ne3A_498 = arith.cmpi ne, %rem3A_496, %ne3A_497 : i32
      %lt3A_499 = arith.constant 0 : i32
      %lt3A_500 = arith.cmpi slt, %rem3A_496, %lt3A_499 : i32
      %lt3A_501 = arith.constant 0 : i32
      %lt3A_502 = arith.cmpi slt, %select_n3A_495, %lt3A_501 : i32
      %ne3A_503 = arith.xori %lt3A_500, %lt3A_502 : i1
      %and3A_504 = arith.andi %ne3A_503, %ne3A_498 : i1
      %add3A_505 = arith.addi %rem3A_496, %select_n3A_495 : i32
      %select_n3A_506 = arith.select %and3A_504, %add3A_505, %rem3A_496 : i32
      %eq3A_507 = arith.constant 5 : i32
      %eq3A_508 = arith.cmpi eq, %select_n3A_506, %eq3A_507 : i32
      %and3A_509 = arith.andi %ge3A_488, %eq3A_508 : i1
      %or3A_510 = arith.ori %or3A_486, %and3A_509 : i1
      %convert_element_type3A_511 = arith.extui %or3A_510 : i1 to i32
      %cond3A_512 = arith.constant 0 : i32
      %cond3A_513 = arith.cmpi ne, %convert_element_type3A_511, %cond3A_512 : i32
      scf.if %cond3A_513 {
        %dma_wait3A = arith.constant 0 : i32
        %dma_wait3A_514 = arith.constant 0 : i32
        %dma_wait3A_515 = tpu.memref_slice %arg2[%dma_wait3A, %dma_wait3A_514] : memref<10000x48xf32, #tpu.memory_space<hbm>> -> memref<128x48xf32, #tpu.memory_space<hbm>>
        %dma_wait3A_516 = arith.constant 0 : i32
        %dma_wait3A_517 = arith.constant 0 : i32
        %dma_wait3A_518 = tpu.memref_slice %arg2[%dma_wait3A_516, %dma_wait3A_517] : memref<10000x48xf32, #tpu.memory_space<hbm>> -> memref<128x48xf32, #tpu.memory_space<hbm>>
        tpu.wait_dma2 semaphore(%arg26 : memref<!tpu.dma_semaphore, #tpu.memory_space<semaphore_mem>>) src(%dma_wait3A_518 : memref<128x48xf32, #tpu.memory_space<hbm>>) dst(%arg13 : memref<128x48xf32, #tpu.memory_space<vmem>>)
      } else {
      }
    } else {
    }
    %eq3A_3 = arith.constant 1 : i32
    %eq3A_4 = arith.cmpi eq, %arg0, %eq3A_3 : i32
    %convert_element_type3A_5 = arith.extui %eq3A_4 : i1 to i32
    %cond3A_6 = arith.constant 0 : i32
    %cond3A_7 = arith.cmpi ne, %convert_element_type3A_5, %cond3A_6 : i32
    scf.if %cond3A_7 {
      %mul3A_13 = arith.constant 78 : i32
      %mul3A_14 = arith.muli %arg1, %mul3A_13 : i32
      %add3A = arith.constant 1252 : i32
      %add3A_15 = arith.addi %add3A, %mul3A_14 : i32
      %min3A = arith.constant 0 : i32
      %min3A_16 = arith.minsi %arg1, %min3A : i32
      %add3A_17 = arith.addi %add3A_15, %min3A_16 : i32
      %lt3A = arith.constant 0 : i32
      %lt3A_18 = arith.cmpi slt, %arg1, %lt3A : i32
      %jit3A = arith.constant 1 : i32
      %jit3A_19 = arith.constant 0 : i32
      %select_n3A = arith.select %lt3A_18, %jit3A, %jit3A_19 : i32
      %add3A_20 = arith.constant 78 : i32
      %add3A_21 = arith.addi %add3A_20, %select_n3A : i32
      %mul3A_22 = arith.constant 128 : i32
      %mul3A_23 = arith.muli %add3A_17, %mul3A_22 : i32
      %run_scoped3A = arith.constant 0 : i32
      "tpu.region"() ({
        %run_scoped3A_514 = tpu.sem_alloc : memref<!tpu.dma_semaphore, #tpu.memory_space<semaphore_mem>>
        %dma_start3A = arith.constant 0 : i32
        %dma_start3A_515 = tpu.memref_slice %arg7[%dma_start3A] : memref<10112xi32, #tpu.memory_space<vmem>> -> memref<9984xi32, #tpu.memory_space<vmem>>
        %dma_start3A_516 = tpu.memref_slice %arg3[%run_scoped3A, %mul3A_23] : memref<2x320000xi32, #tpu.memory_space<hbm>> -> memref<1x9984xi32, #tpu.memory_space<hbm>>
        %dma_start3A_517 = tpu.memref_squeeze %dma_start3A_516 : memref<1x9984xi32, #tpu.memory_space<hbm>> -> memref<9984xi32, #tpu.memory_space<hbm>>
        %dma_start3A_518 = arith.constant 0 : i32
        %dma_start3A_519 = tpu.memref_slice %arg7[%dma_start3A_518] : memref<10112xi32, #tpu.memory_space<vmem>> -> memref<9984xi32, #tpu.memory_space<vmem>>
        %dma_start3A_520 = tpu.memref_slice %arg3[%run_scoped3A, %mul3A_23] : memref<2x320000xi32, #tpu.memory_space<hbm>> -> memref<1x9984xi32, #tpu.memory_space<hbm>>
        %dma_start3A_521 = tpu.memref_squeeze %dma_start3A_520 : memref<1x9984xi32, #tpu.memory_space<hbm>> -> memref<9984xi32, #tpu.memory_space<hbm>>
        tpu.enqueue_dma source(%dma_start3A_521 : memref<9984xi32, #tpu.memory_space<hbm>>) target(%dma_start3A_519 : memref<9984xi32, #tpu.memory_space<vmem>>) target_semaphore(%run_scoped3A_514 : memref<!tpu.dma_semaphore, #tpu.memory_space<semaphore_mem>>)
        %dma_wait3A = arith.constant 0 : i32
        %dma_wait3A_522 = tpu.memref_slice %arg7[%dma_wait3A] : memref<10112xi32, #tpu.memory_space<vmem>> -> memref<9984xi32, #tpu.memory_space<vmem>>
        %dma_wait3A_523 = tpu.memref_slice %arg3[%run_scoped3A, %mul3A_23] : memref<2x320000xi32, #tpu.memory_space<hbm>> -> memref<1x9984xi32, #tpu.memory_space<hbm>>
        %dma_wait3A_524 = tpu.memref_squeeze %dma_wait3A_523 : memref<1x9984xi32, #tpu.memory_space<hbm>> -> memref<9984xi32, #tpu.memory_space<hbm>>
        %dma_wait3A_525 = arith.constant 0 : i32
        %dma_wait3A_526 = tpu.memref_slice %arg7[%dma_wait3A_525] : memref<10112xi32, #tpu.memory_space<vmem>> -> memref<9984xi32, #tpu.memory_space<vmem>>
        %dma_wait3A_527 = tpu.memref_slice %arg3[%run_scoped3A, %mul3A_23] : memref<2x320000xi32, #tpu.memory_space<hbm>> -> memref<1x9984xi32, #tpu.memory_space<hbm>>
        %dma_wait3A_528 = tpu.memref_squeeze %dma_wait3A_527 : memref<1x9984xi32, #tpu.memory_space<hbm>> -> memref<9984xi32, #tpu.memory_space<hbm>>
        tpu.wait_dma2 semaphore(%run_scoped3A_514 : memref<!tpu.dma_semaphore, #tpu.memory_space<semaphore_mem>>) src(%dma_wait3A_528 : memref<9984xi32, #tpu.memory_space<hbm>>) dst(%dma_wait3A_526 : memref<9984xi32, #tpu.memory_space<vmem>>)
        tpu.yield
      }) : () -> ()
      %mul3A_24 = arith.constant 128 : i32
      %mul3A_25 = arith.muli %add3A_17, %mul3A_24 : i32
      %run_scoped3A_26 = arith.constant 1 : i32
      "tpu.region"() ({
        %run_scoped3A_514 = tpu.sem_alloc : memref<!tpu.dma_semaphore, #tpu.memory_space<semaphore_mem>>
        %dma_start3A = arith.constant 0 : i32
        %dma_start3A_515 = tpu.memref_slice %arg6[%dma_start3A] : memref<10112xi32, #tpu.memory_space<vmem>> -> memref<9984xi32, #tpu.memory_space<vmem>>
        %dma_start3A_516 = tpu.memref_slice %arg3[%run_scoped3A_26, %mul3A_25] : memref<2x320000xi32, #tpu.memory_space<hbm>> -> memref<1x9984xi32, #tpu.memory_space<hbm>>
        %dma_start3A_517 = tpu.memref_squeeze %dma_start3A_516 : memref<1x9984xi32, #tpu.memory_space<hbm>> -> memref<9984xi32, #tpu.memory_space<hbm>>
        %dma_start3A_518 = arith.constant 0 : i32
        %dma_start3A_519 = tpu.memref_slice %arg6[%dma_start3A_518] : memref<10112xi32, #tpu.memory_space<vmem>> -> memref<9984xi32, #tpu.memory_space<vmem>>
        %dma_start3A_520 = tpu.memref_slice %arg3[%run_scoped3A_26, %mul3A_25] : memref<2x320000xi32, #tpu.memory_space<hbm>> -> memref<1x9984xi32, #tpu.memory_space<hbm>>
        %dma_start3A_521 = tpu.memref_squeeze %dma_start3A_520 : memref<1x9984xi32, #tpu.memory_space<hbm>> -> memref<9984xi32, #tpu.memory_space<hbm>>
        tpu.enqueue_dma source(%dma_start3A_521 : memref<9984xi32, #tpu.memory_space<hbm>>) target(%dma_start3A_519 : memref<9984xi32, #tpu.memory_space<vmem>>) target_semaphore(%run_scoped3A_514 : memref<!tpu.dma_semaphore, #tpu.memory_space<semaphore_mem>>)
        %dma_wait3A = arith.constant 0 : i32
        %dma_wait3A_522 = tpu.memref_slice %arg6[%dma_wait3A] : memref<10112xi32, #tpu.memory_space<vmem>> -> memref<9984xi32, #tpu.memory_space<vmem>>
        %dma_wait3A_523 = tpu.memref_slice %arg3[%run_scoped3A_26, %mul3A_25] : memref<2x320000xi32, #tpu.memory_space<hbm>> -> memref<1x9984xi32, #tpu.memory_space<hbm>>
        %dma_wait3A_524 = tpu.memref_squeeze %dma_wait3A_523 : memref<1x9984xi32, #tpu.memory_space<hbm>> -> memref<9984xi32, #tpu.memory_space<hbm>>
        %dma_wait3A_525 = arith.constant 0 : i32
        %dma_wait3A_526 = tpu.memref_slice %arg6[%dma_wait3A_525] : memref<10112xi32, #tpu.memory_space<vmem>> -> memref<9984xi32, #tpu.memory_space<vmem>>
        %dma_wait3A_527 = tpu.memref_slice %arg3[%run_scoped3A_26, %mul3A_25] : memref<2x320000xi32, #tpu.memory_space<hbm>> -> memref<1x9984xi32, #tpu.memory_space<hbm>>
        %dma_wait3A_528 = tpu.memref_squeeze %dma_wait3A_527 : memref<1x9984xi32, #tpu.memory_space<hbm>> -> memref<9984xi32, #tpu.memory_space<hbm>>
        tpu.wait_dma2 semaphore(%run_scoped3A_514 : memref<!tpu.dma_semaphore, #tpu.memory_space<semaphore_mem>>) src(%dma_wait3A_528 : memref<9984xi32, #tpu.memory_space<hbm>>) dst(%dma_wait3A_526 : memref<9984xi32, #tpu.memory_space<vmem>>)
        tpu.yield
      }) : () -> ()
      %gt3A = arith.constant 0 : i32
      %gt3A_27 = arith.cmpi sgt, %add3A_21, %gt3A : i32
      %convert_element_type3A_28 = arith.extui %gt3A_27 : i1 to i32
      %cond3A_29 = arith.constant 0 : i32
      %cond3A_30 = arith.cmpi ne, %convert_element_type3A_28, %cond3A_29 : i32
      scf.if %cond3A_30 {
        %dma_start3A = arith.constant 0 : i32
        %dma_start3A_514 = tpu.memref_slice %arg6[%dma_start3A] : memref<10112xi32, #tpu.memory_space<vmem>> -> memref<128xi32, #tpu.memory_space<vmem>>
        %dma_start3A_515 = arith.constant 0 : i32
        %dma_start3A_516 = arith.constant 0 : i32
        %dma_start3A_517 = tpu.memref_slice %arg2[%dma_start3A_515, %dma_start3A_516] : memref<10000x48xf32, #tpu.memory_space<hbm>> -> memref<10000x48xf32, #tpu.memory_space<hbm>>
        tpu.enqueue_indirect_dma source(%dma_start3A_517 : memref<10000x48xf32, #tpu.memory_space<hbm>>) target(%arg8 : memref<128x48xf32, #tpu.memory_space<vmem>>) offsets(%dma_start3A_514 : memref<128xi32, #tpu.memory_space<vmem>>) semaphore(%arg15 : memref<!tpu.dma_semaphore, #tpu.memory_space<semaphore_mem>>)
      } else {
      }
      %gt3A_31 = arith.constant 1 : i32
      %gt3A_32 = arith.cmpi sgt, %add3A_21, %gt3A_31 : i32
      %convert_element_type3A_33 = arith.extui %gt3A_32 : i1 to i32
      %cond3A_34 = arith.constant 0 : i32
      %cond3A_35 = arith.cmpi ne, %convert_element_type3A_33, %cond3A_34 : i32
      scf.if %cond3A_35 {
        %dma_start3A = arith.constant 128 : i32
        %dma_start3A_514 = tpu.memref_slice %arg6[%dma_start3A] : memref<10112xi32, #tpu.memory_space<vmem>> -> memref<128xi32, #tpu.memory_space<vmem>>
        %dma_start3A_515 = arith.constant 0 : i32
        %dma_start3A_516 = arith.constant 0 : i32
        %dma_start3A_517 = tpu.memref_slice %arg2[%dma_start3A_515, %dma_start3A_516] : memref<10000x48xf32, #tpu.memory_space<hbm>> -> memref<10000x48xf32, #tpu.memory_space<hbm>>
        tpu.enqueue_indirect_dma source(%dma_start3A_517 : memref<10000x48xf32, #tpu.memory_space<hbm>>) target(%arg9 : memref<128x48xf32, #tpu.memory_space<vmem>>) offsets(%dma_start3A_514 : memref<128xi32, #tpu.memory_space<vmem>>) semaphore(%arg16 : memref<!tpu.dma_semaphore, #tpu.memory_space<semaphore_mem>>)
      } else {
      }
      %gt3A_36 = arith.constant 2 : i32
      %gt3A_37 = arith.cmpi sgt, %add3A_21, %gt3A_36 : i32
      %convert_element_type3A_38 = arith.extui %gt3A_37 : i1 to i32
      %cond3A_39 = arith.constant 0 : i32
      %cond3A_40 = arith.cmpi ne, %convert_element_type3A_38, %cond3A_39 : i32
      scf.if %cond3A_40 {
        %dma_start3A = arith.constant 256 : i32
        %dma_start3A_514 = tpu.memref_slice %arg6[%dma_start3A] : memref<10112xi32, #tpu.memory_space<vmem>> -> memref<128xi32, #tpu.memory_space<vmem>>
        %dma_start3A_515 = arith.constant 0 : i32
        %dma_start3A_516 = arith.constant 0 : i32
        %dma_start3A_517 = tpu.memref_slice %arg2[%dma_start3A_515, %dma_start3A_516] : memref<10000x48xf32, #tpu.memory_space<hbm>> -> memref<10000x48xf32, #tpu.memory_space<hbm>>
        tpu.enqueue_indirect_dma source(%dma_start3A_517 : memref<10000x48xf32, #tpu.memory_space<hbm>>) target(%arg10 : memref<128x48xf32, #tpu.memory_space<vmem>>) offsets(%dma_start3A_514 : memref<128xi32, #tpu.memory_space<vmem>>) semaphore(%arg17 : memref<!tpu.dma_semaphore, #tpu.memory_space<semaphore_mem>>)
      } else {
      }
      %add3A_41 = arith.constant 6 : i32
      %add3A_42 = arith.addi %add3A_21, %add3A_41 : i32
      %sub3A = arith.constant 1 : i32
      %sub3A_43 = arith.subi %add3A_42, %sub3A : i32
      %jit3A_44 = arith.constant 6 : i32
      %div3A = arith.divsi %sub3A_43, %jit3A_44 : i32
      %sign3A = arith.constant 0 : i32
      %sign3A_45 = arith.cmpi sgt, %sub3A_43, %sign3A : i32
      %sign3A_46 = arith.extui %sign3A_45 : i1 to i32
      %sign3A_47 = arith.constant 0 : i32
      %sign3A_48 = arith.cmpi slt, %sub3A_43, %sign3A_47 : i32
      %sign3A_49 = arith.extui %sign3A_48 : i1 to i32
      %sign3A_50 = arith.subi %sign3A_46, %sign3A_49 : i32
      %sign3A_51 = arith.constant 0 : i32
      %sign3A_52 = arith.cmpi sgt, %jit3A_44, %sign3A_51 : i32
      %sign3A_53 = arith.extui %sign3A_52 : i1 to i32
      %sign3A_54 = arith.constant 0 : i32
      %sign3A_55 = arith.cmpi slt, %jit3A_44, %sign3A_54 : i32
      %sign3A_56 = arith.extui %sign3A_55 : i1 to i32
      %sign3A_57 = arith.subi %sign3A_53, %sign3A_56 : i32
      %ne3A = arith.cmpi ne, %sign3A_50, %sign3A_57 : i32
      %rem3A = arith.remsi %sub3A_43, %jit3A_44 : i32
      %ne3A_58 = arith.constant 0 : i32
      %ne3A_59 = arith.cmpi ne, %rem3A, %ne3A_58 : i32
      %and3A = arith.andi %ne3A, %ne3A_59 : i1
      %sub3A_60 = arith.constant 1 : i32
      %sub3A_61 = arith.subi %div3A, %sub3A_60 : i32
      %select_n3A_62 = arith.select %and3A, %sub3A_61, %div3A : i32
      %while3A = arith.constant 0 : i32
      %while3A_63 = arith.constant 0 : i32
      %while3A_64 = arith.subi %select_n3A_62, %while3A_63 : i32
      %while3A_65 = arith.addi %while3A_63, %while3A_64 : i32
      %while3A_66 = arith.constant 1 : i32
      %while3A_67 = arith.divsi %while3A_64, %while3A_66 : i32
      %while3A_68 = arith.muli %while3A_67, %while3A_66 : i32
      %while3A_69 = arith.addi %while3A_63, %while3A_68 : i32
      %while3A_70 = arith.constant 1 : i32
      scf.for %while3A_514 = %while3A_63 to %while3A_69 step %while3A_70  : i32 {
        %mul3A_515 = arith.constant 6 : i32
        %mul3A_516 = arith.muli %mul3A_515, %while3A_514 : i32
        %add3A_517 = arith.constant 0 : i32
        %add3A_518 = arith.addi %mul3A_516, %add3A_517 : i32
        %lt3A_519 = arith.cmpi slt, %add3A_518, %add3A_21 : i32
        %convert_element_type3A_520 = arith.extui %lt3A_519 : i1 to i32
        %cond3A_521 = arith.constant 0 : i32
        %cond3A_522 = arith.cmpi ne, %convert_element_type3A_520, %cond3A_521 : i32
        scf.if %cond3A_522 {
          %ge3A_563 = arith.constant 3 : i32
          %ge3A_564 = arith.cmpi sge, %add3A_518, %ge3A_563 : i32
          %convert_element_type3A_565 = arith.extui %ge3A_564 : i1 to i32
          %cond3A_566 = arith.constant 0 : i32
          %cond3A_567 = arith.cmpi ne, %convert_element_type3A_565, %cond3A_566 : i32
          scf.if %cond3A_567 {
            %dma_wait3A_584 = arith.constant 0 : i32
            %dma_wait3A_585 = arith.constant 0 : i32
            %dma_wait3A_586 = tpu.memref_slice %arg2[%dma_wait3A_584, %dma_wait3A_585] : memref<10000x48xf32, #tpu.memory_space<hbm>> -> memref<128x48xf32, #tpu.memory_space<hbm>>
            %dma_wait3A_587 = arith.constant 0 : i32
            %dma_wait3A_588 = arith.constant 0 : i32
            %dma_wait3A_589 = tpu.memref_slice %arg2[%dma_wait3A_587, %dma_wait3A_588] : memref<10000x48xf32, #tpu.memory_space<hbm>> -> memref<128x48xf32, #tpu.memory_space<hbm>>
            tpu.wait_dma2 semaphore(%arg24 : memref<!tpu.dma_semaphore, #tpu.memory_space<semaphore_mem>>) src(%dma_wait3A_589 : memref<128x48xf32, #tpu.memory_space<hbm>>) dst(%arg11 : memref<128x48xf32, #tpu.memory_space<vmem>>)
          } else {
          }
          %add3A_568 = arith.constant 3 : i32
          %add3A_569 = arith.addi %add3A_518, %add3A_568 : i32
          %lt3A_570 = arith.cmpi slt, %add3A_569, %add3A_21 : i32
          %convert_element_type3A_571 = arith.extui %lt3A_570 : i1 to i32
          %cond3A_572 = arith.constant 0 : i32
          %cond3A_573 = arith.cmpi ne, %convert_element_type3A_571, %cond3A_572 : i32
          scf.if %cond3A_573 {
            %add3A_584 = arith.constant 3 : i32
            %add3A_585 = arith.addi %add3A_518, %add3A_584 : i32
            %mul3A_586 = arith.constant 128 : i32
            %mul3A_587 = arith.muli %add3A_585, %mul3A_586 : i32
            %dma_start3A_588 = tpu.memref_slice %arg6[%mul3A_587] : memref<10112xi32, #tpu.memory_space<vmem>> -> memref<128xi32, #tpu.memory_space<vmem>>
            %dma_start3A_589 = arith.constant 0 : i32
            %dma_start3A_590 = arith.constant 0 : i32
            %dma_start3A_591 = tpu.memref_slice %arg2[%dma_start3A_589, %dma_start3A_590] : memref<10000x48xf32, #tpu.memory_space<hbm>> -> memref<10000x48xf32, #tpu.memory_space<hbm>>
            tpu.enqueue_indirect_dma source(%dma_start3A_591 : memref<10000x48xf32, #tpu.memory_space<hbm>>) target(%arg11 : memref<128x48xf32, #tpu.memory_space<vmem>>) offsets(%dma_start3A_588 : memref<128xi32, #tpu.memory_space<vmem>>) semaphore(%arg18 : memref<!tpu.dma_semaphore, #tpu.memory_space<semaphore_mem>>)
          } else {
          }
          %dma_wait3A = arith.constant 0 : i32
          %dma_wait3A_574 = arith.constant 0 : i32
          %dma_wait3A_575 = tpu.memref_slice %arg2[%dma_wait3A, %dma_wait3A_574] : memref<10000x48xf32, #tpu.memory_space<hbm>> -> memref<128x48xf32, #tpu.memory_space<hbm>>
          %dma_wait3A_576 = arith.constant 0 : i32
          %dma_wait3A_577 = arith.constant 0 : i32
          %dma_wait3A_578 = tpu.memref_slice %arg2[%dma_wait3A_576, %dma_wait3A_577] : memref<10000x48xf32, #tpu.memory_space<hbm>> -> memref<128x48xf32, #tpu.memory_space<hbm>>
          tpu.wait_dma2 semaphore(%arg15 : memref<!tpu.dma_semaphore, #tpu.memory_space<semaphore_mem>>) src(%dma_wait3A_578 : memref<128x48xf32, #tpu.memory_space<hbm>>) dst(%arg8 : memref<128x48xf32, #tpu.memory_space<vmem>>)
          %mul3A_579 = arith.constant 128 : i32
          %mul3A_580 = arith.muli %add3A_518, %mul3A_579 : i32
          %dma_start3A = tpu.memref_slice %arg7[%mul3A_580] : memref<10112xi32, #tpu.memory_space<vmem>> -> memref<128xi32, #tpu.memory_space<vmem>>
          %dma_start3A_581 = arith.constant 0 : i32
          %dma_start3A_582 = arith.constant 0 : i32
          %dma_start3A_583 = tpu.memref_slice %arg14[%dma_start3A_581, %dma_start3A_582] : memref<10112x48xf32, #tpu.memory_space<vmem_shared>> -> memref<10112x48xf32, #tpu.memory_space<vmem_shared>>
          tpu.enqueue_indirect_dma source(%arg8 : memref<128x48xf32, #tpu.memory_space<vmem>>) target(%dma_start3A_583 : memref<10112x48xf32, #tpu.memory_space<vmem_shared>>) offsets(%dma_start3A : memref<128xi32, #tpu.memory_space<vmem>>) semaphore(%arg21 : memref<!tpu.dma_semaphore, #tpu.memory_space<semaphore_mem>>) {add = true}
        } else {
        }
        %mul3A_523 = arith.constant 6 : i32
        %mul3A_524 = arith.muli %mul3A_523, %while3A_514 : i32
        %add3A_525 = arith.constant 1 : i32
        %add3A_526 = arith.addi %mul3A_524, %add3A_525 : i32
        %lt3A_527 = arith.cmpi slt, %add3A_526, %add3A_21 : i32
        %convert_element_type3A_528 = arith.extui %lt3A_527 : i1 to i32
        %cond3A_529 = arith.constant 0 : i32
        %cond3A_530 = arith.cmpi ne, %convert_element_type3A_528, %cond3A_529 : i32
        scf.if %cond3A_530 {
          %ge3A_563 = arith.constant 3 : i32
          %ge3A_564 = arith.cmpi sge, %add3A_526, %ge3A_563 : i32
          %convert_element_type3A_565 = arith.extui %ge3A_564 : i1 to i32
          %cond3A_566 = arith.constant 0 : i32
          %cond3A_567 = arith.cmpi ne, %convert_element_type3A_565, %cond3A_566 : i32
          scf.if %cond3A_567 {
            %dma_wait3A_584 = arith.constant 0 : i32
            %dma_wait3A_585 = arith.constant 0 : i32
            %dma_wait3A_586 = tpu.memref_slice %arg2[%dma_wait3A_584, %dma_wait3A_585] : memref<10000x48xf32, #tpu.memory_space<hbm>> -> memref<128x48xf32, #tpu.memory_space<hbm>>
            %dma_wait3A_587 = arith.constant 0 : i32
            %dma_wait3A_588 = arith.constant 0 : i32
            %dma_wait3A_589 = tpu.memref_slice %arg2[%dma_wait3A_587, %dma_wait3A_588] : memref<10000x48xf32, #tpu.memory_space<hbm>> -> memref<128x48xf32, #tpu.memory_space<hbm>>
            tpu.wait_dma2 semaphore(%arg25 : memref<!tpu.dma_semaphore, #tpu.memory_space<semaphore_mem>>) src(%dma_wait3A_589 : memref<128x48xf32, #tpu.memory_space<hbm>>) dst(%arg12 : memref<128x48xf32, #tpu.memory_space<vmem>>)
          } else {
          }
          %add3A_568 = arith.constant 3 : i32
          %add3A_569 = arith.addi %add3A_526, %add3A_568 : i32
          %lt3A_570 = arith.cmpi slt, %add3A_569, %add3A_21 : i32
          %convert_element_type3A_571 = arith.extui %lt3A_570 : i1 to i32
          %cond3A_572 = arith.constant 0 : i32
          %cond3A_573 = arith.cmpi ne, %convert_element_type3A_571, %cond3A_572 : i32
          scf.if %cond3A_573 {
            %add3A_584 = arith.constant 3 : i32
            %add3A_585 = arith.addi %add3A_526, %add3A_584 : i32
            %mul3A_586 = arith.constant 128 : i32
            %mul3A_587 = arith.muli %add3A_585, %mul3A_586 : i32
            %dma_start3A_588 = tpu.memref_slice %arg6[%mul3A_587] : memref<10112xi32, #tpu.memory_space<vmem>> -> memref<128xi32, #tpu.memory_space<vmem>>
            %dma_start3A_589 = arith.constant 0 : i32
            %dma_start3A_590 = arith.constant 0 : i32
            %dma_start3A_591 = tpu.memref_slice %arg2[%dma_start3A_589, %dma_start3A_590] : memref<10000x48xf32, #tpu.memory_space<hbm>> -> memref<10000x48xf32, #tpu.memory_space<hbm>>
            tpu.enqueue_indirect_dma source(%dma_start3A_591 : memref<10000x48xf32, #tpu.memory_space<hbm>>) target(%arg12 : memref<128x48xf32, #tpu.memory_space<vmem>>) offsets(%dma_start3A_588 : memref<128xi32, #tpu.memory_space<vmem>>) semaphore(%arg19 : memref<!tpu.dma_semaphore, #tpu.memory_space<semaphore_mem>>)
          } else {
          }
          %dma_wait3A = arith.constant 0 : i32
          %dma_wait3A_574 = arith.constant 0 : i32
          %dma_wait3A_575 = tpu.memref_slice %arg2[%dma_wait3A, %dma_wait3A_574] : memref<10000x48xf32, #tpu.memory_space<hbm>> -> memref<128x48xf32, #tpu.memory_space<hbm>>
          %dma_wait3A_576 = arith.constant 0 : i32
          %dma_wait3A_577 = arith.constant 0 : i32
          %dma_wait3A_578 = tpu.memref_slice %arg2[%dma_wait3A_576, %dma_wait3A_577] : memref<10000x48xf32, #tpu.memory_space<hbm>> -> memref<128x48xf32, #tpu.memory_space<hbm>>
          tpu.wait_dma2 semaphore(%arg16 : memref<!tpu.dma_semaphore, #tpu.memory_space<semaphore_mem>>) src(%dma_wait3A_578 : memref<128x48xf32, #tpu.memory_space<hbm>>) dst(%arg9 : memref<128x48xf32, #tpu.memory_space<vmem>>)
          %mul3A_579 = arith.constant 128 : i32
          %mul3A_580 = arith.muli %add3A_526, %mul3A_579 : i32
          %dma_start3A = tpu.memref_slice %arg7[%mul3A_580] : memref<10112xi32, #tpu.memory_space<vmem>> -> memref<128xi32, #tpu.memory_space<vmem>>
          %dma_start3A_581 = arith.constant 0 : i32
          %dma_start3A_582 = arith.constant 0 : i32
          %dma_start3A_583 = tpu.memref_slice %arg14[%dma_start3A_581, %dma_start3A_582] : memref<10112x48xf32, #tpu.memory_space<vmem_shared>> -> memref<10112x48xf32, #tpu.memory_space<vmem_shared>>
          tpu.enqueue_indirect_dma source(%arg9 : memref<128x48xf32, #tpu.memory_space<vmem>>) target(%dma_start3A_583 : memref<10112x48xf32, #tpu.memory_space<vmem_shared>>) offsets(%dma_start3A : memref<128xi32, #tpu.memory_space<vmem>>) semaphore(%arg22 : memref<!tpu.dma_semaphore, #tpu.memory_space<semaphore_mem>>) {add = true}
        } else {
        }
        %mul3A_531 = arith.constant 6 : i32
        %mul3A_532 = arith.muli %mul3A_531, %while3A_514 : i32
        %add3A_533 = arith.constant 2 : i32
        %add3A_534 = arith.addi %mul3A_532, %add3A_533 : i32
        %lt3A_535 = arith.cmpi slt, %add3A_534, %add3A_21 : i32
        %convert_element_type3A_536 = arith.extui %lt3A_535 : i1 to i32
        %cond3A_537 = arith.constant 0 : i32
        %cond3A_538 = arith.cmpi ne, %convert_element_type3A_536, %cond3A_537 : i32
        scf.if %cond3A_538 {
          %ge3A_563 = arith.constant 3 : i32
          %ge3A_564 = arith.cmpi sge, %add3A_534, %ge3A_563 : i32
          %convert_element_type3A_565 = arith.extui %ge3A_564 : i1 to i32
          %cond3A_566 = arith.constant 0 : i32
          %cond3A_567 = arith.cmpi ne, %convert_element_type3A_565, %cond3A_566 : i32
          scf.if %cond3A_567 {
            %dma_wait3A_584 = arith.constant 0 : i32
            %dma_wait3A_585 = arith.constant 0 : i32
            %dma_wait3A_586 = tpu.memref_slice %arg2[%dma_wait3A_584, %dma_wait3A_585] : memref<10000x48xf32, #tpu.memory_space<hbm>> -> memref<128x48xf32, #tpu.memory_space<hbm>>
            %dma_wait3A_587 = arith.constant 0 : i32
            %dma_wait3A_588 = arith.constant 0 : i32
            %dma_wait3A_589 = tpu.memref_slice %arg2[%dma_wait3A_587, %dma_wait3A_588] : memref<10000x48xf32, #tpu.memory_space<hbm>> -> memref<128x48xf32, #tpu.memory_space<hbm>>
            tpu.wait_dma2 semaphore(%arg26 : memref<!tpu.dma_semaphore, #tpu.memory_space<semaphore_mem>>) src(%dma_wait3A_589 : memref<128x48xf32, #tpu.memory_space<hbm>>) dst(%arg13 : memref<128x48xf32, #tpu.memory_space<vmem>>)
          } else {
          }
          %add3A_568 = arith.constant 3 : i32
          %add3A_569 = arith.addi %add3A_534, %add3A_568 : i32
          %lt3A_570 = arith.cmpi slt, %add3A_569, %add3A_21 : i32
          %convert_element_type3A_571 = arith.extui %lt3A_570 : i1 to i32
          %cond3A_572 = arith.constant 0 : i32
          %cond3A_573 = arith.cmpi ne, %convert_element_type3A_571, %cond3A_572 : i32
          scf.if %cond3A_573 {
            %add3A_584 = arith.constant 3 : i32
            %add3A_585 = arith.addi %add3A_534, %add3A_584 : i32
            %mul3A_586 = arith.constant 128 : i32
            %mul3A_587 = arith.muli %add3A_585, %mul3A_586 : i32
            %dma_start3A_588 = tpu.memref_slice %arg6[%mul3A_587] : memref<10112xi32, #tpu.memory_space<vmem>> -> memref<128xi32, #tpu.memory_space<vmem>>
            %dma_start3A_589 = arith.constant 0 : i32
            %dma_start3A_590 = arith.constant 0 : i32
            %dma_start3A_591 = tpu.memref_slice %arg2[%dma_start3A_589, %dma_start3A_590] : memref<10000x48xf32, #tpu.memory_space<hbm>> -> memref<10000x48xf32, #tpu.memory_space<hbm>>
            tpu.enqueue_indirect_dma source(%dma_start3A_591 : memref<10000x48xf32, #tpu.memory_space<hbm>>) target(%arg13 : memref<128x48xf32, #tpu.memory_space<vmem>>) offsets(%dma_start3A_588 : memref<128xi32, #tpu.memory_space<vmem>>) semaphore(%arg20 : memref<!tpu.dma_semaphore, #tpu.memory_space<semaphore_mem>>)
          } else {
          }
          %dma_wait3A = arith.constant 0 : i32
          %dma_wait3A_574 = arith.constant 0 : i32
          %dma_wait3A_575 = tpu.memref_slice %arg2[%dma_wait3A, %dma_wait3A_574] : memref<10000x48xf32, #tpu.memory_space<hbm>> -> memref<128x48xf32, #tpu.memory_space<hbm>>
          %dma_wait3A_576 = arith.constant 0 : i32
          %dma_wait3A_577 = arith.constant 0 : i32
          %dma_wait3A_578 = tpu.memref_slice %arg2[%dma_wait3A_576, %dma_wait3A_577] : memref<10000x48xf32, #tpu.memory_space<hbm>> -> memref<128x48xf32, #tpu.memory_space<hbm>>
          tpu.wait_dma2 semaphore(%arg17 : memref<!tpu.dma_semaphore, #tpu.memory_space<semaphore_mem>>) src(%dma_wait3A_578 : memref<128x48xf32, #tpu.memory_space<hbm>>) dst(%arg10 : memref<128x48xf32, #tpu.memory_space<vmem>>)
          %mul3A_579 = arith.constant 128 : i32
          %mul3A_580 = arith.muli %add3A_534, %mul3A_579 : i32
          %dma_start3A = tpu.memref_slice %arg7[%mul3A_580] : memref<10112xi32, #tpu.memory_space<vmem>> -> memref<128xi32, #tpu.memory_space<vmem>>
          %dma_start3A_581 = arith.constant 0 : i32
          %dma_start3A_582 = arith.constant 0 : i32
          %dma_start3A_583 = tpu.memref_slice %arg14[%dma_start3A_581, %dma_start3A_582] : memref<10112x48xf32, #tpu.memory_space<vmem_shared>> -> memref<10112x48xf32, #tpu.memory_space<vmem_shared>>
          tpu.enqueue_indirect_dma source(%arg10 : memref<128x48xf32, #tpu.memory_space<vmem>>) target(%dma_start3A_583 : memref<10112x48xf32, #tpu.memory_space<vmem_shared>>) offsets(%dma_start3A : memref<128xi32, #tpu.memory_space<vmem>>) semaphore(%arg23 : memref<!tpu.dma_semaphore, #tpu.memory_space<semaphore_mem>>) {add = true}
        } else {
        }
        %mul3A_539 = arith.constant 6 : i32
        %mul3A_540 = arith.muli %mul3A_539, %while3A_514 : i32
        %add3A_541 = arith.constant 3 : i32
        %add3A_542 = arith.addi %mul3A_540, %add3A_541 : i32
        %lt3A_543 = arith.cmpi slt, %add3A_542, %add3A_21 : i32
        %convert_element_type3A_544 = arith.extui %lt3A_543 : i1 to i32
        %cond3A_545 = arith.constant 0 : i32
        %cond3A_546 = arith.cmpi ne, %convert_element_type3A_544, %cond3A_545 : i32
        scf.if %cond3A_546 {
          %ge3A_563 = arith.constant 3 : i32
          %ge3A_564 = arith.cmpi sge, %add3A_542, %ge3A_563 : i32
          %convert_element_type3A_565 = arith.extui %ge3A_564 : i1 to i32
          %cond3A_566 = arith.constant 0 : i32
          %cond3A_567 = arith.cmpi ne, %convert_element_type3A_565, %cond3A_566 : i32
          scf.if %cond3A_567 {
            %dma_wait3A_584 = arith.constant 0 : i32
            %dma_wait3A_585 = arith.constant 0 : i32
            %dma_wait3A_586 = tpu.memref_slice %arg2[%dma_wait3A_584, %dma_wait3A_585] : memref<10000x48xf32, #tpu.memory_space<hbm>> -> memref<128x48xf32, #tpu.memory_space<hbm>>
            %dma_wait3A_587 = arith.constant 0 : i32
            %dma_wait3A_588 = arith.constant 0 : i32
            %dma_wait3A_589 = tpu.memref_slice %arg2[%dma_wait3A_587, %dma_wait3A_588] : memref<10000x48xf32, #tpu.memory_space<hbm>> -> memref<128x48xf32, #tpu.memory_space<hbm>>
            tpu.wait_dma2 semaphore(%arg21 : memref<!tpu.dma_semaphore, #tpu.memory_space<semaphore_mem>>) src(%dma_wait3A_589 : memref<128x48xf32, #tpu.memory_space<hbm>>) dst(%arg8 : memref<128x48xf32, #tpu.memory_space<vmem>>)
          } else {
          }
          %add3A_568 = arith.constant 3 : i32
          %add3A_569 = arith.addi %add3A_542, %add3A_568 : i32
          %lt3A_570 = arith.cmpi slt, %add3A_569, %add3A_21 : i32
          %convert_element_type3A_571 = arith.extui %lt3A_570 : i1 to i32
          %cond3A_572 = arith.constant 0 : i32
          %cond3A_573 = arith.cmpi ne, %convert_element_type3A_571, %cond3A_572 : i32
          scf.if %cond3A_573 {
            %add3A_584 = arith.constant 3 : i32
            %add3A_585 = arith.addi %add3A_542, %add3A_584 : i32
            %mul3A_586 = arith.constant 128 : i32
            %mul3A_587 = arith.muli %add3A_585, %mul3A_586 : i32
            %dma_start3A_588 = tpu.memref_slice %arg6[%mul3A_587] : memref<10112xi32, #tpu.memory_space<vmem>> -> memref<128xi32, #tpu.memory_space<vmem>>
            %dma_start3A_589 = arith.constant 0 : i32
            %dma_start3A_590 = arith.constant 0 : i32
            %dma_start3A_591 = tpu.memref_slice %arg2[%dma_start3A_589, %dma_start3A_590] : memref<10000x48xf32, #tpu.memory_space<hbm>> -> memref<10000x48xf32, #tpu.memory_space<hbm>>
            tpu.enqueue_indirect_dma source(%dma_start3A_591 : memref<10000x48xf32, #tpu.memory_space<hbm>>) target(%arg8 : memref<128x48xf32, #tpu.memory_space<vmem>>) offsets(%dma_start3A_588 : memref<128xi32, #tpu.memory_space<vmem>>) semaphore(%arg15 : memref<!tpu.dma_semaphore, #tpu.memory_space<semaphore_mem>>)
          } else {
          }
          %dma_wait3A = arith.constant 0 : i32
          %dma_wait3A_574 = arith.constant 0 : i32
          %dma_wait3A_575 = tpu.memref_slice %arg2[%dma_wait3A, %dma_wait3A_574] : memref<10000x48xf32, #tpu.memory_space<hbm>> -> memref<128x48xf32, #tpu.memory_space<hbm>>
          %dma_wait3A_576 = arith.constant 0 : i32
          %dma_wait3A_577 = arith.constant 0 : i32
          %dma_wait3A_578 = tpu.memref_slice %arg2[%dma_wait3A_576, %dma_wait3A_577] : memref<10000x48xf32, #tpu.memory_space<hbm>> -> memref<128x48xf32, #tpu.memory_space<hbm>>
          tpu.wait_dma2 semaphore(%arg18 : memref<!tpu.dma_semaphore, #tpu.memory_space<semaphore_mem>>) src(%dma_wait3A_578 : memref<128x48xf32, #tpu.memory_space<hbm>>) dst(%arg11 : memref<128x48xf32, #tpu.memory_space<vmem>>)
          %mul3A_579 = arith.constant 128 : i32
          %mul3A_580 = arith.muli %add3A_542, %mul3A_579 : i32
          %dma_start3A = tpu.memref_slice %arg7[%mul3A_580] : memref<10112xi32, #tpu.memory_space<vmem>> -> memref<128xi32, #tpu.memory_space<vmem>>
          %dma_start3A_581 = arith.constant 0 : i32
          %dma_start3A_582 = arith.constant 0 : i32
          %dma_start3A_583 = tpu.memref_slice %arg14[%dma_start3A_581, %dma_start3A_582] : memref<10112x48xf32, #tpu.memory_space<vmem_shared>> -> memref<10112x48xf32, #tpu.memory_space<vmem_shared>>
          tpu.enqueue_indirect_dma source(%arg11 : memref<128x48xf32, #tpu.memory_space<vmem>>) target(%dma_start3A_583 : memref<10112x48xf32, #tpu.memory_space<vmem_shared>>) offsets(%dma_start3A : memref<128xi32, #tpu.memory_space<vmem>>) semaphore(%arg24 : memref<!tpu.dma_semaphore, #tpu.memory_space<semaphore_mem>>) {add = true}
        } else {
        }
        %mul3A_547 = arith.constant 6 : i32
        %mul3A_548 = arith.muli %mul3A_547, %while3A_514 : i32
        %add3A_549 = arith.constant 4 : i32
        %add3A_550 = arith.addi %mul3A_548, %add3A_549 : i32
        %lt3A_551 = arith.cmpi slt, %add3A_550, %add3A_21 : i32
        %convert_element_type3A_552 = arith.extui %lt3A_551 : i1 to i32
        %cond3A_553 = arith.constant 0 : i32
        %cond3A_554 = arith.cmpi ne, %convert_element_type3A_552, %cond3A_553 : i32
        scf.if %cond3A_554 {
          %ge3A_563 = arith.constant 3 : i32
          %ge3A_564 = arith.cmpi sge, %add3A_550, %ge3A_563 : i32
          %convert_element_type3A_565 = arith.extui %ge3A_564 : i1 to i32
          %cond3A_566 = arith.constant 0 : i32
          %cond3A_567 = arith.cmpi ne, %convert_element_type3A_565, %cond3A_566 : i32
          scf.if %cond3A_567 {
            %dma_wait3A_584 = arith.constant 0 : i32
            %dma_wait3A_585 = arith.constant 0 : i32
            %dma_wait3A_586 = tpu.memref_slice %arg2[%dma_wait3A_584, %dma_wait3A_585] : memref<10000x48xf32, #tpu.memory_space<hbm>> -> memref<128x48xf32, #tpu.memory_space<hbm>>
            %dma_wait3A_587 = arith.constant 0 : i32
            %dma_wait3A_588 = arith.constant 0 : i32
            %dma_wait3A_589 = tpu.memref_slice %arg2[%dma_wait3A_587, %dma_wait3A_588] : memref<10000x48xf32, #tpu.memory_space<hbm>> -> memref<128x48xf32, #tpu.memory_space<hbm>>
            tpu.wait_dma2 semaphore(%arg22 : memref<!tpu.dma_semaphore, #tpu.memory_space<semaphore_mem>>) src(%dma_wait3A_589 : memref<128x48xf32, #tpu.memory_space<hbm>>) dst(%arg9 : memref<128x48xf32, #tpu.memory_space<vmem>>)
          } else {
          }
          %add3A_568 = arith.constant 3 : i32
          %add3A_569 = arith.addi %add3A_550, %add3A_568 : i32
          %lt3A_570 = arith.cmpi slt, %add3A_569, %add3A_21 : i32
          %convert_element_type3A_571 = arith.extui %lt3A_570 : i1 to i32
          %cond3A_572 = arith.constant 0 : i32
          %cond3A_573 = arith.cmpi ne, %convert_element_type3A_571, %cond3A_572 : i32
          scf.if %cond3A_573 {
            %add3A_584 = arith.constant 3 : i32
            %add3A_585 = arith.addi %add3A_550, %add3A_584 : i32
            %mul3A_586 = arith.constant 128 : i32
            %mul3A_587 = arith.muli %add3A_585, %mul3A_586 : i32
            %dma_start3A_588 = tpu.memref_slice %arg6[%mul3A_587] : memref<10112xi32, #tpu.memory_space<vmem>> -> memref<128xi32, #tpu.memory_space<vmem>>
            %dma_start3A_589 = arith.constant 0 : i32
            %dma_start3A_590 = arith.constant 0 : i32
            %dma_start3A_591 = tpu.memref_slice %arg2[%dma_start3A_589, %dma_start3A_590] : memref<10000x48xf32, #tpu.memory_space<hbm>> -> memref<10000x48xf32, #tpu.memory_space<hbm>>
            tpu.enqueue_indirect_dma source(%dma_start3A_591 : memref<10000x48xf32, #tpu.memory_space<hbm>>) target(%arg9 : memref<128x48xf32, #tpu.memory_space<vmem>>) offsets(%dma_start3A_588 : memref<128xi32, #tpu.memory_space<vmem>>) semaphore(%arg16 : memref<!tpu.dma_semaphore, #tpu.memory_space<semaphore_mem>>)
          } else {
          }
          %dma_wait3A = arith.constant 0 : i32
          %dma_wait3A_574 = arith.constant 0 : i32
          %dma_wait3A_575 = tpu.memref_slice %arg2[%dma_wait3A, %dma_wait3A_574] : memref<10000x48xf32, #tpu.memory_space<hbm>> -> memref<128x48xf32, #tpu.memory_space<hbm>>
          %dma_wait3A_576 = arith.constant 0 : i32
          %dma_wait3A_577 = arith.constant 0 : i32
          %dma_wait3A_578 = tpu.memref_slice %arg2[%dma_wait3A_576, %dma_wait3A_577] : memref<10000x48xf32, #tpu.memory_space<hbm>> -> memref<128x48xf32, #tpu.memory_space<hbm>>
          tpu.wait_dma2 semaphore(%arg19 : memref<!tpu.dma_semaphore, #tpu.memory_space<semaphore_mem>>) src(%dma_wait3A_578 : memref<128x48xf32, #tpu.memory_space<hbm>>) dst(%arg12 : memref<128x48xf32, #tpu.memory_space<vmem>>)
          %mul3A_579 = arith.constant 128 : i32
          %mul3A_580 = arith.muli %add3A_550, %mul3A_579 : i32
          %dma_start3A = tpu.memref_slice %arg7[%mul3A_580] : memref<10112xi32, #tpu.memory_space<vmem>> -> memref<128xi32, #tpu.memory_space<vmem>>
          %dma_start3A_581 = arith.constant 0 : i32
          %dma_start3A_582 = arith.constant 0 : i32
          %dma_start3A_583 = tpu.memref_slice %arg14[%dma_start3A_581, %dma_start3A_582] : memref<10112x48xf32, #tpu.memory_space<vmem_shared>> -> memref<10112x48xf32, #tpu.memory_space<vmem_shared>>
          tpu.enqueue_indirect_dma source(%arg12 : memref<128x48xf32, #tpu.memory_space<vmem>>) target(%dma_start3A_583 : memref<10112x48xf32, #tpu.memory_space<vmem_shared>>) offsets(%dma_start3A : memref<128xi32, #tpu.memory_space<vmem>>) semaphore(%arg25 : memref<!tpu.dma_semaphore, #tpu.memory_space<semaphore_mem>>) {add = true}
        } else {
        }
        %mul3A_555 = arith.constant 6 : i32
        %mul3A_556 = arith.muli %mul3A_555, %while3A_514 : i32
        %add3A_557 = arith.constant 5 : i32
        %add3A_558 = arith.addi %mul3A_556, %add3A_557 : i32
        %lt3A_559 = arith.cmpi slt, %add3A_558, %add3A_21 : i32
        %convert_element_type3A_560 = arith.extui %lt3A_559 : i1 to i32
        %cond3A_561 = arith.constant 0 : i32
        %cond3A_562 = arith.cmpi ne, %convert_element_type3A_560, %cond3A_561 : i32
        scf.if %cond3A_562 {
          %ge3A_563 = arith.constant 3 : i32
          %ge3A_564 = arith.cmpi sge, %add3A_558, %ge3A_563 : i32
          %convert_element_type3A_565 = arith.extui %ge3A_564 : i1 to i32
          %cond3A_566 = arith.constant 0 : i32
          %cond3A_567 = arith.cmpi ne, %convert_element_type3A_565, %cond3A_566 : i32
          scf.if %cond3A_567 {
            %dma_wait3A_584 = arith.constant 0 : i32
            %dma_wait3A_585 = arith.constant 0 : i32
            %dma_wait3A_586 = tpu.memref_slice %arg2[%dma_wait3A_584, %dma_wait3A_585] : memref<10000x48xf32, #tpu.memory_space<hbm>> -> memref<128x48xf32, #tpu.memory_space<hbm>>
            %dma_wait3A_587 = arith.constant 0 : i32
            %dma_wait3A_588 = arith.constant 0 : i32
            %dma_wait3A_589 = tpu.memref_slice %arg2[%dma_wait3A_587, %dma_wait3A_588] : memref<10000x48xf32, #tpu.memory_space<hbm>> -> memref<128x48xf32, #tpu.memory_space<hbm>>
            tpu.wait_dma2 semaphore(%arg23 : memref<!tpu.dma_semaphore, #tpu.memory_space<semaphore_mem>>) src(%dma_wait3A_589 : memref<128x48xf32, #tpu.memory_space<hbm>>) dst(%arg10 : memref<128x48xf32, #tpu.memory_space<vmem>>)
          } else {
          }
          %add3A_568 = arith.constant 3 : i32
          %add3A_569 = arith.addi %add3A_558, %add3A_568 : i32
          %lt3A_570 = arith.cmpi slt, %add3A_569, %add3A_21 : i32
          %convert_element_type3A_571 = arith.extui %lt3A_570 : i1 to i32
          %cond3A_572 = arith.constant 0 : i32
          %cond3A_573 = arith.cmpi ne, %convert_element_type3A_571, %cond3A_572 : i32
          scf.if %cond3A_573 {
            %add3A_584 = arith.constant 3 : i32
            %add3A_585 = arith.addi %add3A_558, %add3A_584 : i32
            %mul3A_586 = arith.constant 128 : i32
            %mul3A_587 = arith.muli %add3A_585, %mul3A_586 : i32
            %dma_start3A_588 = tpu.memref_slice %arg6[%mul3A_587] : memref<10112xi32, #tpu.memory_space<vmem>> -> memref<128xi32, #tpu.memory_space<vmem>>
            %dma_start3A_589 = arith.constant 0 : i32
            %dma_start3A_590 = arith.constant 0 : i32
            %dma_start3A_591 = tpu.memref_slice %arg2[%dma_start3A_589, %dma_start3A_590] : memref<10000x48xf32, #tpu.memory_space<hbm>> -> memref<10000x48xf32, #tpu.memory_space<hbm>>
            tpu.enqueue_indirect_dma source(%dma_start3A_591 : memref<10000x48xf32, #tpu.memory_space<hbm>>) target(%arg10 : memref<128x48xf32, #tpu.memory_space<vmem>>) offsets(%dma_start3A_588 : memref<128xi32, #tpu.memory_space<vmem>>) semaphore(%arg17 : memref<!tpu.dma_semaphore, #tpu.memory_space<semaphore_mem>>)
          } else {
          }
          %dma_wait3A = arith.constant 0 : i32
          %dma_wait3A_574 = arith.constant 0 : i32
          %dma_wait3A_575 = tpu.memref_slice %arg2[%dma_wait3A, %dma_wait3A_574] : memref<10000x48xf32, #tpu.memory_space<hbm>> -> memref<128x48xf32, #tpu.memory_space<hbm>>
          %dma_wait3A_576 = arith.constant 0 : i32
          %dma_wait3A_577 = arith.constant 0 : i32
          %dma_wait3A_578 = tpu.memref_slice %arg2[%dma_wait3A_576, %dma_wait3A_577] : memref<10000x48xf32, #tpu.memory_space<hbm>> -> memref<128x48xf32, #tpu.memory_space<hbm>>
          tpu.wait_dma2 semaphore(%arg20 : memref<!tpu.dma_semaphore, #tpu.memory_space<semaphore_mem>>) src(%dma_wait3A_578 : memref<128x48xf32, #tpu.memory_space<hbm>>) dst(%arg13 : memref<128x48xf32, #tpu.memory_space<vmem>>)
          %mul3A_579 = arith.constant 128 : i32
          %mul3A_580 = arith.muli %add3A_558, %mul3A_579 : i32
          %dma_start3A = tpu.memref_slice %arg7[%mul3A_580] : memref<10112xi32, #tpu.memory_space<vmem>> -> memref<128xi32, #tpu.memory_space<vmem>>
          %dma_start3A_581 = arith.constant 0 : i32
          %dma_start3A_582 = arith.constant 0 : i32
          %dma_start3A_583 = tpu.memref_slice %arg14[%dma_start3A_581, %dma_start3A_582] : memref<10112x48xf32, #tpu.memory_space<vmem_shared>> -> memref<10112x48xf32, #tpu.memory_space<vmem_shared>>
          tpu.enqueue_indirect_dma source(%arg13 : memref<128x48xf32, #tpu.memory_space<vmem>>) target(%dma_start3A_583 : memref<10112x48xf32, #tpu.memory_space<vmem_shared>>) offsets(%dma_start3A : memref<128xi32, #tpu.memory_space<vmem>>) semaphore(%arg26 : memref<!tpu.dma_semaphore, #tpu.memory_space<semaphore_mem>>) {add = true}
        } else {
        }
      }
      %while3A_71 = arith.constant 1 : i32
      scf.for %while3A_514 = %while3A_69 to %while3A_65 step %while3A_71  : i32 {
        %mul3A_515 = arith.constant 6 : i32
        %mul3A_516 = arith.muli %mul3A_515, %while3A_514 : i32
        %add3A_517 = arith.constant 0 : i32
        %add3A_518 = arith.addi %mul3A_516, %add3A_517 : i32
        %lt3A_519 = arith.cmpi slt, %add3A_518, %add3A_21 : i32
        %convert_element_type3A_520 = arith.extui %lt3A_519 : i1 to i32
        %cond3A_521 = arith.constant 0 : i32
        %cond3A_522 = arith.cmpi ne, %convert_element_type3A_520, %cond3A_521 : i32
        scf.if %cond3A_522 {
          %ge3A_563 = arith.constant 3 : i32
          %ge3A_564 = arith.cmpi sge, %add3A_518, %ge3A_563 : i32
          %convert_element_type3A_565 = arith.extui %ge3A_564 : i1 to i32
          %cond3A_566 = arith.constant 0 : i32
          %cond3A_567 = arith.cmpi ne, %convert_element_type3A_565, %cond3A_566 : i32
          scf.if %cond3A_567 {
            %dma_wait3A_584 = arith.constant 0 : i32
            %dma_wait3A_585 = arith.constant 0 : i32
            %dma_wait3A_586 = tpu.memref_slice %arg2[%dma_wait3A_584, %dma_wait3A_585] : memref<10000x48xf32, #tpu.memory_space<hbm>> -> memref<128x48xf32, #tpu.memory_space<hbm>>
            %dma_wait3A_587 = arith.constant 0 : i32
            %dma_wait3A_588 = arith.constant 0 : i32
            %dma_wait3A_589 = tpu.memref_slice %arg2[%dma_wait3A_587, %dma_wait3A_588] : memref<10000x48xf32, #tpu.memory_space<hbm>> -> memref<128x48xf32, #tpu.memory_space<hbm>>
            tpu.wait_dma2 semaphore(%arg24 : memref<!tpu.dma_semaphore, #tpu.memory_space<semaphore_mem>>) src(%dma_wait3A_589 : memref<128x48xf32, #tpu.memory_space<hbm>>) dst(%arg11 : memref<128x48xf32, #tpu.memory_space<vmem>>)
          } else {
          }
          %add3A_568 = arith.constant 3 : i32
          %add3A_569 = arith.addi %add3A_518, %add3A_568 : i32
          %lt3A_570 = arith.cmpi slt, %add3A_569, %add3A_21 : i32
          %convert_element_type3A_571 = arith.extui %lt3A_570 : i1 to i32
          %cond3A_572 = arith.constant 0 : i32
          %cond3A_573 = arith.cmpi ne, %convert_element_type3A_571, %cond3A_572 : i32
          scf.if %cond3A_573 {
            %add3A_584 = arith.constant 3 : i32
            %add3A_585 = arith.addi %add3A_518, %add3A_584 : i32
            %mul3A_586 = arith.constant 128 : i32
            %mul3A_587 = arith.muli %add3A_585, %mul3A_586 : i32
            %dma_start3A_588 = tpu.memref_slice %arg6[%mul3A_587] : memref<10112xi32, #tpu.memory_space<vmem>> -> memref<128xi32, #tpu.memory_space<vmem>>
            %dma_start3A_589 = arith.constant 0 : i32
            %dma_start3A_590 = arith.constant 0 : i32
            %dma_start3A_591 = tpu.memref_slice %arg2[%dma_start3A_589, %dma_start3A_590] : memref<10000x48xf32, #tpu.memory_space<hbm>> -> memref<10000x48xf32, #tpu.memory_space<hbm>>
            tpu.enqueue_indirect_dma source(%dma_start3A_591 : memref<10000x48xf32, #tpu.memory_space<hbm>>) target(%arg11 : memref<128x48xf32, #tpu.memory_space<vmem>>) offsets(%dma_start3A_588 : memref<128xi32, #tpu.memory_space<vmem>>) semaphore(%arg18 : memref<!tpu.dma_semaphore, #tpu.memory_space<semaphore_mem>>)
          } else {
          }
          %dma_wait3A = arith.constant 0 : i32
          %dma_wait3A_574 = arith.constant 0 : i32
          %dma_wait3A_575 = tpu.memref_slice %arg2[%dma_wait3A, %dma_wait3A_574] : memref<10000x48xf32, #tpu.memory_space<hbm>> -> memref<128x48xf32, #tpu.memory_space<hbm>>
          %dma_wait3A_576 = arith.constant 0 : i32
          %dma_wait3A_577 = arith.constant 0 : i32
          %dma_wait3A_578 = tpu.memref_slice %arg2[%dma_wait3A_576, %dma_wait3A_577] : memref<10000x48xf32, #tpu.memory_space<hbm>> -> memref<128x48xf32, #tpu.memory_space<hbm>>
          tpu.wait_dma2 semaphore(%arg15 : memref<!tpu.dma_semaphore, #tpu.memory_space<semaphore_mem>>) src(%dma_wait3A_578 : memref<128x48xf32, #tpu.memory_space<hbm>>) dst(%arg8 : memref<128x48xf32, #tpu.memory_space<vmem>>)
          %mul3A_579 = arith.constant 128 : i32
          %mul3A_580 = arith.muli %add3A_518, %mul3A_579 : i32
          %dma_start3A = tpu.memref_slice %arg7[%mul3A_580] : memref<10112xi32, #tpu.memory_space<vmem>> -> memref<128xi32, #tpu.memory_space<vmem>>
          %dma_start3A_581 = arith.constant 0 : i32
          %dma_start3A_582 = arith.constant 0 : i32
          %dma_start3A_583 = tpu.memref_slice %arg14[%dma_start3A_581, %dma_start3A_582] : memref<10112x48xf32, #tpu.memory_space<vmem_shared>> -> memref<10112x48xf32, #tpu.memory_space<vmem_shared>>
          tpu.enqueue_indirect_dma source(%arg8 : memref<128x48xf32, #tpu.memory_space<vmem>>) target(%dma_start3A_583 : memref<10112x48xf32, #tpu.memory_space<vmem_shared>>) offsets(%dma_start3A : memref<128xi32, #tpu.memory_space<vmem>>) semaphore(%arg21 : memref<!tpu.dma_semaphore, #tpu.memory_space<semaphore_mem>>) {add = true}
        } else {
        }
        %mul3A_523 = arith.constant 6 : i32
        %mul3A_524 = arith.muli %mul3A_523, %while3A_514 : i32
        %add3A_525 = arith.constant 1 : i32
        %add3A_526 = arith.addi %mul3A_524, %add3A_525 : i32
        %lt3A_527 = arith.cmpi slt, %add3A_526, %add3A_21 : i32
        %convert_element_type3A_528 = arith.extui %lt3A_527 : i1 to i32
        %cond3A_529 = arith.constant 0 : i32
        %cond3A_530 = arith.cmpi ne, %convert_element_type3A_528, %cond3A_529 : i32
        scf.if %cond3A_530 {
          %ge3A_563 = arith.constant 3 : i32
          %ge3A_564 = arith.cmpi sge, %add3A_526, %ge3A_563 : i32
          %convert_element_type3A_565 = arith.extui %ge3A_564 : i1 to i32
          %cond3A_566 = arith.constant 0 : i32
          %cond3A_567 = arith.cmpi ne, %convert_element_type3A_565, %cond3A_566 : i32
          scf.if %cond3A_567 {
            %dma_wait3A_584 = arith.constant 0 : i32
            %dma_wait3A_585 = arith.constant 0 : i32
            %dma_wait3A_586 = tpu.memref_slice %arg2[%dma_wait3A_584, %dma_wait3A_585] : memref<10000x48xf32, #tpu.memory_space<hbm>> -> memref<128x48xf32, #tpu.memory_space<hbm>>
            %dma_wait3A_587 = arith.constant 0 : i32
            %dma_wait3A_588 = arith.constant 0 : i32
            %dma_wait3A_589 = tpu.memref_slice %arg2[%dma_wait3A_587, %dma_wait3A_588] : memref<10000x48xf32, #tpu.memory_space<hbm>> -> memref<128x48xf32, #tpu.memory_space<hbm>>
            tpu.wait_dma2 semaphore(%arg25 : memref<!tpu.dma_semaphore, #tpu.memory_space<semaphore_mem>>) src(%dma_wait3A_589 : memref<128x48xf32, #tpu.memory_space<hbm>>) dst(%arg12 : memref<128x48xf32, #tpu.memory_space<vmem>>)
          } else {
          }
          %add3A_568 = arith.constant 3 : i32
          %add3A_569 = arith.addi %add3A_526, %add3A_568 : i32
          %lt3A_570 = arith.cmpi slt, %add3A_569, %add3A_21 : i32
          %convert_element_type3A_571 = arith.extui %lt3A_570 : i1 to i32
          %cond3A_572 = arith.constant 0 : i32
          %cond3A_573 = arith.cmpi ne, %convert_element_type3A_571, %cond3A_572 : i32
          scf.if %cond3A_573 {
            %add3A_584 = arith.constant 3 : i32
            %add3A_585 = arith.addi %add3A_526, %add3A_584 : i32
            %mul3A_586 = arith.constant 128 : i32
            %mul3A_587 = arith.muli %add3A_585, %mul3A_586 : i32
            %dma_start3A_588 = tpu.memref_slice %arg6[%mul3A_587] : memref<10112xi32, #tpu.memory_space<vmem>> -> memref<128xi32, #tpu.memory_space<vmem>>
            %dma_start3A_589 = arith.constant 0 : i32
            %dma_start3A_590 = arith.constant 0 : i32
            %dma_start3A_591 = tpu.memref_slice %arg2[%dma_start3A_589, %dma_start3A_590] : memref<10000x48xf32, #tpu.memory_space<hbm>> -> memref<10000x48xf32, #tpu.memory_space<hbm>>
            tpu.enqueue_indirect_dma source(%dma_start3A_591 : memref<10000x48xf32, #tpu.memory_space<hbm>>) target(%arg12 : memref<128x48xf32, #tpu.memory_space<vmem>>) offsets(%dma_start3A_588 : memref<128xi32, #tpu.memory_space<vmem>>) semaphore(%arg19 : memref<!tpu.dma_semaphore, #tpu.memory_space<semaphore_mem>>)
          } else {
          }
          %dma_wait3A = arith.constant 0 : i32
          %dma_wait3A_574 = arith.constant 0 : i32
          %dma_wait3A_575 = tpu.memref_slice %arg2[%dma_wait3A, %dma_wait3A_574] : memref<10000x48xf32, #tpu.memory_space<hbm>> -> memref<128x48xf32, #tpu.memory_space<hbm>>
          %dma_wait3A_576 = arith.constant 0 : i32
          %dma_wait3A_577 = arith.constant 0 : i32
          %dma_wait3A_578 = tpu.memref_slice %arg2[%dma_wait3A_576, %dma_wait3A_577] : memref<10000x48xf32, #tpu.memory_space<hbm>> -> memref<128x48xf32, #tpu.memory_space<hbm>>
          tpu.wait_dma2 semaphore(%arg16 : memref<!tpu.dma_semaphore, #tpu.memory_space<semaphore_mem>>) src(%dma_wait3A_578 : memref<128x48xf32, #tpu.memory_space<hbm>>) dst(%arg9 : memref<128x48xf32, #tpu.memory_space<vmem>>)
          %mul3A_579 = arith.constant 128 : i32
          %mul3A_580 = arith.muli %add3A_526, %mul3A_579 : i32
          %dma_start3A = tpu.memref_slice %arg7[%mul3A_580] : memref<10112xi32, #tpu.memory_space<vmem>> -> memref<128xi32, #tpu.memory_space<vmem>>
          %dma_start3A_581 = arith.constant 0 : i32
          %dma_start3A_582 = arith.constant 0 : i32
          %dma_start3A_583 = tpu.memref_slice %arg14[%dma_start3A_581, %dma_start3A_582] : memref<10112x48xf32, #tpu.memory_space<vmem_shared>> -> memref<10112x48xf32, #tpu.memory_space<vmem_shared>>
          tpu.enqueue_indirect_dma source(%arg9 : memref<128x48xf32, #tpu.memory_space<vmem>>) target(%dma_start3A_583 : memref<10112x48xf32, #tpu.memory_space<vmem_shared>>) offsets(%dma_start3A : memref<128xi32, #tpu.memory_space<vmem>>) semaphore(%arg22 : memref<!tpu.dma_semaphore, #tpu.memory_space<semaphore_mem>>) {add = true}
        } else {
        }
        %mul3A_531 = arith.constant 6 : i32
        %mul3A_532 = arith.muli %mul3A_531, %while3A_514 : i32
        %add3A_533 = arith.constant 2 : i32
        %add3A_534 = arith.addi %mul3A_532, %add3A_533 : i32
        %lt3A_535 = arith.cmpi slt, %add3A_534, %add3A_21 : i32
        %convert_element_type3A_536 = arith.extui %lt3A_535 : i1 to i32
        %cond3A_537 = arith.constant 0 : i32
        %cond3A_538 = arith.cmpi ne, %convert_element_type3A_536, %cond3A_537 : i32
        scf.if %cond3A_538 {
          %ge3A_563 = arith.constant 3 : i32
          %ge3A_564 = arith.cmpi sge, %add3A_534, %ge3A_563 : i32
          %convert_element_type3A_565 = arith.extui %ge3A_564 : i1 to i32
          %cond3A_566 = arith.constant 0 : i32
          %cond3A_567 = arith.cmpi ne, %convert_element_type3A_565, %cond3A_566 : i32
          scf.if %cond3A_567 {
            %dma_wait3A_584 = arith.constant 0 : i32
            %dma_wait3A_585 = arith.constant 0 : i32
            %dma_wait3A_586 = tpu.memref_slice %arg2[%dma_wait3A_584, %dma_wait3A_585] : memref<10000x48xf32, #tpu.memory_space<hbm>> -> memref<128x48xf32, #tpu.memory_space<hbm>>
            %dma_wait3A_587 = arith.constant 0 : i32
            %dma_wait3A_588 = arith.constant 0 : i32
            %dma_wait3A_589 = tpu.memref_slice %arg2[%dma_wait3A_587, %dma_wait3A_588] : memref<10000x48xf32, #tpu.memory_space<hbm>> -> memref<128x48xf32, #tpu.memory_space<hbm>>
            tpu.wait_dma2 semaphore(%arg26 : memref<!tpu.dma_semaphore, #tpu.memory_space<semaphore_mem>>) src(%dma_wait3A_589 : memref<128x48xf32, #tpu.memory_space<hbm>>) dst(%arg13 : memref<128x48xf32, #tpu.memory_space<vmem>>)
          } else {
          }
          %add3A_568 = arith.constant 3 : i32
          %add3A_569 = arith.addi %add3A_534, %add3A_568 : i32
          %lt3A_570 = arith.cmpi slt, %add3A_569, %add3A_21 : i32
          %convert_element_type3A_571 = arith.extui %lt3A_570 : i1 to i32
          %cond3A_572 = arith.constant 0 : i32
          %cond3A_573 = arith.cmpi ne, %convert_element_type3A_571, %cond3A_572 : i32
          scf.if %cond3A_573 {
            %add3A_584 = arith.constant 3 : i32
            %add3A_585 = arith.addi %add3A_534, %add3A_584 : i32
            %mul3A_586 = arith.constant 128 : i32
            %mul3A_587 = arith.muli %add3A_585, %mul3A_586 : i32
            %dma_start3A_588 = tpu.memref_slice %arg6[%mul3A_587] : memref<10112xi32, #tpu.memory_space<vmem>> -> memref<128xi32, #tpu.memory_space<vmem>>
            %dma_start3A_589 = arith.constant 0 : i32
            %dma_start3A_590 = arith.constant 0 : i32
            %dma_start3A_591 = tpu.memref_slice %arg2[%dma_start3A_589, %dma_start3A_590] : memref<10000x48xf32, #tpu.memory_space<hbm>> -> memref<10000x48xf32, #tpu.memory_space<hbm>>
            tpu.enqueue_indirect_dma source(%dma_start3A_591 : memref<10000x48xf32, #tpu.memory_space<hbm>>) target(%arg13 : memref<128x48xf32, #tpu.memory_space<vmem>>) offsets(%dma_start3A_588 : memref<128xi32, #tpu.memory_space<vmem>>) semaphore(%arg20 : memref<!tpu.dma_semaphore, #tpu.memory_space<semaphore_mem>>)
          } else {
          }
          %dma_wait3A = arith.constant 0 : i32
          %dma_wait3A_574 = arith.constant 0 : i32
          %dma_wait3A_575 = tpu.memref_slice %arg2[%dma_wait3A, %dma_wait3A_574] : memref<10000x48xf32, #tpu.memory_space<hbm>> -> memref<128x48xf32, #tpu.memory_space<hbm>>
          %dma_wait3A_576 = arith.constant 0 : i32
          %dma_wait3A_577 = arith.constant 0 : i32
          %dma_wait3A_578 = tpu.memref_slice %arg2[%dma_wait3A_576, %dma_wait3A_577] : memref<10000x48xf32, #tpu.memory_space<hbm>> -> memref<128x48xf32, #tpu.memory_space<hbm>>
          tpu.wait_dma2 semaphore(%arg17 : memref<!tpu.dma_semaphore, #tpu.memory_space<semaphore_mem>>) src(%dma_wait3A_578 : memref<128x48xf32, #tpu.memory_space<hbm>>) dst(%arg10 : memref<128x48xf32, #tpu.memory_space<vmem>>)
          %mul3A_579 = arith.constant 128 : i32
          %mul3A_580 = arith.muli %add3A_534, %mul3A_579 : i32
          %dma_start3A = tpu.memref_slice %arg7[%mul3A_580] : memref<10112xi32, #tpu.memory_space<vmem>> -> memref<128xi32, #tpu.memory_space<vmem>>
          %dma_start3A_581 = arith.constant 0 : i32
          %dma_start3A_582 = arith.constant 0 : i32
          %dma_start3A_583 = tpu.memref_slice %arg14[%dma_start3A_581, %dma_start3A_582] : memref<10112x48xf32, #tpu.memory_space<vmem_shared>> -> memref<10112x48xf32, #tpu.memory_space<vmem_shared>>
          tpu.enqueue_indirect_dma source(%arg10 : memref<128x48xf32, #tpu.memory_space<vmem>>) target(%dma_start3A_583 : memref<10112x48xf32, #tpu.memory_space<vmem_shared>>) offsets(%dma_start3A : memref<128xi32, #tpu.memory_space<vmem>>) semaphore(%arg23 : memref<!tpu.dma_semaphore, #tpu.memory_space<semaphore_mem>>) {add = true}
        } else {
        }
        %mul3A_539 = arith.constant 6 : i32
        %mul3A_540 = arith.muli %mul3A_539, %while3A_514 : i32
        %add3A_541 = arith.constant 3 : i32
        %add3A_542 = arith.addi %mul3A_540, %add3A_541 : i32
        %lt3A_543 = arith.cmpi slt, %add3A_542, %add3A_21 : i32
        %convert_element_type3A_544 = arith.extui %lt3A_543 : i1 to i32
        %cond3A_545 = arith.constant 0 : i32
        %cond3A_546 = arith.cmpi ne, %convert_element_type3A_544, %cond3A_545 : i32
        scf.if %cond3A_546 {
          %ge3A_563 = arith.constant 3 : i32
          %ge3A_564 = arith.cmpi sge, %add3A_542, %ge3A_563 : i32
          %convert_element_type3A_565 = arith.extui %ge3A_564 : i1 to i32
          %cond3A_566 = arith.constant 0 : i32
          %cond3A_567 = arith.cmpi ne, %convert_element_type3A_565, %cond3A_566 : i32
          scf.if %cond3A_567 {
            %dma_wait3A_584 = arith.constant 0 : i32
            %dma_wait3A_585 = arith.constant 0 : i32
            %dma_wait3A_586 = tpu.memref_slice %arg2[%dma_wait3A_584, %dma_wait3A_585] : memref<10000x48xf32, #tpu.memory_space<hbm>> -> memref<128x48xf32, #tpu.memory_space<hbm>>
            %dma_wait3A_587 = arith.constant 0 : i32
            %dma_wait3A_588 = arith.constant 0 : i32
            %dma_wait3A_589 = tpu.memref_slice %arg2[%dma_wait3A_587, %dma_wait3A_588] : memref<10000x48xf32, #tpu.memory_space<hbm>> -> memref<128x48xf32, #tpu.memory_space<hbm>>
            tpu.wait_dma2 semaphore(%arg21 : memref<!tpu.dma_semaphore, #tpu.memory_space<semaphore_mem>>) src(%dma_wait3A_589 : memref<128x48xf32, #tpu.memory_space<hbm>>) dst(%arg8 : memref<128x48xf32, #tpu.memory_space<vmem>>)
          } else {
          }
          %add3A_568 = arith.constant 3 : i32
          %add3A_569 = arith.addi %add3A_542, %add3A_568 : i32
          %lt3A_570 = arith.cmpi slt, %add3A_569, %add3A_21 : i32
          %convert_element_type3A_571 = arith.extui %lt3A_570 : i1 to i32
          %cond3A_572 = arith.constant 0 : i32
          %cond3A_573 = arith.cmpi ne, %convert_element_type3A_571, %cond3A_572 : i32
          scf.if %cond3A_573 {
            %add3A_584 = arith.constant 3 : i32
            %add3A_585 = arith.addi %add3A_542, %add3A_584 : i32
            %mul3A_586 = arith.constant 128 : i32
            %mul3A_587 = arith.muli %add3A_585, %mul3A_586 : i32
            %dma_start3A_588 = tpu.memref_slice %arg6[%mul3A_587] : memref<10112xi32, #tpu.memory_space<vmem>> -> memref<128xi32, #tpu.memory_space<vmem>>
            %dma_start3A_589 = arith.constant 0 : i32
            %dma_start3A_590 = arith.constant 0 : i32
            %dma_start3A_591 = tpu.memref_slice %arg2[%dma_start3A_589, %dma_start3A_590] : memref<10000x48xf32, #tpu.memory_space<hbm>> -> memref<10000x48xf32, #tpu.memory_space<hbm>>
            tpu.enqueue_indirect_dma source(%dma_start3A_591 : memref<10000x48xf32, #tpu.memory_space<hbm>>) target(%arg8 : memref<128x48xf32, #tpu.memory_space<vmem>>) offsets(%dma_start3A_588 : memref<128xi32, #tpu.memory_space<vmem>>) semaphore(%arg15 : memref<!tpu.dma_semaphore, #tpu.memory_space<semaphore_mem>>)
          } else {
          }
          %dma_wait3A = arith.constant 0 : i32
          %dma_wait3A_574 = arith.constant 0 : i32
          %dma_wait3A_575 = tpu.memref_slice %arg2[%dma_wait3A, %dma_wait3A_574] : memref<10000x48xf32, #tpu.memory_space<hbm>> -> memref<128x48xf32, #tpu.memory_space<hbm>>
          %dma_wait3A_576 = arith.constant 0 : i32
          %dma_wait3A_577 = arith.constant 0 : i32
          %dma_wait3A_578 = tpu.memref_slice %arg2[%dma_wait3A_576, %dma_wait3A_577] : memref<10000x48xf32, #tpu.memory_space<hbm>> -> memref<128x48xf32, #tpu.memory_space<hbm>>
          tpu.wait_dma2 semaphore(%arg18 : memref<!tpu.dma_semaphore, #tpu.memory_space<semaphore_mem>>) src(%dma_wait3A_578 : memref<128x48xf32, #tpu.memory_space<hbm>>) dst(%arg11 : memref<128x48xf32, #tpu.memory_space<vmem>>)
          %mul3A_579 = arith.constant 128 : i32
          %mul3A_580 = arith.muli %add3A_542, %mul3A_579 : i32
          %dma_start3A = tpu.memref_slice %arg7[%mul3A_580] : memref<10112xi32, #tpu.memory_space<vmem>> -> memref<128xi32, #tpu.memory_space<vmem>>
          %dma_start3A_581 = arith.constant 0 : i32
          %dma_start3A_582 = arith.constant 0 : i32
          %dma_start3A_583 = tpu.memref_slice %arg14[%dma_start3A_581, %dma_start3A_582] : memref<10112x48xf32, #tpu.memory_space<vmem_shared>> -> memref<10112x48xf32, #tpu.memory_space<vmem_shared>>
          tpu.enqueue_indirect_dma source(%arg11 : memref<128x48xf32, #tpu.memory_space<vmem>>) target(%dma_start3A_583 : memref<10112x48xf32, #tpu.memory_space<vmem_shared>>) offsets(%dma_start3A : memref<128xi32, #tpu.memory_space<vmem>>) semaphore(%arg24 : memref<!tpu.dma_semaphore, #tpu.memory_space<semaphore_mem>>) {add = true}
        } else {
        }
        %mul3A_547 = arith.constant 6 : i32
        %mul3A_548 = arith.muli %mul3A_547, %while3A_514 : i32
        %add3A_549 = arith.constant 4 : i32
        %add3A_550 = arith.addi %mul3A_548, %add3A_549 : i32
        %lt3A_551 = arith.cmpi slt, %add3A_550, %add3A_21 : i32
        %convert_element_type3A_552 = arith.extui %lt3A_551 : i1 to i32
        %cond3A_553 = arith.constant 0 : i32
        %cond3A_554 = arith.cmpi ne, %convert_element_type3A_552, %cond3A_553 : i32
        scf.if %cond3A_554 {
          %ge3A_563 = arith.constant 3 : i32
          %ge3A_564 = arith.cmpi sge, %add3A_550, %ge3A_563 : i32
          %convert_element_type3A_565 = arith.extui %ge3A_564 : i1 to i32
          %cond3A_566 = arith.constant 0 : i32
          %cond3A_567 = arith.cmpi ne, %convert_element_type3A_565, %cond3A_566 : i32
          scf.if %cond3A_567 {
            %dma_wait3A_584 = arith.constant 0 : i32
            %dma_wait3A_585 = arith.constant 0 : i32
            %dma_wait3A_586 = tpu.memref_slice %arg2[%dma_wait3A_584, %dma_wait3A_585] : memref<10000x48xf32, #tpu.memory_space<hbm>> -> memref<128x48xf32, #tpu.memory_space<hbm>>
            %dma_wait3A_587 = arith.constant 0 : i32
            %dma_wait3A_588 = arith.constant 0 : i32
            %dma_wait3A_589 = tpu.memref_slice %arg2[%dma_wait3A_587, %dma_wait3A_588] : memref<10000x48xf32, #tpu.memory_space<hbm>> -> memref<128x48xf32, #tpu.memory_space<hbm>>
            tpu.wait_dma2 semaphore(%arg22 : memref<!tpu.dma_semaphore, #tpu.memory_space<semaphore_mem>>) src(%dma_wait3A_589 : memref<128x48xf32, #tpu.memory_space<hbm>>) dst(%arg9 : memref<128x48xf32, #tpu.memory_space<vmem>>)
          } else {
          }
          %add3A_568 = arith.constant 3 : i32
          %add3A_569 = arith.addi %add3A_550, %add3A_568 : i32
          %lt3A_570 = arith.cmpi slt, %add3A_569, %add3A_21 : i32
          %convert_element_type3A_571 = arith.extui %lt3A_570 : i1 to i32
          %cond3A_572 = arith.constant 0 : i32
          %cond3A_573 = arith.cmpi ne, %convert_element_type3A_571, %cond3A_572 : i32
          scf.if %cond3A_573 {
            %add3A_584 = arith.constant 3 : i32
            %add3A_585 = arith.addi %add3A_550, %add3A_584 : i32
            %mul3A_586 = arith.constant 128 : i32
            %mul3A_587 = arith.muli %add3A_585, %mul3A_586 : i32
            %dma_start3A_588 = tpu.memref_slice %arg6[%mul3A_587] : memref<10112xi32, #tpu.memory_space<vmem>> -> memref<128xi32, #tpu.memory_space<vmem>>
            %dma_start3A_589 = arith.constant 0 : i32
            %dma_start3A_590 = arith.constant 0 : i32
            %dma_start3A_591 = tpu.memref_slice %arg2[%dma_start3A_589, %dma_start3A_590] : memref<10000x48xf32, #tpu.memory_space<hbm>> -> memref<10000x48xf32, #tpu.memory_space<hbm>>
            tpu.enqueue_indirect_dma source(%dma_start3A_591 : memref<10000x48xf32, #tpu.memory_space<hbm>>) target(%arg9 : memref<128x48xf32, #tpu.memory_space<vmem>>) offsets(%dma_start3A_588 : memref<128xi32, #tpu.memory_space<vmem>>) semaphore(%arg16 : memref<!tpu.dma_semaphore, #tpu.memory_space<semaphore_mem>>)
          } else {
          }
          %dma_wait3A = arith.constant 0 : i32
          %dma_wait3A_574 = arith.constant 0 : i32
          %dma_wait3A_575 = tpu.memref_slice %arg2[%dma_wait3A, %dma_wait3A_574] : memref<10000x48xf32, #tpu.memory_space<hbm>> -> memref<128x48xf32, #tpu.memory_space<hbm>>
          %dma_wait3A_576 = arith.constant 0 : i32
          %dma_wait3A_577 = arith.constant 0 : i32
          %dma_wait3A_578 = tpu.memref_slice %arg2[%dma_wait3A_576, %dma_wait3A_577] : memref<10000x48xf32, #tpu.memory_space<hbm>> -> memref<128x48xf32, #tpu.memory_space<hbm>>
          tpu.wait_dma2 semaphore(%arg19 : memref<!tpu.dma_semaphore, #tpu.memory_space<semaphore_mem>>) src(%dma_wait3A_578 : memref<128x48xf32, #tpu.memory_space<hbm>>) dst(%arg12 : memref<128x48xf32, #tpu.memory_space<vmem>>)
          %mul3A_579 = arith.constant 128 : i32
          %mul3A_580 = arith.muli %add3A_550, %mul3A_579 : i32
          %dma_start3A = tpu.memref_slice %arg7[%mul3A_580] : memref<10112xi32, #tpu.memory_space<vmem>> -> memref<128xi32, #tpu.memory_space<vmem>>
          %dma_start3A_581 = arith.constant 0 : i32
          %dma_start3A_582 = arith.constant 0 : i32
          %dma_start3A_583 = tpu.memref_slice %arg14[%dma_start3A_581, %dma_start3A_582] : memref<10112x48xf32, #tpu.memory_space<vmem_shared>> -> memref<10112x48xf32, #tpu.memory_space<vmem_shared>>
          tpu.enqueue_indirect_dma source(%arg12 : memref<128x48xf32, #tpu.memory_space<vmem>>) target(%dma_start3A_583 : memref<10112x48xf32, #tpu.memory_space<vmem_shared>>) offsets(%dma_start3A : memref<128xi32, #tpu.memory_space<vmem>>) semaphore(%arg25 : memref<!tpu.dma_semaphore, #tpu.memory_space<semaphore_mem>>) {add = true}
        } else {
        }
        %mul3A_555 = arith.constant 6 : i32
        %mul3A_556 = arith.muli %mul3A_555, %while3A_514 : i32
        %add3A_557 = arith.constant 5 : i32
        %add3A_558 = arith.addi %mul3A_556, %add3A_557 : i32
        %lt3A_559 = arith.cmpi slt, %add3A_558, %add3A_21 : i32
        %convert_element_type3A_560 = arith.extui %lt3A_559 : i1 to i32
        %cond3A_561 = arith.constant 0 : i32
        %cond3A_562 = arith.cmpi ne, %convert_element_type3A_560, %cond3A_561 : i32
        scf.if %cond3A_562 {
          %ge3A_563 = arith.constant 3 : i32
          %ge3A_564 = arith.cmpi sge, %add3A_558, %ge3A_563 : i32
          %convert_element_type3A_565 = arith.extui %ge3A_564 : i1 to i32
          %cond3A_566 = arith.constant 0 : i32
          %cond3A_567 = arith.cmpi ne, %convert_element_type3A_565, %cond3A_566 : i32
          scf.if %cond3A_567 {
            %dma_wait3A_584 = arith.constant 0 : i32
            %dma_wait3A_585 = arith.constant 0 : i32
            %dma_wait3A_586 = tpu.memref_slice %arg2[%dma_wait3A_584, %dma_wait3A_585] : memref<10000x48xf32, #tpu.memory_space<hbm>> -> memref<128x48xf32, #tpu.memory_space<hbm>>
            %dma_wait3A_587 = arith.constant 0 : i32
            %dma_wait3A_588 = arith.constant 0 : i32
            %dma_wait3A_589 = tpu.memref_slice %arg2[%dma_wait3A_587, %dma_wait3A_588] : memref<10000x48xf32, #tpu.memory_space<hbm>> -> memref<128x48xf32, #tpu.memory_space<hbm>>
            tpu.wait_dma2 semaphore(%arg23 : memref<!tpu.dma_semaphore, #tpu.memory_space<semaphore_mem>>) src(%dma_wait3A_589 : memref<128x48xf32, #tpu.memory_space<hbm>>) dst(%arg10 : memref<128x48xf32, #tpu.memory_space<vmem>>)
          } else {
          }
          %add3A_568 = arith.constant 3 : i32
          %add3A_569 = arith.addi %add3A_558, %add3A_568 : i32
          %lt3A_570 = arith.cmpi slt, %add3A_569, %add3A_21 : i32
          %convert_element_type3A_571 = arith.extui %lt3A_570 : i1 to i32
          %cond3A_572 = arith.constant 0 : i32
          %cond3A_573 = arith.cmpi ne, %convert_element_type3A_571, %cond3A_572 : i32
          scf.if %cond3A_573 {
            %add3A_584 = arith.constant 3 : i32
            %add3A_585 = arith.addi %add3A_558, %add3A_584 : i32
            %mul3A_586 = arith.constant 128 : i32
            %mul3A_587 = arith.muli %add3A_585, %mul3A_586 : i32
            %dma_start3A_588 = tpu.memref_slice %arg6[%mul3A_587] : memref<10112xi32, #tpu.memory_space<vmem>> -> memref<128xi32, #tpu.memory_space<vmem>>
            %dma_start3A_589 = arith.constant 0 : i32
            %dma_start3A_590 = arith.constant 0 : i32
            %dma_start3A_591 = tpu.memref_slice %arg2[%dma_start3A_589, %dma_start3A_590] : memref<10000x48xf32, #tpu.memory_space<hbm>> -> memref<10000x48xf32, #tpu.memory_space<hbm>>
            tpu.enqueue_indirect_dma source(%dma_start3A_591 : memref<10000x48xf32, #tpu.memory_space<hbm>>) target(%arg10 : memref<128x48xf32, #tpu.memory_space<vmem>>) offsets(%dma_start3A_588 : memref<128xi32, #tpu.memory_space<vmem>>) semaphore(%arg17 : memref<!tpu.dma_semaphore, #tpu.memory_space<semaphore_mem>>)
          } else {
          }
          %dma_wait3A = arith.constant 0 : i32
          %dma_wait3A_574 = arith.constant 0 : i32
          %dma_wait3A_575 = tpu.memref_slice %arg2[%dma_wait3A, %dma_wait3A_574] : memref<10000x48xf32, #tpu.memory_space<hbm>> -> memref<128x48xf32, #tpu.memory_space<hbm>>
          %dma_wait3A_576 = arith.constant 0 : i32
          %dma_wait3A_577 = arith.constant 0 : i32
          %dma_wait3A_578 = tpu.memref_slice %arg2[%dma_wait3A_576, %dma_wait3A_577] : memref<10000x48xf32, #tpu.memory_space<hbm>> -> memref<128x48xf32, #tpu.memory_space<hbm>>
          tpu.wait_dma2 semaphore(%arg20 : memref<!tpu.dma_semaphore, #tpu.memory_space<semaphore_mem>>) src(%dma_wait3A_578 : memref<128x48xf32, #tpu.memory_space<hbm>>) dst(%arg13 : memref<128x48xf32, #tpu.memory_space<vmem>>)
          %mul3A_579 = arith.constant 128 : i32
          %mul3A_580 = arith.muli %add3A_558, %mul3A_579 : i32
          %dma_start3A = tpu.memref_slice %arg7[%mul3A_580] : memref<10112xi32, #tpu.memory_space<vmem>> -> memref<128xi32, #tpu.memory_space<vmem>>
          %dma_start3A_581 = arith.constant 0 : i32
          %dma_start3A_582 = arith.constant 0 : i32
          %dma_start3A_583 = tpu.memref_slice %arg14[%dma_start3A_581, %dma_start3A_582] : memref<10112x48xf32, #tpu.memory_space<vmem_shared>> -> memref<10112x48xf32, #tpu.memory_space<vmem_shared>>
          tpu.enqueue_indirect_dma source(%arg13 : memref<128x48xf32, #tpu.memory_space<vmem>>) target(%dma_start3A_583 : memref<10112x48xf32, #tpu.memory_space<vmem_shared>>) offsets(%dma_start3A : memref<128xi32, #tpu.memory_space<vmem>>) semaphore(%arg26 : memref<!tpu.dma_semaphore, #tpu.memory_space<semaphore_mem>>) {add = true}
        } else {
        }
      }
      %ge3A = arith.constant 1 : i32
      %ge3A_72 = arith.cmpi sge, %add3A_21, %ge3A : i32
      %sub3A_73 = arith.constant 1 : i32
      %sub3A_74 = arith.subi %add3A_21, %sub3A_73 : i32
      %jit3A_75 = arith.constant 6 : i32
      %eq3A_76 = arith.constant 0 : i32
      %eq3A_77 = arith.cmpi eq, %jit3A_75, %eq3A_76 : i32
      %jit3A_78 = arith.constant 1 : i32
      %select_n3A_79 = arith.select %eq3A_77, %jit3A_78, %jit3A_75 : i32
      %rem3A_80 = arith.remsi %sub3A_74, %select_n3A_79 : i32
      %ne3A_81 = arith.constant 0 : i32
      %ne3A_82 = arith.cmpi ne, %rem3A_80, %ne3A_81 : i32
      %lt3A_83 = arith.constant 0 : i32
      %lt3A_84 = arith.cmpi slt, %rem3A_80, %lt3A_83 : i32
      %lt3A_85 = arith.constant 0 : i32
      %lt3A_86 = arith.cmpi slt, %select_n3A_79, %lt3A_85 : i32
      %ne3A_87 = arith.xori %lt3A_84, %lt3A_86 : i1
      %and3A_88 = arith.andi %ne3A_87, %ne3A_82 : i1
      %add3A_89 = arith.addi %rem3A_80, %select_n3A_79 : i32
      %select_n3A_90 = arith.select %and3A_88, %add3A_89, %rem3A_80 : i32
      %eq3A_91 = arith.constant 0 : i32
      %eq3A_92 = arith.cmpi eq, %select_n3A_90, %eq3A_91 : i32
      %and3A_93 = arith.andi %ge3A_72, %eq3A_92 : i1
      %ge3A_94 = arith.constant 2 : i32
      %ge3A_95 = arith.cmpi sge, %add3A_21, %ge3A_94 : i32
      %sub3A_96 = arith.constant 2 : i32
      %sub3A_97 = arith.subi %add3A_21, %sub3A_96 : i32
      %jit3A_98 = arith.constant 6 : i32
      %eq3A_99 = arith.constant 0 : i32
      %eq3A_100 = arith.cmpi eq, %jit3A_98, %eq3A_99 : i32
      %jit3A_101 = arith.constant 1 : i32
      %select_n3A_102 = arith.select %eq3A_100, %jit3A_101, %jit3A_98 : i32
      %rem3A_103 = arith.remsi %sub3A_97, %select_n3A_102 : i32
      %ne3A_104 = arith.constant 0 : i32
      %ne3A_105 = arith.cmpi ne, %rem3A_103, %ne3A_104 : i32
      %lt3A_106 = arith.constant 0 : i32
      %lt3A_107 = arith.cmpi slt, %rem3A_103, %lt3A_106 : i32
      %lt3A_108 = arith.constant 0 : i32
      %lt3A_109 = arith.cmpi slt, %select_n3A_102, %lt3A_108 : i32
      %ne3A_110 = arith.xori %lt3A_107, %lt3A_109 : i1
      %and3A_111 = arith.andi %ne3A_110, %ne3A_105 : i1
      %add3A_112 = arith.addi %rem3A_103, %select_n3A_102 : i32
      %select_n3A_113 = arith.select %and3A_111, %add3A_112, %rem3A_103 : i32
      %eq3A_114 = arith.constant 0 : i32
      %eq3A_115 = arith.cmpi eq, %select_n3A_113, %eq3A_114 : i32
      %and3A_116 = arith.andi %ge3A_95, %eq3A_115 : i1
      %or3A = arith.ori %and3A_93, %and3A_116 : i1
      %ge3A_117 = arith.constant 3 : i32
      %ge3A_118 = arith.cmpi sge, %add3A_21, %ge3A_117 : i32
      %sub3A_119 = arith.constant 3 : i32
      %sub3A_120 = arith.subi %add3A_21, %sub3A_119 : i32
      %jit3A_121 = arith.constant 6 : i32
      %eq3A_122 = arith.constant 0 : i32
      %eq3A_123 = arith.cmpi eq, %jit3A_121, %eq3A_122 : i32
      %jit3A_124 = arith.constant 1 : i32
      %select_n3A_125 = arith.select %eq3A_123, %jit3A_124, %jit3A_121 : i32
      %rem3A_126 = arith.remsi %sub3A_120, %select_n3A_125 : i32
      %ne3A_127 = arith.constant 0 : i32
      %ne3A_128 = arith.cmpi ne, %rem3A_126, %ne3A_127 : i32
      %lt3A_129 = arith.constant 0 : i32
      %lt3A_130 = arith.cmpi slt, %rem3A_126, %lt3A_129 : i32
      %lt3A_131 = arith.constant 0 : i32
      %lt3A_132 = arith.cmpi slt, %select_n3A_125, %lt3A_131 : i32
      %ne3A_133 = arith.xori %lt3A_130, %lt3A_132 : i1
      %and3A_134 = arith.andi %ne3A_133, %ne3A_128 : i1
      %add3A_135 = arith.addi %rem3A_126, %select_n3A_125 : i32
      %select_n3A_136 = arith.select %and3A_134, %add3A_135, %rem3A_126 : i32
      %eq3A_137 = arith.constant 0 : i32
      %eq3A_138 = arith.cmpi eq, %select_n3A_136, %eq3A_137 : i32
      %and3A_139 = arith.andi %ge3A_118, %eq3A_138 : i1
      %or3A_140 = arith.ori %or3A, %and3A_139 : i1
      %convert_element_type3A_141 = arith.extui %or3A_140 : i1 to i32
      %cond3A_142 = arith.constant 0 : i32
      %cond3A_143 = arith.cmpi ne, %convert_element_type3A_141, %cond3A_142 : i32
      scf.if %cond3A_143 {
        %dma_wait3A = arith.constant 0 : i32
        %dma_wait3A_514 = arith.constant 0 : i32
        %dma_wait3A_515 = tpu.memref_slice %arg2[%dma_wait3A, %dma_wait3A_514] : memref<10000x48xf32, #tpu.memory_space<hbm>> -> memref<128x48xf32, #tpu.memory_space<hbm>>
        %dma_wait3A_516 = arith.constant 0 : i32
        %dma_wait3A_517 = arith.constant 0 : i32
        %dma_wait3A_518 = tpu.memref_slice %arg2[%dma_wait3A_516, %dma_wait3A_517] : memref<10000x48xf32, #tpu.memory_space<hbm>> -> memref<128x48xf32, #tpu.memory_space<hbm>>
        tpu.wait_dma2 semaphore(%arg21 : memref<!tpu.dma_semaphore, #tpu.memory_space<semaphore_mem>>) src(%dma_wait3A_518 : memref<128x48xf32, #tpu.memory_space<hbm>>) dst(%arg8 : memref<128x48xf32, #tpu.memory_space<vmem>>)
      } else {
      }
      %ge3A_144 = arith.constant 1 : i32
      %ge3A_145 = arith.cmpi sge, %add3A_21, %ge3A_144 : i32
      %sub3A_146 = arith.constant 1 : i32
      %sub3A_147 = arith.subi %add3A_21, %sub3A_146 : i32
      %jit3A_148 = arith.constant 6 : i32
      %eq3A_149 = arith.constant 0 : i32
      %eq3A_150 = arith.cmpi eq, %jit3A_148, %eq3A_149 : i32
      %jit3A_151 = arith.constant 1 : i32
      %select_n3A_152 = arith.select %eq3A_150, %jit3A_151, %jit3A_148 : i32
      %rem3A_153 = arith.remsi %sub3A_147, %select_n3A_152 : i32
      %ne3A_154 = arith.constant 0 : i32
      %ne3A_155 = arith.cmpi ne, %rem3A_153, %ne3A_154 : i32
      %lt3A_156 = arith.constant 0 : i32
      %lt3A_157 = arith.cmpi slt, %rem3A_153, %lt3A_156 : i32
      %lt3A_158 = arith.constant 0 : i32
      %lt3A_159 = arith.cmpi slt, %select_n3A_152, %lt3A_158 : i32
      %ne3A_160 = arith.xori %lt3A_157, %lt3A_159 : i1
      %and3A_161 = arith.andi %ne3A_160, %ne3A_155 : i1
      %add3A_162 = arith.addi %rem3A_153, %select_n3A_152 : i32
      %select_n3A_163 = arith.select %and3A_161, %add3A_162, %rem3A_153 : i32
      %eq3A_164 = arith.constant 1 : i32
      %eq3A_165 = arith.cmpi eq, %select_n3A_163, %eq3A_164 : i32
      %and3A_166 = arith.andi %ge3A_145, %eq3A_165 : i1
      %ge3A_167 = arith.constant 2 : i32
      %ge3A_168 = arith.cmpi sge, %add3A_21, %ge3A_167 : i32
      %sub3A_169 = arith.constant 2 : i32
      %sub3A_170 = arith.subi %add3A_21, %sub3A_169 : i32
      %jit3A_171 = arith.constant 6 : i32
      %eq3A_172 = arith.constant 0 : i32
      %eq3A_173 = arith.cmpi eq, %jit3A_171, %eq3A_172 : i32
      %jit3A_174 = arith.constant 1 : i32
      %select_n3A_175 = arith.select %eq3A_173, %jit3A_174, %jit3A_171 : i32
      %rem3A_176 = arith.remsi %sub3A_170, %select_n3A_175 : i32
      %ne3A_177 = arith.constant 0 : i32
      %ne3A_178 = arith.cmpi ne, %rem3A_176, %ne3A_177 : i32
      %lt3A_179 = arith.constant 0 : i32
      %lt3A_180 = arith.cmpi slt, %rem3A_176, %lt3A_179 : i32
      %lt3A_181 = arith.constant 0 : i32
      %lt3A_182 = arith.cmpi slt, %select_n3A_175, %lt3A_181 : i32
      %ne3A_183 = arith.xori %lt3A_180, %lt3A_182 : i1
      %and3A_184 = arith.andi %ne3A_183, %ne3A_178 : i1
      %add3A_185 = arith.addi %rem3A_176, %select_n3A_175 : i32
      %select_n3A_186 = arith.select %and3A_184, %add3A_185, %rem3A_176 : i32
      %eq3A_187 = arith.constant 1 : i32
      %eq3A_188 = arith.cmpi eq, %select_n3A_186, %eq3A_187 : i32
      %and3A_189 = arith.andi %ge3A_168, %eq3A_188 : i1
      %or3A_190 = arith.ori %and3A_166, %and3A_189 : i1
      %ge3A_191 = arith.constant 3 : i32
      %ge3A_192 = arith.cmpi sge, %add3A_21, %ge3A_191 : i32
      %sub3A_193 = arith.constant 3 : i32
      %sub3A_194 = arith.subi %add3A_21, %sub3A_193 : i32
      %jit3A_195 = arith.constant 6 : i32
      %eq3A_196 = arith.constant 0 : i32
      %eq3A_197 = arith.cmpi eq, %jit3A_195, %eq3A_196 : i32
      %jit3A_198 = arith.constant 1 : i32
      %select_n3A_199 = arith.select %eq3A_197, %jit3A_198, %jit3A_195 : i32
      %rem3A_200 = arith.remsi %sub3A_194, %select_n3A_199 : i32
      %ne3A_201 = arith.constant 0 : i32
      %ne3A_202 = arith.cmpi ne, %rem3A_200, %ne3A_201 : i32
      %lt3A_203 = arith.constant 0 : i32
      %lt3A_204 = arith.cmpi slt, %rem3A_200, %lt3A_203 : i32
      %lt3A_205 = arith.constant 0 : i32
      %lt3A_206 = arith.cmpi slt, %select_n3A_199, %lt3A_205 : i32
      %ne3A_207 = arith.xori %lt3A_204, %lt3A_206 : i1
      %and3A_208 = arith.andi %ne3A_207, %ne3A_202 : i1
      %add3A_209 = arith.addi %rem3A_200, %select_n3A_199 : i32
      %select_n3A_210 = arith.select %and3A_208, %add3A_209, %rem3A_200 : i32
      %eq3A_211 = arith.constant 1 : i32
      %eq3A_212 = arith.cmpi eq, %select_n3A_210, %eq3A_211 : i32
      %and3A_213 = arith.andi %ge3A_192, %eq3A_212 : i1
      %or3A_214 = arith.ori %or3A_190, %and3A_213 : i1
      %convert_element_type3A_215 = arith.extui %or3A_214 : i1 to i32
      %cond3A_216 = arith.constant 0 : i32
      %cond3A_217 = arith.cmpi ne, %convert_element_type3A_215, %cond3A_216 : i32
      scf.if %cond3A_217 {
        %dma_wait3A = arith.constant 0 : i32
        %dma_wait3A_514 = arith.constant 0 : i32
        %dma_wait3A_515 = tpu.memref_slice %arg2[%dma_wait3A, %dma_wait3A_514] : memref<10000x48xf32, #tpu.memory_space<hbm>> -> memref<128x48xf32, #tpu.memory_space<hbm>>
        %dma_wait3A_516 = arith.constant 0 : i32
        %dma_wait3A_517 = arith.constant 0 : i32
        %dma_wait3A_518 = tpu.memref_slice %arg2[%dma_wait3A_516, %dma_wait3A_517] : memref<10000x48xf32, #tpu.memory_space<hbm>> -> memref<128x48xf32, #tpu.memory_space<hbm>>
        tpu.wait_dma2 semaphore(%arg22 : memref<!tpu.dma_semaphore, #tpu.memory_space<semaphore_mem>>) src(%dma_wait3A_518 : memref<128x48xf32, #tpu.memory_space<hbm>>) dst(%arg9 : memref<128x48xf32, #tpu.memory_space<vmem>>)
      } else {
      }
      %ge3A_218 = arith.constant 1 : i32
      %ge3A_219 = arith.cmpi sge, %add3A_21, %ge3A_218 : i32
      %sub3A_220 = arith.constant 1 : i32
      %sub3A_221 = arith.subi %add3A_21, %sub3A_220 : i32
      %jit3A_222 = arith.constant 6 : i32
      %eq3A_223 = arith.constant 0 : i32
      %eq3A_224 = arith.cmpi eq, %jit3A_222, %eq3A_223 : i32
      %jit3A_225 = arith.constant 1 : i32
      %select_n3A_226 = arith.select %eq3A_224, %jit3A_225, %jit3A_222 : i32
      %rem3A_227 = arith.remsi %sub3A_221, %select_n3A_226 : i32
      %ne3A_228 = arith.constant 0 : i32
      %ne3A_229 = arith.cmpi ne, %rem3A_227, %ne3A_228 : i32
      %lt3A_230 = arith.constant 0 : i32
      %lt3A_231 = arith.cmpi slt, %rem3A_227, %lt3A_230 : i32
      %lt3A_232 = arith.constant 0 : i32
      %lt3A_233 = arith.cmpi slt, %select_n3A_226, %lt3A_232 : i32
      %ne3A_234 = arith.xori %lt3A_231, %lt3A_233 : i1
      %and3A_235 = arith.andi %ne3A_234, %ne3A_229 : i1
      %add3A_236 = arith.addi %rem3A_227, %select_n3A_226 : i32
      %select_n3A_237 = arith.select %and3A_235, %add3A_236, %rem3A_227 : i32
      %eq3A_238 = arith.constant 2 : i32
      %eq3A_239 = arith.cmpi eq, %select_n3A_237, %eq3A_238 : i32
      %and3A_240 = arith.andi %ge3A_219, %eq3A_239 : i1
      %ge3A_241 = arith.constant 2 : i32
      %ge3A_242 = arith.cmpi sge, %add3A_21, %ge3A_241 : i32
      %sub3A_243 = arith.constant 2 : i32
      %sub3A_244 = arith.subi %add3A_21, %sub3A_243 : i32
      %jit3A_245 = arith.constant 6 : i32
      %eq3A_246 = arith.constant 0 : i32
      %eq3A_247 = arith.cmpi eq, %jit3A_245, %eq3A_246 : i32
      %jit3A_248 = arith.constant 1 : i32
      %select_n3A_249 = arith.select %eq3A_247, %jit3A_248, %jit3A_245 : i32
      %rem3A_250 = arith.remsi %sub3A_244, %select_n3A_249 : i32
      %ne3A_251 = arith.constant 0 : i32
      %ne3A_252 = arith.cmpi ne, %rem3A_250, %ne3A_251 : i32
      %lt3A_253 = arith.constant 0 : i32
      %lt3A_254 = arith.cmpi slt, %rem3A_250, %lt3A_253 : i32
      %lt3A_255 = arith.constant 0 : i32
      %lt3A_256 = arith.cmpi slt, %select_n3A_249, %lt3A_255 : i32
      %ne3A_257 = arith.xori %lt3A_254, %lt3A_256 : i1
      %and3A_258 = arith.andi %ne3A_257, %ne3A_252 : i1
      %add3A_259 = arith.addi %rem3A_250, %select_n3A_249 : i32
      %select_n3A_260 = arith.select %and3A_258, %add3A_259, %rem3A_250 : i32
      %eq3A_261 = arith.constant 2 : i32
      %eq3A_262 = arith.cmpi eq, %select_n3A_260, %eq3A_261 : i32
      %and3A_263 = arith.andi %ge3A_242, %eq3A_262 : i1
      %or3A_264 = arith.ori %and3A_240, %and3A_263 : i1
      %ge3A_265 = arith.constant 3 : i32
      %ge3A_266 = arith.cmpi sge, %add3A_21, %ge3A_265 : i32
      %sub3A_267 = arith.constant 3 : i32
      %sub3A_268 = arith.subi %add3A_21, %sub3A_267 : i32
      %jit3A_269 = arith.constant 6 : i32
      %eq3A_270 = arith.constant 0 : i32
      %eq3A_271 = arith.cmpi eq, %jit3A_269, %eq3A_270 : i32
      %jit3A_272 = arith.constant 1 : i32
      %select_n3A_273 = arith.select %eq3A_271, %jit3A_272, %jit3A_269 : i32
      %rem3A_274 = arith.remsi %sub3A_268, %select_n3A_273 : i32
      %ne3A_275 = arith.constant 0 : i32
      %ne3A_276 = arith.cmpi ne, %rem3A_274, %ne3A_275 : i32
      %lt3A_277 = arith.constant 0 : i32
      %lt3A_278 = arith.cmpi slt, %rem3A_274, %lt3A_277 : i32
      %lt3A_279 = arith.constant 0 : i32
      %lt3A_280 = arith.cmpi slt, %select_n3A_273, %lt3A_279 : i32
      %ne3A_281 = arith.xori %lt3A_278, %lt3A_280 : i1
      %and3A_282 = arith.andi %ne3A_281, %ne3A_276 : i1
      %add3A_283 = arith.addi %rem3A_274, %select_n3A_273 : i32
      %select_n3A_284 = arith.select %and3A_282, %add3A_283, %rem3A_274 : i32
      %eq3A_285 = arith.constant 2 : i32
      %eq3A_286 = arith.cmpi eq, %select_n3A_284, %eq3A_285 : i32
      %and3A_287 = arith.andi %ge3A_266, %eq3A_286 : i1
      %or3A_288 = arith.ori %or3A_264, %and3A_287 : i1
      %convert_element_type3A_289 = arith.extui %or3A_288 : i1 to i32
      %cond3A_290 = arith.constant 0 : i32
      %cond3A_291 = arith.cmpi ne, %convert_element_type3A_289, %cond3A_290 : i32
      scf.if %cond3A_291 {
        %dma_wait3A = arith.constant 0 : i32
        %dma_wait3A_514 = arith.constant 0 : i32
        %dma_wait3A_515 = tpu.memref_slice %arg2[%dma_wait3A, %dma_wait3A_514] : memref<10000x48xf32, #tpu.memory_space<hbm>> -> memref<128x48xf32, #tpu.memory_space<hbm>>
        %dma_wait3A_516 = arith.constant 0 : i32
        %dma_wait3A_517 = arith.constant 0 : i32
        %dma_wait3A_518 = tpu.memref_slice %arg2[%dma_wait3A_516, %dma_wait3A_517] : memref<10000x48xf32, #tpu.memory_space<hbm>> -> memref<128x48xf32, #tpu.memory_space<hbm>>
        tpu.wait_dma2 semaphore(%arg23 : memref<!tpu.dma_semaphore, #tpu.memory_space<semaphore_mem>>) src(%dma_wait3A_518 : memref<128x48xf32, #tpu.memory_space<hbm>>) dst(%arg10 : memref<128x48xf32, #tpu.memory_space<vmem>>)
      } else {
      }
      %ge3A_292 = arith.constant 1 : i32
      %ge3A_293 = arith.cmpi sge, %add3A_21, %ge3A_292 : i32
      %sub3A_294 = arith.constant 1 : i32
      %sub3A_295 = arith.subi %add3A_21, %sub3A_294 : i32
      %jit3A_296 = arith.constant 6 : i32
      %eq3A_297 = arith.constant 0 : i32
      %eq3A_298 = arith.cmpi eq, %jit3A_296, %eq3A_297 : i32
      %jit3A_299 = arith.constant 1 : i32
      %select_n3A_300 = arith.select %eq3A_298, %jit3A_299, %jit3A_296 : i32
      %rem3A_301 = arith.remsi %sub3A_295, %select_n3A_300 : i32
      %ne3A_302 = arith.constant 0 : i32
      %ne3A_303 = arith.cmpi ne, %rem3A_301, %ne3A_302 : i32
      %lt3A_304 = arith.constant 0 : i32
      %lt3A_305 = arith.cmpi slt, %rem3A_301, %lt3A_304 : i32
      %lt3A_306 = arith.constant 0 : i32
      %lt3A_307 = arith.cmpi slt, %select_n3A_300, %lt3A_306 : i32
      %ne3A_308 = arith.xori %lt3A_305, %lt3A_307 : i1
      %and3A_309 = arith.andi %ne3A_308, %ne3A_303 : i1
      %add3A_310 = arith.addi %rem3A_301, %select_n3A_300 : i32
      %select_n3A_311 = arith.select %and3A_309, %add3A_310, %rem3A_301 : i32
      %eq3A_312 = arith.constant 3 : i32
      %eq3A_313 = arith.cmpi eq, %select_n3A_311, %eq3A_312 : i32
      %and3A_314 = arith.andi %ge3A_293, %eq3A_313 : i1
      %ge3A_315 = arith.constant 2 : i32
      %ge3A_316 = arith.cmpi sge, %add3A_21, %ge3A_315 : i32
      %sub3A_317 = arith.constant 2 : i32
      %sub3A_318 = arith.subi %add3A_21, %sub3A_317 : i32
      %jit3A_319 = arith.constant 6 : i32
      %eq3A_320 = arith.constant 0 : i32
      %eq3A_321 = arith.cmpi eq, %jit3A_319, %eq3A_320 : i32
      %jit3A_322 = arith.constant 1 : i32
      %select_n3A_323 = arith.select %eq3A_321, %jit3A_322, %jit3A_319 : i32
      %rem3A_324 = arith.remsi %sub3A_318, %select_n3A_323 : i32
      %ne3A_325 = arith.constant 0 : i32
      %ne3A_326 = arith.cmpi ne, %rem3A_324, %ne3A_325 : i32
      %lt3A_327 = arith.constant 0 : i32
      %lt3A_328 = arith.cmpi slt, %rem3A_324, %lt3A_327 : i32
      %lt3A_329 = arith.constant 0 : i32
      %lt3A_330 = arith.cmpi slt, %select_n3A_323, %lt3A_329 : i32
      %ne3A_331 = arith.xori %lt3A_328, %lt3A_330 : i1
      %and3A_332 = arith.andi %ne3A_331, %ne3A_326 : i1
      %add3A_333 = arith.addi %rem3A_324, %select_n3A_323 : i32
      %select_n3A_334 = arith.select %and3A_332, %add3A_333, %rem3A_324 : i32
      %eq3A_335 = arith.constant 3 : i32
      %eq3A_336 = arith.cmpi eq, %select_n3A_334, %eq3A_335 : i32
      %and3A_337 = arith.andi %ge3A_316, %eq3A_336 : i1
      %or3A_338 = arith.ori %and3A_314, %and3A_337 : i1
      %ge3A_339 = arith.constant 3 : i32
      %ge3A_340 = arith.cmpi sge, %add3A_21, %ge3A_339 : i32
      %sub3A_341 = arith.constant 3 : i32
      %sub3A_342 = arith.subi %add3A_21, %sub3A_341 : i32
      %jit3A_343 = arith.constant 6 : i32
      %eq3A_344 = arith.constant 0 : i32
      %eq3A_345 = arith.cmpi eq, %jit3A_343, %eq3A_344 : i32
      %jit3A_346 = arith.constant 1 : i32
      %select_n3A_347 = arith.select %eq3A_345, %jit3A_346, %jit3A_343 : i32
      %rem3A_348 = arith.remsi %sub3A_342, %select_n3A_347 : i32
      %ne3A_349 = arith.constant 0 : i32
      %ne3A_350 = arith.cmpi ne, %rem3A_348, %ne3A_349 : i32
      %lt3A_351 = arith.constant 0 : i32
      %lt3A_352 = arith.cmpi slt, %rem3A_348, %lt3A_351 : i32
      %lt3A_353 = arith.constant 0 : i32
      %lt3A_354 = arith.cmpi slt, %select_n3A_347, %lt3A_353 : i32
      %ne3A_355 = arith.xori %lt3A_352, %lt3A_354 : i1
      %and3A_356 = arith.andi %ne3A_355, %ne3A_350 : i1
      %add3A_357 = arith.addi %rem3A_348, %select_n3A_347 : i32
      %select_n3A_358 = arith.select %and3A_356, %add3A_357, %rem3A_348 : i32
      %eq3A_359 = arith.constant 3 : i32
      %eq3A_360 = arith.cmpi eq, %select_n3A_358, %eq3A_359 : i32
      %and3A_361 = arith.andi %ge3A_340, %eq3A_360 : i1
      %or3A_362 = arith.ori %or3A_338, %and3A_361 : i1
      %convert_element_type3A_363 = arith.extui %or3A_362 : i1 to i32
      %cond3A_364 = arith.constant 0 : i32
      %cond3A_365 = arith.cmpi ne, %convert_element_type3A_363, %cond3A_364 : i32
      scf.if %cond3A_365 {
        %dma_wait3A = arith.constant 0 : i32
        %dma_wait3A_514 = arith.constant 0 : i32
        %dma_wait3A_515 = tpu.memref_slice %arg2[%dma_wait3A, %dma_wait3A_514] : memref<10000x48xf32, #tpu.memory_space<hbm>> -> memref<128x48xf32, #tpu.memory_space<hbm>>
        %dma_wait3A_516 = arith.constant 0 : i32
        %dma_wait3A_517 = arith.constant 0 : i32
        %dma_wait3A_518 = tpu.memref_slice %arg2[%dma_wait3A_516, %dma_wait3A_517] : memref<10000x48xf32, #tpu.memory_space<hbm>> -> memref<128x48xf32, #tpu.memory_space<hbm>>
        tpu.wait_dma2 semaphore(%arg24 : memref<!tpu.dma_semaphore, #tpu.memory_space<semaphore_mem>>) src(%dma_wait3A_518 : memref<128x48xf32, #tpu.memory_space<hbm>>) dst(%arg11 : memref<128x48xf32, #tpu.memory_space<vmem>>)
      } else {
      }
      %ge3A_366 = arith.constant 1 : i32
      %ge3A_367 = arith.cmpi sge, %add3A_21, %ge3A_366 : i32
      %sub3A_368 = arith.constant 1 : i32
      %sub3A_369 = arith.subi %add3A_21, %sub3A_368 : i32
      %jit3A_370 = arith.constant 6 : i32
      %eq3A_371 = arith.constant 0 : i32
      %eq3A_372 = arith.cmpi eq, %jit3A_370, %eq3A_371 : i32
      %jit3A_373 = arith.constant 1 : i32
      %select_n3A_374 = arith.select %eq3A_372, %jit3A_373, %jit3A_370 : i32
      %rem3A_375 = arith.remsi %sub3A_369, %select_n3A_374 : i32
      %ne3A_376 = arith.constant 0 : i32
      %ne3A_377 = arith.cmpi ne, %rem3A_375, %ne3A_376 : i32
      %lt3A_378 = arith.constant 0 : i32
      %lt3A_379 = arith.cmpi slt, %rem3A_375, %lt3A_378 : i32
      %lt3A_380 = arith.constant 0 : i32
      %lt3A_381 = arith.cmpi slt, %select_n3A_374, %lt3A_380 : i32
      %ne3A_382 = arith.xori %lt3A_379, %lt3A_381 : i1
      %and3A_383 = arith.andi %ne3A_382, %ne3A_377 : i1
      %add3A_384 = arith.addi %rem3A_375, %select_n3A_374 : i32
      %select_n3A_385 = arith.select %and3A_383, %add3A_384, %rem3A_375 : i32
      %eq3A_386 = arith.constant 4 : i32
      %eq3A_387 = arith.cmpi eq, %select_n3A_385, %eq3A_386 : i32
      %and3A_388 = arith.andi %ge3A_367, %eq3A_387 : i1
      %ge3A_389 = arith.constant 2 : i32
      %ge3A_390 = arith.cmpi sge, %add3A_21, %ge3A_389 : i32
      %sub3A_391 = arith.constant 2 : i32
      %sub3A_392 = arith.subi %add3A_21, %sub3A_391 : i32
      %jit3A_393 = arith.constant 6 : i32
      %eq3A_394 = arith.constant 0 : i32
      %eq3A_395 = arith.cmpi eq, %jit3A_393, %eq3A_394 : i32
      %jit3A_396 = arith.constant 1 : i32
      %select_n3A_397 = arith.select %eq3A_395, %jit3A_396, %jit3A_393 : i32
      %rem3A_398 = arith.remsi %sub3A_392, %select_n3A_397 : i32
      %ne3A_399 = arith.constant 0 : i32
      %ne3A_400 = arith.cmpi ne, %rem3A_398, %ne3A_399 : i32
      %lt3A_401 = arith.constant 0 : i32
      %lt3A_402 = arith.cmpi slt, %rem3A_398, %lt3A_401 : i32
      %lt3A_403 = arith.constant 0 : i32
      %lt3A_404 = arith.cmpi slt, %select_n3A_397, %lt3A_403 : i32
      %ne3A_405 = arith.xori %lt3A_402, %lt3A_404 : i1
      %and3A_406 = arith.andi %ne3A_405, %ne3A_400 : i1
      %add3A_407 = arith.addi %rem3A_398, %select_n3A_397 : i32
      %select_n3A_408 = arith.select %and3A_406, %add3A_407, %rem3A_398 : i32
      %eq3A_409 = arith.constant 4 : i32
      %eq3A_410 = arith.cmpi eq, %select_n3A_408, %eq3A_409 : i32
      %and3A_411 = arith.andi %ge3A_390, %eq3A_410 : i1
      %or3A_412 = arith.ori %and3A_388, %and3A_411 : i1
      %ge3A_413 = arith.constant 3 : i32
      %ge3A_414 = arith.cmpi sge, %add3A_21, %ge3A_413 : i32
      %sub3A_415 = arith.constant 3 : i32
      %sub3A_416 = arith.subi %add3A_21, %sub3A_415 : i32
      %jit3A_417 = arith.constant 6 : i32
      %eq3A_418 = arith.constant 0 : i32
      %eq3A_419 = arith.cmpi eq, %jit3A_417, %eq3A_418 : i32
      %jit3A_420 = arith.constant 1 : i32
      %select_n3A_421 = arith.select %eq3A_419, %jit3A_420, %jit3A_417 : i32
      %rem3A_422 = arith.remsi %sub3A_416, %select_n3A_421 : i32
      %ne3A_423 = arith.constant 0 : i32
      %ne3A_424 = arith.cmpi ne, %rem3A_422, %ne3A_423 : i32
      %lt3A_425 = arith.constant 0 : i32
      %lt3A_426 = arith.cmpi slt, %rem3A_422, %lt3A_425 : i32
      %lt3A_427 = arith.constant 0 : i32
      %lt3A_428 = arith.cmpi slt, %select_n3A_421, %lt3A_427 : i32
      %ne3A_429 = arith.xori %lt3A_426, %lt3A_428 : i1
      %and3A_430 = arith.andi %ne3A_429, %ne3A_424 : i1
      %add3A_431 = arith.addi %rem3A_422, %select_n3A_421 : i32
      %select_n3A_432 = arith.select %and3A_430, %add3A_431, %rem3A_422 : i32
      %eq3A_433 = arith.constant 4 : i32
      %eq3A_434 = arith.cmpi eq, %select_n3A_432, %eq3A_433 : i32
      %and3A_435 = arith.andi %ge3A_414, %eq3A_434 : i1
      %or3A_436 = arith.ori %or3A_412, %and3A_435 : i1
      %convert_element_type3A_437 = arith.extui %or3A_436 : i1 to i32
      %cond3A_438 = arith.constant 0 : i32
      %cond3A_439 = arith.cmpi ne, %convert_element_type3A_437, %cond3A_438 : i32
      scf.if %cond3A_439 {
        %dma_wait3A = arith.constant 0 : i32
        %dma_wait3A_514 = arith.constant 0 : i32
        %dma_wait3A_515 = tpu.memref_slice %arg2[%dma_wait3A, %dma_wait3A_514] : memref<10000x48xf32, #tpu.memory_space<hbm>> -> memref<128x48xf32, #tpu.memory_space<hbm>>
        %dma_wait3A_516 = arith.constant 0 : i32
        %dma_wait3A_517 = arith.constant 0 : i32
        %dma_wait3A_518 = tpu.memref_slice %arg2[%dma_wait3A_516, %dma_wait3A_517] : memref<10000x48xf32, #tpu.memory_space<hbm>> -> memref<128x48xf32, #tpu.memory_space<hbm>>
        tpu.wait_dma2 semaphore(%arg25 : memref<!tpu.dma_semaphore, #tpu.memory_space<semaphore_mem>>) src(%dma_wait3A_518 : memref<128x48xf32, #tpu.memory_space<hbm>>) dst(%arg12 : memref<128x48xf32, #tpu.memory_space<vmem>>)
      } else {
      }
      %ge3A_440 = arith.constant 1 : i32
      %ge3A_441 = arith.cmpi sge, %add3A_21, %ge3A_440 : i32
      %sub3A_442 = arith.constant 1 : i32
      %sub3A_443 = arith.subi %add3A_21, %sub3A_442 : i32
      %jit3A_444 = arith.constant 6 : i32
      %eq3A_445 = arith.constant 0 : i32
      %eq3A_446 = arith.cmpi eq, %jit3A_444, %eq3A_445 : i32
      %jit3A_447 = arith.constant 1 : i32
      %select_n3A_448 = arith.select %eq3A_446, %jit3A_447, %jit3A_444 : i32
      %rem3A_449 = arith.remsi %sub3A_443, %select_n3A_448 : i32
      %ne3A_450 = arith.constant 0 : i32
      %ne3A_451 = arith.cmpi ne, %rem3A_449, %ne3A_450 : i32
      %lt3A_452 = arith.constant 0 : i32
      %lt3A_453 = arith.cmpi slt, %rem3A_449, %lt3A_452 : i32
      %lt3A_454 = arith.constant 0 : i32
      %lt3A_455 = arith.cmpi slt, %select_n3A_448, %lt3A_454 : i32
      %ne3A_456 = arith.xori %lt3A_453, %lt3A_455 : i1
      %and3A_457 = arith.andi %ne3A_456, %ne3A_451 : i1
      %add3A_458 = arith.addi %rem3A_449, %select_n3A_448 : i32
      %select_n3A_459 = arith.select %and3A_457, %add3A_458, %rem3A_449 : i32
      %eq3A_460 = arith.constant 5 : i32
      %eq3A_461 = arith.cmpi eq, %select_n3A_459, %eq3A_460 : i32
      %and3A_462 = arith.andi %ge3A_441, %eq3A_461 : i1
      %ge3A_463 = arith.constant 2 : i32
      %ge3A_464 = arith.cmpi sge, %add3A_21, %ge3A_463 : i32
      %sub3A_465 = arith.constant 2 : i32
      %sub3A_466 = arith.subi %add3A_21, %sub3A_465 : i32
      %jit3A_467 = arith.constant 6 : i32
      %eq3A_468 = arith.constant 0 : i32
      %eq3A_469 = arith.cmpi eq, %jit3A_467, %eq3A_468 : i32
      %jit3A_470 = arith.constant 1 : i32
      %select_n3A_471 = arith.select %eq3A_469, %jit3A_470, %jit3A_467 : i32
      %rem3A_472 = arith.remsi %sub3A_466, %select_n3A_471 : i32
      %ne3A_473 = arith.constant 0 : i32
      %ne3A_474 = arith.cmpi ne, %rem3A_472, %ne3A_473 : i32
      %lt3A_475 = arith.constant 0 : i32
      %lt3A_476 = arith.cmpi slt, %rem3A_472, %lt3A_475 : i32
      %lt3A_477 = arith.constant 0 : i32
      %lt3A_478 = arith.cmpi slt, %select_n3A_471, %lt3A_477 : i32
      %ne3A_479 = arith.xori %lt3A_476, %lt3A_478 : i1
      %and3A_480 = arith.andi %ne3A_479, %ne3A_474 : i1
      %add3A_481 = arith.addi %rem3A_472, %select_n3A_471 : i32
      %select_n3A_482 = arith.select %and3A_480, %add3A_481, %rem3A_472 : i32
      %eq3A_483 = arith.constant 5 : i32
      %eq3A_484 = arith.cmpi eq, %select_n3A_482, %eq3A_483 : i32
      %and3A_485 = arith.andi %ge3A_464, %eq3A_484 : i1
      %or3A_486 = arith.ori %and3A_462, %and3A_485 : i1
      %ge3A_487 = arith.constant 3 : i32
      %ge3A_488 = arith.cmpi sge, %add3A_21, %ge3A_487 : i32
      %sub3A_489 = arith.constant 3 : i32
      %sub3A_490 = arith.subi %add3A_21, %sub3A_489 : i32
      %jit3A_491 = arith.constant 6 : i32
      %eq3A_492 = arith.constant 0 : i32
      %eq3A_493 = arith.cmpi eq, %jit3A_491, %eq3A_492 : i32
      %jit3A_494 = arith.constant 1 : i32
      %select_n3A_495 = arith.select %eq3A_493, %jit3A_494, %jit3A_491 : i32
      %rem3A_496 = arith.remsi %sub3A_490, %select_n3A_495 : i32
      %ne3A_497 = arith.constant 0 : i32
      %ne3A_498 = arith.cmpi ne, %rem3A_496, %ne3A_497 : i32
      %lt3A_499 = arith.constant 0 : i32
      %lt3A_500 = arith.cmpi slt, %rem3A_496, %lt3A_499 : i32
      %lt3A_501 = arith.constant 0 : i32
      %lt3A_502 = arith.cmpi slt, %select_n3A_495, %lt3A_501 : i32
      %ne3A_503 = arith.xori %lt3A_500, %lt3A_502 : i1
      %and3A_504 = arith.andi %ne3A_503, %ne3A_498 : i1
      %add3A_505 = arith.addi %rem3A_496, %select_n3A_495 : i32
      %select_n3A_506 = arith.select %and3A_504, %add3A_505, %rem3A_496 : i32
      %eq3A_507 = arith.constant 5 : i32
      %eq3A_508 = arith.cmpi eq, %select_n3A_506, %eq3A_507 : i32
      %and3A_509 = arith.andi %ge3A_488, %eq3A_508 : i1
      %or3A_510 = arith.ori %or3A_486, %and3A_509 : i1
      %convert_element_type3A_511 = arith.extui %or3A_510 : i1 to i32
      %cond3A_512 = arith.constant 0 : i32
      %cond3A_513 = arith.cmpi ne, %convert_element_type3A_511, %cond3A_512 : i32
      scf.if %cond3A_513 {
        %dma_wait3A = arith.constant 0 : i32
        %dma_wait3A_514 = arith.constant 0 : i32
        %dma_wait3A_515 = tpu.memref_slice %arg2[%dma_wait3A, %dma_wait3A_514] : memref<10000x48xf32, #tpu.memory_space<hbm>> -> memref<128x48xf32, #tpu.memory_space<hbm>>
        %dma_wait3A_516 = arith.constant 0 : i32
        %dma_wait3A_517 = arith.constant 0 : i32
        %dma_wait3A_518 = tpu.memref_slice %arg2[%dma_wait3A_516, %dma_wait3A_517] : memref<10000x48xf32, #tpu.memory_space<hbm>> -> memref<128x48xf32, #tpu.memory_space<hbm>>
        tpu.wait_dma2 semaphore(%arg26 : memref<!tpu.dma_semaphore, #tpu.memory_space<semaphore_mem>>) src(%dma_wait3A_518 : memref<128x48xf32, #tpu.memory_space<hbm>>) dst(%arg13 : memref<128x48xf32, #tpu.memory_space<vmem>>)
      } else {
      }
    } else {
    }
    %barrier3A_8 = arith.constant 0 : index
    tpu.barrier barrier_id(%barrier3A_8)
    %mul3A_9 = arith.constant 632 : i32
    %mul3A_10 = arith.muli %arg1, %mul3A_9 : i32
    %mul3A_11 = arith.constant 632 : i32
    %mul3A_12 = arith.muli %arg1, %mul3A_11 : i32
    "tpu.region"() ({
      %run_scoped3A = tpu.sem_alloc : memref<!tpu.dma_semaphore, #tpu.memory_space<semaphore_mem>>
      %dma_start3A = arith.constant 0 : i32
      %dma_start3A_13 = tpu.memref_slice %arg5[%arg0, %mul3A_12, %dma_start3A] : memref<2x10112x128xf32, #tpu.memory_space<hbm>> -> memref<1x632x48xf32, #tpu.memory_space<hbm>>
      %dma_start3A_14 = tpu.memref_squeeze %dma_start3A_13 : memref<1x632x48xf32, #tpu.memory_space<hbm>> -> memref<632x48xf32, #tpu.memory_space<hbm>>
      %dma_start3A_15 = arith.constant 0 : i32
      %dma_start3A_16 = tpu.memref_slice %arg14[%mul3A_10, %dma_start3A_15] : memref<10112x48xf32, #tpu.memory_space<vmem_shared>> -> memref<632x48xf32, #tpu.memory_space<vmem_shared>>
      tpu.enqueue_dma source(%dma_start3A_16 : memref<632x48xf32, #tpu.memory_space<vmem_shared>>) target(%dma_start3A_14 : memref<632x48xf32, #tpu.memory_space<hbm>>) target_semaphore(%run_scoped3A : memref<!tpu.dma_semaphore, #tpu.memory_space<semaphore_mem>>)
      %dma_wait3A = arith.constant 0 : i32
      %dma_wait3A_17 = tpu.memref_slice %arg5[%arg0, %mul3A_12, %dma_wait3A] : memref<2x10112x128xf32, #tpu.memory_space<hbm>> -> memref<1x632x48xf32, #tpu.memory_space<hbm>>
      %dma_wait3A_18 = tpu.memref_squeeze %dma_wait3A_17 : memref<1x632x48xf32, #tpu.memory_space<hbm>> -> memref<632x48xf32, #tpu.memory_space<hbm>>
      %dma_wait3A_19 = arith.constant 0 : i32
      %dma_wait3A_20 = tpu.memref_slice %arg14[%mul3A_10, %dma_wait3A_19] : memref<10112x48xf32, #tpu.memory_space<vmem_shared>> -> memref<632x48xf32, #tpu.memory_space<vmem_shared>>
      tpu.wait_dma2 semaphore(%run_scoped3A : memref<!tpu.dma_semaphore, #tpu.memory_space<semaphore_mem>>) src(%dma_wait3A_20 : memref<632x48xf32, #tpu.memory_space<vmem_shared>>) dst(%dma_wait3A_18 : memref<632x48xf32, #tpu.memory_space<hbm>>)
      tpu.yield
    }) : () -> ()
    return
  }
}

module attributes {stable_mosaic.version = 14 : i64} {
  func.func @_mm_body(%arg0: memref<128x10000xf32, #tpu.memory_space<vmem>>, %arg1: memref<48x128xf32, #tpu.memory_space<vmem>>, %arg2: memref<10000x48xf32, #tpu.memory_space<vmem>>) attributes {dimension_semantics = [], scalar_prefetch = 0 : i64, scratch_operands = 0 : i64, tpu.core_type = #tpu.core_type<tc>} {
    %get3A = arith.constant 0 : index
    %get3A_0 = arith.constant 0 : index
    %get3A_1 = vector.load %arg0[%get3A, %get3A_0] : memref<128x10000xf32, #tpu.memory_space<vmem>>, vector<128x10000xf32>
    %get3A_2 = arith.constant 0 : index
    %get3A_3 = arith.constant 0 : index
    %get3A_4 = vector.load %arg1[%get3A_2, %get3A_3] : memref<48x128xf32, #tpu.memory_space<vmem>>, vector<48x128xf32>
    %dot_general3A = arith.constant dense<0.000000e+00> : vector<10000x48xf32>
    %dot_general3A_5 = tpu.matmul %get3A_1, %get3A_4, %dot_general3A {dimension_numbers = #tpu.dot_dimension_numbers<[0], [1], [1], [0], [0, 1, 1, 0], [], []>, transpose_lhs_hint = false} : vector<128x10000xf32>, vector<48x128xf32>, vector<10000x48xf32> -> vector<10000x48xf32>
    %swap3A = arith.constant 0 : index
    %swap3A_6 = arith.constant 0 : index
    %swap3A_7 = vector.load %arg2[%swap3A, %swap3A_6] : memref<10000x48xf32, #tpu.memory_space<vmem>>, vector<10000x48xf32>
    tpu.vector_store %arg2[%swap3A, %swap3A_6], %dot_general3A_5 {strides = array<i32>} : memref<10000x48xf32, #tpu.memory_space<vmem>>, vector<10000x48xf32>,
    return
  }
}

module attributes {stable_mosaic.version = 14 : i64} {
  func.func @_softmax_body(%arg0: memref<2x10112x128xf32, #tpu.memory_space<vmem>>, %arg1: memref<1x128xf32, #tpu.memory_space<vmem>>, %arg2: memref<128x128xf32, #tpu.memory_space<vmem>>, %arg3: memref<1x128xf32, #tpu.memory_space<vmem>>, %arg4: memref<10000x40xf32, #tpu.memory_space<vmem>>, %arg5: memref<10000x40xf32, #tpu.memory_space<vmem>>) attributes {dimension_semantics = [], scalar_prefetch = 0 : i64, scratch_operands = 0 : i64, tpu.core_type = #tpu.core_type<tc>} {
    %get3A = arith.constant 0 : index
    %get3A_0 = arith.constant 0 : index
    %get3A_1 = vector.load %arg1[%get3A, %get3A_0] : memref<1x128xf32, #tpu.memory_space<vmem>>, vector<1x128xf32>
    %get3A_2 = arith.constant 0 : index
    %get3A_3 = arith.constant 0 : index
    %get3A_4 = vector.load %arg2[%get3A_2, %get3A_3] : memref<128x128xf32, #tpu.memory_space<vmem>>, vector<128x128xf32>
    %dot_general3A = arith.constant dense<0.000000e+00> : vector<1x128xf32>
    %dot_general3A_5 = tpu.matmul %get3A_1, %get3A_4, %dot_general3A {dimension_numbers = #tpu.dot_dimension_numbers<[1], [1], [0], [0], [0, 0, 1, 0], [], []>, transpose_lhs_hint = false} : vector<1x128xf32>, vector<128x128xf32>, vector<1x128xf32> -> vector<1x128xf32>
    %get3A_6 = arith.constant 0 : index
    %get3A_7 = arith.constant 0 : index
    %get3A_8 = vector.load %arg3[%get3A_6, %get3A_7] : memref<1x128xf32, #tpu.memory_space<vmem>>, vector<1x128xf32>
    %add3A = arith.addf %dot_general3A_5, %get3A_8 : vector<1x128xf32>
    %get3A_9 = arith.constant 0 : index
    %get3A_10 = arith.constant 0 : index
    %get3A_11 = arith.constant 0 : index
    %get3A_12 = vector.load %arg0[%get3A_9, %get3A_10, %get3A_11] : memref<2x10112x128xf32, #tpu.memory_space<vmem>>, vector<1x10112x128xf32>
    %get3A_13 = vector.shape_cast %get3A_12 : vector<1x10112x128xf32> to vector<10112x128xf32>
    %get3A_14 = arith.constant 1 : index
    %get3A_15 = arith.constant 0 : index
    %get3A_16 = arith.constant 0 : index
    %get3A_17 = vector.load %arg0[%get3A_14, %get3A_15, %get3A_16] : memref<2x10112x128xf32, #tpu.memory_space<vmem>>, vector<1x10112x128xf32>
    %get3A_18 = vector.shape_cast %get3A_17 : vector<1x10112x128xf32> to vector<10112x128xf32>
    %add3A_19 = arith.addf %get3A_13, %get3A_18 : vector<10112x128xf32>
    %add3A_20 = vector.broadcast %add3A : vector<1x128xf32> to vector<10112x128xf32>
    %add3A_21 = arith.addf %add3A_19, %add3A_20 : vector<10112x128xf32>
    %iota3A = tpu.iota {dimensions = array<i32: 1>} : vector<10112x128xi32>
    %lt3A = arith.constant 40 : i32
    %lt3A_22 = vector.broadcast %lt3A : i32 to vector<10112x128xi32>
    %lt3A_23 = arith.cmpi slt, %iota3A, %lt3A_22 : vector<10112x128xi32>
    %jit3A = arith.constant 0xFF800000 : f32
    %broadcast_in_dim3A = vector.broadcast %jit3A : f32 to vector<10112x128xf32>
    %select_n3A = arith.select %lt3A_23, %add3A_21, %broadcast_in_dim3A : vector<10112x128xi1>, vector<10112x128xf32>
    %reduce_max3A = arith.constant dense<0xFF800000> : vector<10112xf32>
    %reduce_max3A_24 = vector.multi_reduction <maximumf>, %select_n3A, %reduce_max3A [1] : vector<10112x128xf32> to vector<10112xf32>
    %broadcast_in_dim3A_25 = vector.shape_cast %reduce_max3A_24 : vector<10112xf32> to vector<10112x1xf32>
    %sub3A = vector.broadcast %broadcast_in_dim3A_25 : vector<10112x1xf32> to vector<10112x128xf32>
    %sub3A_26 = arith.subf %select_n3A, %sub3A : vector<10112x128xf32>
    %exp3A = math.exp %sub3A_26 : vector<10112x128xf32>
    %reduce_sum3A = arith.constant dense<0.000000e+00> : vector<10112xf32>
    %reduce_sum3A_27 = vector.multi_reduction <add>, %exp3A, %reduce_sum3A [1] : vector<10112x128xf32> to vector<10112xf32>
    %broadcast_in_dim3A_28 = vector.shape_cast %reduce_sum3A_27 : vector<10112xf32> to vector<10112x1xf32>
    %log3A = math.log %broadcast_in_dim3A_28 : vector<10112x1xf32>
    %add3A_29 = arith.addf %log3A, %broadcast_in_dim3A_25 : vector<10112x1xf32>
    %sub3A_30 = vector.broadcast %add3A_29 : vector<10112x1xf32> to vector<10112x128xf32>
    %sub3A_31 = arith.subf %add3A_21, %sub3A_30 : vector<10112x128xf32>
    %slice3A = vector.extract_strided_slice %sub3A_31 {offsets = [0, 0], sizes = [10000, 40], strides = [1, 1]} : vector<10112x128xf32> to vector<10000x40xf32>
    %swap3A = arith.constant 0 : index
    %swap3A_32 = arith.constant 0 : index
    %swap3A_33 = vector.load %arg4[%swap3A, %swap3A_32] : memref<10000x40xf32, #tpu.memory_space<vmem>>, vector<10000x40xf32>
    tpu.vector_store %arg4[%swap3A, %swap3A_32], %slice3A {strides = array<i32>} : memref<10000x40xf32, #tpu.memory_space<vmem>>, vector<10000x40xf32>,
    %slice3A_34 = vector.extract_strided_slice %add3A_21 {offsets = [0, 0], sizes = [10000, 40], strides = [1, 1]} : vector<10112x128xf32> to vector<10000x40xf32>
    %swap3A_35 = arith.constant 0 : index
    %swap3A_36 = arith.constant 0 : index
    %swap3A_37 = vector.load %arg5[%swap3A_35, %swap3A_36] : memref<10000x40xf32, #tpu.memory_space<vmem>>, vector<10000x40xf32>
    tpu.vector_store %arg5[%swap3A_35, %swap3A_36], %slice3A_34 {strides = array<i32>} : memref<10000x40xf32, #tpu.memory_space<vmem>>, vector<10000x40xf32>,
    return
  }
}

</mosaic_0001>

<sc_bundles>
// kernel: kernel.5.cloned.1.call-start
scs
__scs_entry_jumppad:
0x0: {  	(pc) =	sbr.rel $0x88, $3  }
0x1: {  	(tag) =	ssettag $0x0;
	lr =	simm.s32 $0x1  }
0x2: {  	[smem:$0x3F9C] =	sst lr;
	_ =	strace $0xD0000000  }
0x3: {  	_ = 	snop  }
0x4: {  	_ = 	snop  }
0x5: {  	_ = 	snop  }
0x6: {  	_ = 	snop  }
0x7: {  	_ = 	snop  }
__scs_overlays_trampoline_lowered:
0x8: {  	[smem:$0x3FAB] =	sst s0  }
0x9: {  	[smem:$0x3FAC] =	sst s1  }
0xa: {  	[smem:$0x3FAD] =	sst s2  }
0xb: {  	[smem:$0x3FAE] =	sst s3  }
0xc: {  	[smem:$0x3FAF] =	sst s4  }
0xd: {  	[smem:$0x3FB0] =	sst s5  }
0xe: {  	[smem:$0x3FB1] =	sst s6  }
0xf: {  	[smem:$0x3FB2] =	sst s7  }
0x10: {  	[smem:$0x3FB3] =	sst s8  }
0x11: {  	[smem:$0x3FB4] =	sst s9;
	s0 =	simm.s32 @!p0 $0x0  }
0x12: {  	s1 =	sld [smem:$0x3F9A];
	s0 =	simm.s32 @p0 $0x1  }
0x13: {  	[smem:$0x3FB5] =	sst s0;
	s0 =	simm.s32 @!p1 $0x0  }
0x14: {  	s2 =	sld [smem:$0x3F99];
	s0 =	simm.s32 @p1 $0x1  }
0x15: {  	[smem:$0x3FB6] =	sst s0;
	s0 =	simm.s32 @!p2 $0x0  }
0x16: {  	s3 =	sld [smem:$0x3FDB];
	s0 =	simm.s32 @p2 $0x1  }
0x17: {  	s4 =	simm.s32 $0x1BF5;
	[smem:$0x3FB8] =	sst s0  }
0x18: {  	s0 =	sld [smem:$0x3F9B];
	_ =	swait.ge [sflag:s4], $0x0  }
0x19: {  	s7 =	sld [smem:$0x3F9C]  }
0x1a: {  	s8 =	sadd.s32 $0xFFFFE003, lr  }
0x1b: {  	s9 =	sadd.s32 $0xFFFFFEF7, lr;
	s5 =	simm.s32 $0xFFFFFFFF;
	p2 =	slt.u32 s8, $0xFFFFF086  }
0x1c: {  	p1 =	slt.u32 s9, $0xF7A;
	s5 =	simm.s32 @!p2 $0x0  }
0x1d: {  	s5 =	simm.s32 @p1 $0x1;
	p0 =	seq.s32 s7, s2  }
0x1e: {  	s7 =	smul.u32 @!p0 $0xF7A, s2;
	p2 =	seq.s32 @!p0 s5, $0x0  }
0x1f: {  	s9 =	smul.u32 $0xF7A, s1;
	s8 =	simm.s32 @!p0 $0x1BF5;
	p2 =	por !p2, p0  }
0x20: {  	[sflag:s8] =	ssyncset.s32 @!p0 $0xFFFFF086;
	s6 =	sadd.s32 @!p0 s3, s7;
	s7 =	simm.s32 @!p0 $0x108  }
0x21: {  	s3 =	sadd.s32 s3, s9;
	s6 =	sadd.s32 @!p0 $0x88, s6;
	s7 =	simm.s32 @p2 $0x1082  }
0x22: {  	[simem:s7], [sflag:s8] =	dma.local @!p0 [hbm:s6], $0xF7A  }
0x23: {  	s9 =	sor.u32 $0xD0000000, s2;
	s6 =	simm.s32 $0x108;
	_ =	swait.ge @!p0 [sflag:s8], $0x0  }
0x24: {  	s3 =	sadd.s32 $0x88, s3;
	s6 =	simm.s32 @!p1 $0x1082;
	[sflag:s4] =	ssyncset.s32 $0xFFFFF086  }
0x25: {  	[simem:s6], [sflag:s4] =	dma.local [hbm:s3], $0xF7A  }
0x26: {  	[smem:$0x3F9C] =	sst s1;
	(tag) =	ssettag s2;
	_ =	strace s9  }
0x27: {  	s1 =	sld [smem:$0x3FAC]  }
0x28: {  	s2 =	sld [smem:$0x3FAD]  }
0x29: {  	s4 =	sld [smem:$0x3FAF]  }
0x2a: {  	p0 =	seq.s32 s5, $0x0;
	s5 =	sld [smem:$0x3FB0]  }
0x2b: {  	s6 =	sld [smem:$0x3FB1]  }
0x2c: {  	s7 =	sld [smem:$0x3FB2]  }
0x2d: {  	s3 =	simm.s32 $0x108;
	s8 =	sld [smem:$0x3FB3]  }
0x2e: {  	s3 =	simm.s32 @!p0 $0x1082;
	s9 =	sld [smem:$0x3FB4]  }
0x2f: {  	lr =	sadd.s32 s0, s3;
	s0 =	sld [smem:$0x3FAB]  }
0x30: {  	s3 =	sld [smem:$0x3FAE]  }
0x31: {  	[smem:$0x3FB7] =	sst s10  }
0x32: {  	s10 =	sld [smem:$0x3FB5];
	_ =	sdelay $0x3  }
0x33: {  	p0 =	seq.s32 s10, $0x1;
	s10 =	sld [smem:$0x3FB7];
	_ =	sdelay $0x3  }
0x34: {  	[smem:$0x3FB7] =	sst s10  }
0x35: {  	s10 =	sld [smem:$0x3FB6];
	_ =	sdelay $0x3  }
0x36: {  	p1 =	seq.s32 s10, $0x1;
	s10 =	sld [smem:$0x3FB7];
	_ =	sdelay $0x3  }
0x37: {  	[smem:$0x3FB7] =	sst s10  }
0x38: {  	s10 =	sld [smem:$0x3FB8]  }
0x39: {  	_ = 	snop;
	(pc) =	sbr.ind lr, $3  }
0x3a: {  	_ = 	snop  }
0x3b: {  	_ = 	snop  }
0x3c: {  	p2 =	seq.s32 s10, $0x1;
	s10 =	sld [smem:$0x3FB7]  }
0x3d: {  	_ =	shalt  }
0x3e: {  	_ =	shalt  }
0x3f: {  	_ =	shalt  }
0x40: {  	_ =	shalt  }
0x41: {  	_ =	shalt  }
0x42: {  	_ =	shalt  }
0x43: {  	_ =	shalt  }
0x44: {  	_ =	shalt  }
0x45: {  	_ =	shalt  }
0x46: {  	_ =	shalt  }
0x47: {  	_ =	shalt  }
0x48: {  	_ =	shalt  }
0x49: {  	_ =	shalt  }
0x4a: {  	_ =	shalt  }
0x4b: {  	_ =	shalt  }
0x4c: {  	_ =	shalt  }
0x4d: {  	_ =	shalt  }
0x4e: {  	_ =	shalt  }
0x4f: {  	_ =	shalt  }
0x50: {  	_ =	shalt  }
0x51: {  	_ =	shalt  }
0x52: {  	_ =	shalt  }
0x53: {  	_ =	shalt  }
0x54: {  	_ =	shalt  }
0x55: {  	_ =	shalt  }
0x56: {  	_ =	shalt  }
0x57: {  	_ =	shalt  }
0x58: {  	_ =	shalt  }
0x59: {  	_ =	shalt  }
0x5a: {  	_ =	shalt  }
0x5b: {  	_ =	shalt  }
0x5c: {  	_ =	shalt  }
0x5d: {  	_ =	shalt  }
0x5e: {  	_ =	shalt  }
0x5f: {  	_ =	shalt  }
0x60: {  	_ =	shalt  }
0x61: {  	_ =	shalt  }
0x62: {  	_ =	shalt  }
0x63: {  	_ =	shalt  }
0x64: {  	_ =	shalt  }
0x65: {  	_ =	shalt  }
0x66: {  	_ =	shalt  }
0x67: {  	_ =	shalt  }
0x68: {  	_ =	shalt  }
0x69: {  	_ =	shalt  }
0x6a: {  	_ =	shalt  }
0x6b: {  	_ =	shalt  }
0x6c: {  	_ =	shalt  }
0x6d: {  	_ =	shalt  }
0x6e: {  	_ =	shalt  }
0x6f: {  	_ =	shalt  }
0x70: {  	_ =	shalt  }
0x71: {  	_ =	shalt  }
0x72: {  	_ =	shalt  }
0x73: {  	_ =	shalt  }
0x74: {  	_ =	shalt  }
0x75: {  	_ =	shalt  }
0x76: {  	_ =	shalt  }
0x77: {  	_ =	shalt  }
0x78: {  	_ =	shalt  }
0x79: {  	_ =	shalt  }
0x7a: {  	_ =	shalt  }
0x7b: {  	_ =	shalt  }
0x7c: {  	_ =	shalt  }
0x7d: {  	_ =	shalt  }
0x7e: {  	_ =	shalt  }
0x7f: {  	_ =	shalt  }
0x80: {  	_ =	shalt  }
0x81: {  	_ =	shalt  }
0x82: {  	_ =	shalt  }
0x83: {  	_ =	shalt  }
0x84: {  	_ =	shalt  }
0x85: {  	_ =	shalt  }
0x86: {  	_ =	shalt  }
0x87: {  	_ =	shalt  }
.Lfunc_end0:
.L_simem_size_0:
called_computation_lowered:
.L_overlay_start_0:
0x88: {  	s2 =	sld [smem:$0x3FD9]  }
0x89: {  	s3 =	sld [smem:$0x3FFE];
	_ =	sdelay $0x1  }
0x8a: {  	s1 =	srdreg.scid  }
0x8b: {  	s0 =	sand.u32 $0x1, s1  }
0x8c: {  	s14 =	sshll.u32 s0, $0xA;
	s2 =	sadd.s32 s3, s2  }
0x8d: {  	s2 =	sadd.s32 s2, s14  }
0x8e: {  	[smem:$0x3FC3] =	sst s2  }
0x8f: {  	_ = 	snop  }
0x90: {  	s2 =	sld [smem:$0x3FD0];
	_ =	sdelay $0x2  }
0x91: {  	s15 =	simm.s32 $0xA;
	s4 =	simm.s32 $0x10  }
0x92: {  	[smem:s4], [sflag:s15] =	dma.local [hbm:s2], $0x1  }
0x93: {  	_ =	swait.eq [sflag:s15], $0x1  }
0x94: {  	[sflag:s15] =	ssyncset.done $0x0  }
0x95: {  	[sflag:s15] =	ssyncadd.s32 $0xFFFFFFFF  }
0x96: {  	s16 =	sld [smem:$0x11];
	(tm) =	ssettm $0x1  }
0x97: {  	s17 =	sld [smem:$0x3FFB];
	_ =	sdelay $0x3  }
0x98: {  	_ =	strace s17  }
0x99: {  	s3 =	sld [smem:$0x3FFC];
	_ =	sdelay $0x3  }
0x9a: {  	_ =	strace s3  }
0x9b: {  	s3 =	sld [smem:$0x3FFD];
	_ =	sdelay $0x3  }
0x9c: {  	_ =	strace s3  }
0x9d: {  	_ =	strace $0x8FFFFFFF  }
0x9e: {  	s18 =	sld [smem:$0x3FDB];
	_ =	sdelay $0x1  }
0x9f: {  	s19 =	simm.s32 $_scs_section_size  }
0xa0: {  	s5 =	simm.s32 $_size__tile_overlayer_lowered;
	s6 =	simm.s32 $_tile_overlayer_lowered  }
0xa1: {  	s22 =	simm.s32 $0x1BFF;
	s21 =	sshll.u32 s6, $0x1;
	s3 =	sadd.s32 s19, s18  }
0xa2: {  	s7 =	simm.s32 $0x0;
	s20 =	sshll.u32 s5, $0x1;
	s5 =	sadd.s32 s21, s3  }
0xa3: {  	[timem:s7], [sflag:s22] =	dma.local [hbm:s5], s20  }
0xa4: {  	_ =	swait.ge [sflag:s22], s20  }
0xa5: {  	s4 =	ssub.s32 $0x0, s20;
	[sflag:s22] =	ssyncset.done $0x0  }
0xa6: {  	[sflag:s22] =	ssyncadd.s32 s4;
	_ =	sdelay $0x1  }
0xa7: {  	s23 =	simm.s32 $0x1B8B  }
0xa8: {  	_ =	swait.ge [sflag:s23], $0x1  }
0xa9: {  	[sflag:s23] =	ssyncset.done $0x0  }
0xaa: {  	s25 =	simm.s32 $0x1B8E;
	s24 =	sld [smem:$0x3FFE];
	[sflag:s23] =	ssyncadd.s32 $0xFFFFFFFF  }
0xab: {  	s26 =	simm.s32 $execute0_lowered;
	[smem:$0x3FD2] =	sst s25  }
0xac: {  	s5 =	sshll.u32 s26, $0x1;
	_ =	strace $0x80000046;
	[dreg:$0x1] =	wrdreg $0xFFFFFFFF  }
0xad: {  	s28 =	simm.s32 $_size_execute0_lowered;
	s3 =	sadd.s32 s3, s5;
	[dreg:$0x0] =	wrdreg $0x0  }
0xae: {  	s5 =	sshll.u32 s28, $0x1;
	[dreg:$0x2] =	wrdreg s3  }
0xaf: {  	[dreg:$0x3] =	wrdreg s5  }
0xb0: {  	[dreg:$0x4] =	wrdreg $0xC0  }
0xb1: {  	_ =	task [dreg:s7], $0x5FFFF  }
0xb2: {  	[dreg:$0x1] =	wrdreg $0xFFFFFFFF  }
0xb3: {  	[dreg:$0x0] =	wrdreg $0x60  }
0xb4: {  	[dreg:$0x2] =	wrdreg s24  }
0xb5: {  	[dreg:$0x3] =	wrdreg s16  }
0xb6: {  	[dreg:$0x4] =	wrdreg $0xDF000  }
0xb7: {  	[dreg:$0x5] =	wrdreg $0x9  }
0xb8: {  	_ =	task.clear_ibuf [dreg:s7], $0x6FFFF;
	_ =	strace $0x90000046  }
0xb9: {  	s29 =	simm.s32 $0x9;
	_ =	strace $0x80000048  }
0xba: {  	_ =	swait.ge [sflag:s29], $0x1  }
0xbb: {  	[sflag:s29] =	ssyncadd.s32 $0xFFFFFFFF  }
0xbc: {  	_ =	strace $0x90000048  }
0xbd: {  	_ =	sfence  }
0xbe: {  	s30 =	sld [smem:$0x0];
	_ =	sdelay $0x2  }
0xbf: {  	s31 =	sshll.u32 s1, $0xD;
	s1 =	sshrl.u32 s1, $0x2  }
0xc0: {  	s3 =	sand.u32 $0x4000, s31;
	s1 =	sadd.s32 s1, s30  }
0xc1: {  	s0 =	sor.u32 s3, s0;
	s1 =	sshll.u32 s1, $0x11  }
0xc2: {  	s0 =	sor.u32 s1, s0  }
0xc3: {  	s0 =	sadd.s32 $0x8F2B, s0  }
0xc4: {  	[sflag:s0] =	ssyncadd.remote.s32 $0x1  }
0xc5: {  	_ =	sfence.sel $0xFFFF  }
0xc6: {  	[dreg:$0x0] =	wrdreg $0xFFFFFFFF;
	(pc) =	sbr.abs _section_cstart, $3  }
0xc7: {  	[dreg:$0x1] =	wrdreg $0xFFFFFFFF  }
0xc8: {  	_ =	task.clear_ibuf [dreg:s7], $0x2FFFF;
	_ =	strace $0x9FFFFFFF  }
0xc9: {  	(tm) =	ssettm $0x7FFFFFFF  }
tec
execute0_lowered:
.L_overlay_start_1:
0x0: {  	(tag) =	ssettag $0x1  }
0x1: {  	s0 =	rddreg [dreg:$0x0]  }
0x2: {  	s12 =	rddreg [dreg:$0x1]  }
0x3: {  	s2 =	rddreg [dreg:$0x2];
	s1 =	srdreg.scid;
	s4 =	simm.s32 $0x0  }
0x4: {  	s11 =	stileid.u32;
	s16 =	simm.s32 $0xD;
	s13 =	simm.s32 $0x2780  }
0x5: {  	s14 =	simm.s32 $0x6700;
	s25 =	simm.s32 $0x9700;
	s31 =	simm.s32 $0x100  }
0x6: {  	s26 =	simm.s32 $0xAF00;
	s28 =	simm.s32 $0x5;
	s29 =	simm.s32 $0x9  }
0x7: {  	s30 =	simm.s32 $0x6;
	s1 =	sand.u32 $0x1, s1;
	s6 =	smul.u32 $0x13C00, s11  }
0x8: {  	[smem:$0x7FF] =	sst s4;
	s5 =	sadd.s32 $0x14A00, s0;
	s18 =	smul.u32 $0x1DA00, s11  }
0x9: {  	s9 =	sadd.s32 $0x1000, s0;
	s20 =	sshll.u32 s11, $0x6;
	s8 =	smul.u32 $0x4E, s11  }
0xa: {  	p1 =	sgt.u32 s11, $0x3;
	s10 =	smin.u32 s11, $0x4;
	s11 =	smul.u32 $0x2700, s11  }
0xb: {  	s3 =	smul.u32 $0x13C000, s1;
	_ =	strace $0x80000047;
	[dreg:$0x4] =	wrdreg s25  }
0xc: {  	s7 =	ssub.s32 $0x2, s1;
	p0 =	seq.s32 s1, $0x1;
	[dreg:$0x5] =	wrdreg s26  }
0xd: {  	s25 =	simm.s32 $0x3;
	s26 =	simm.s32 $0x7;
	s19 =	sshrl.u32 s7, $0x1  }
0xe: {  	s21 =	sadd.s32 s10, s8;
	s10 =	simm.s32 $0x9C00;
	s11 =	sshrl.u32 s11, $0x3  }
0xf: {  	s3 =	sadd.s32 s6, s3;
	s6 =	sshrl.u32 s18, $0x2;
	s1 =	sshll.u32 s21, $0x4  }
0x10: {  	s10 =	simm.s32 @!p1 $0xA800;
	s23 =	sadd.s32 s9, s11;
	s18 =	simm.s32 $0x80  }
0x11: {  	s3 =	sshrl.u32 s3, $0x3;
	s15 =	sadd.s32 s6, s2;
	s6 =	sor.u32 $0x1C0D, s20  }
0x12: {  	s22 =	sadd.s32 s9, s1;
	[dreg:$0x6] =	wrdreg s10;
	s24 =	sadd.s32 $0x4E40, s23  }
0x13: {  	s1 =	sadd.s32 $0xEA80, s23;
	s23 =	simm.s32 $0x1;
	[dreg:$0x7] =	wrdreg s22  }
0x14: {  	s0 =	sadd.s32 s3, s0;
	s3 =	ssub.s32 s7, s19;
	[dreg:$0x9] =	wrdreg s24  }
0x15: {  	s7 =	simm.s32 $0x4E;
	s8 =	sadd.s32 $0x9C40, s22;
	[dreg:$0xa] =	wrdreg s1  }
.Ltmp0:
0x16: {  	s15 =	sshrl.u32 s15, $0x3;
	s19 =	simm.s32 $0x4F00;
	(pc) =	sbr.rel .LBB2_1-.Ltmp0, $4  }
0x17: {  	s22 =	simm.s32 $0x7F00;
	[dreg:$0x8] =	wrdreg s8;
	s8 =	sadd.s32 $0x23600, s0  }
0x18: {  	s0 =	simm.s32 $0xA;
	s11 =	smax.u32 s3, $0x1;
	[dreg:$0xb] =	wrdreg s8  }
0x19: {  	s24 =	simm.s32 $0xC700;
	s0 =	simm.s32 @!p1 $0x7;
	[dreg:$0xd] =	wrdreg s11  }
0x1a: {  	s7 =	simm.s32 @!p1 $0x4F;
	[dreg:$0xc] =	wrdreg s0;
	s0 =	simm.s32 $0xC  }
.LBB2_7:
0x1b: {  	[sflag:s30] =	ssyncset.done $0x0  }
0x1c: {  	s3 =	simm.s32 @!p2 $0xA;
	[sflag:s30] =	ssyncadd.s32 $0xFFFFE800  }
0x1d: {  	[spmem:s2] =	stream.indirect.scatter.add.f32 [tilespmem:s24], [sflag:$0xC], $0x30, s20, s18, $0xb8;
	[tilespmem:$0x15580] =	vst v63  }
0x1e: {  	_ =	swait.ge @!p2 [sflag:s3], $0x1800  }
0x1f: {  	s9 =	sshra.s32 s1, $0x2;
	[sflag:s3] =	ssyncset.done @!p2 $0x0  }
0x20: {  	s11 =	sadd.s32 $0x180, s9;
	s8 =	rddreg [dreg:$0x4];
	[sflag:s3] =	ssyncadd.s32 @!p2 $0xFFFFE800  }
0x21: {  	[tilespmem:s8], [sflag:$0x4] =	stream.indirect.gather [hbm4b:s5+s18], $0x30, s11, s18, $0xb8;
	[tilespmem:$0x15580] =	vst v63  }
0x22: {  	_ =	swait.ge [sflag:s23], $0x1800  }
0x23: {  	s10 =	sshra.s32 @p2 s1, $0x2;
	[sflag:s23] =	ssyncset.done $0x0  }
0x24: {  	s12 =	sadd.s32 $0x2780, s9;
	s3 =	simm.s32 @p2 $0xAF00;
	[sflag:s23] =	ssyncadd.s32 $0xFFFFE800  }
0x25: {  	[spmem:s2] =	stream.indirect.scatter.add.f32 [tilespmem:s19], [sflag:$0x7], $0x30, s12, s18, $0xb8;
	[tilespmem:$0x15580] =	vst v63  }
0x26: {  	s8 =	simm.s32 @p2 $0x2;
	s11 =	sadd.s32 @p2 $0x200, s10;
	s12 =	simm.s32 @p2 $0x80  }
0x27: {  	[tilespmem:s3], [sflag:$0x5] =	stream.indirect.gather @p2 [hbm4b:s5+s12], $0x30, s11, s12, $0xb8;
	[tilespmem:$0x15580] =	vst v63  }
0x28: {  	_ =	swait.ge @p2 [sflag:s8], $0x1800  }
0x29: {  	s3 =	sadd.s32 @p2 $0x2800, s10;
	[sflag:s8] =	ssyncset.done @p2 $0x0  }
0x2a: {  	s10 =	simm.s32 @p2 $0x6700;
	s11 =	simm.s32 @!p2 $0xB;
	[sflag:s8] =	ssyncadd.s32 @p2 $0xFFFFE800  }
0x2b: {  	[spmem:s2] =	stream.indirect.scatter.add.f32 @p2 [tilespmem:s10], [sflag:$0x8], $0x30, s3, s12, $0xb8;
	[tilespmem:$0x15580] =	vst v63  }
0x2c: {  	s8 =	simm.s32 @!p2 $0x80;
	_ =	swait.ge @!p2 [sflag:s11], $0x1800  }
0x2d: {  	s3 =	sshra.s32 @!p2 s1, $0x2;
	s12 =	simm.s32 @!p2 $0x2;
	[sflag:s11] =	ssyncset.done @!p2 $0x0  }
0x2e: {  	s10 =	sadd.s32 @!p2 $0x200, s3;
	[sflag:s11] =	ssyncadd.s32 @!p2 $0xFFFFE800;
	s11 =	simm.s32 @!p2 $0xAF00  }
0x2f: {  	[tilespmem:s11], [sflag:$0x5] =	stream.indirect.gather @!p2 [hbm4b:s5+s8], $0x30, s10, s8, $0xb8;
	[tilespmem:$0x15580] =	vst v63  }
0x30: {  	_ =	swait.ge @!p2 [sflag:s12], $0x1800  }
0x31: {  	s3 =	sadd.s32 @!p2 $0x2800, s3;
	[sflag:s12] =	ssyncset.done @!p2 $0x0  }
0x32: {  	s10 =	simm.s32 @!p2 $0x6700;
	s11 =	simm.s32 @!p2 $0xC;
	[sflag:s12] =	ssyncadd.s32 @!p2 $0xFFFFE800  }
0x33: {  	[spmem:s2] =	stream.indirect.scatter.add.f32 @!p2 [tilespmem:s10], [sflag:$0x8], $0x30, s3, s8, $0xb8;
	[tilespmem:$0x15580] =	vst v63  }
0x34: {  	_ =	swait.ge @!p2 [sflag:s11], $0x1800  }
0x35: {  	[sflag:s11] =	ssyncset.done @!p2 $0x0  }
0x36: {  	s13 =	sadd.s32 $0x280, s9;
	[sflag:s11] =	ssyncadd.s32 @!p2 $0xFFFFE800  }
0x37: {  	[tilespmem:s24], [sflag:$0x6] =	stream.indirect.gather [hbm4b:s5+s18], $0x30, s13, s18, $0xb8;
	[tilespmem:$0x15580] =	vst v63  }
0x38: {  	_ =	swait.ge [sflag:s25], $0x1800  }
0x39: {  	[sflag:s25] =	ssyncset.done $0x0  }
0x3a: {  	s14 =	sadd.s32 $0x2880, s9;
	[sflag:s25] =	ssyncadd.s32 $0xFFFFE800  }
0x3b: {  	[spmem:s2] =	stream.indirect.scatter.add.f32 [tilespmem:s22], [sflag:$0x9], $0x30, s14, s18, $0xb8;
	[tilespmem:$0x15580] =	vst v63  }
0x3c: {  	_ =	swait.ge [sflag:s26], $0x1800  }
0x3d: {  	p1 =	seq.s32 s1, $0x9000;
	[sflag:s26] =	ssyncset.done $0x0  }
0x3e: {  	s3 =	simm.s32 @p1 $0x4;
	[sflag:s26] =	ssyncadd.s32 $0xFFFFE800  }
0x3f: {  	s12 =	simm.s32 @p1 $0x8;
	_ =	swait.ge @p1 [sflag:s3], $0x1800  }
0x40: {  	s8 =	sshra.s32 @p1 s1, $0x2;
	s10 =	simm.s32 @p1 $0x9700;
	[sflag:s3] =	ssyncset.done @p1 $0x0  }
0x41: {  	s11 =	simm.s32 @p1 $0x80;
	[sflag:s3] =	ssyncadd.s32 @p1 $0xFFFFE800;
	s3 =	sadd.s32 @p1 $0x2900, s8  }
0x42: {  	[spmem:s2] =	stream.indirect.scatter.add.f32 @p1 [tilespmem:s10], [sflag:$0xA], $0x30, s3, s11, $0xb8;
	[tilespmem:$0x15580] =	vst v63  }
0x43: {  	s1 =	sshra.s32 @!p1 s1, $0x2;
	_ =	swait.ge @p1 [sflag:s12], $0x1800  }
0x44: {  	s8 =	simm.s32 @!p1 $0x4F00;
	s3 =	sadd.s32 @!p1 $0x300, s1;
	[sflag:s12] =	ssyncset.done @p1 $0x0  }
0x45: {  	s10 =	simm.s32 @!p1 $0x80;
	s11 =	simm.s32 @!p1 $0x4;
	[sflag:s12] =	ssyncadd.s32 @p1 $0xFFFFE800  }
0x46: {  	[tilespmem:s8], [sflag:$0x1] =	stream.indirect.gather @!p1 [hbm4b:s5+s10], $0x30, s3, s10, $0xb8;
	[tilespmem:$0x15580] =	vst v63  }
0x47: {  	_ =	swait.ge @!p1 [sflag:s11], $0x1800  }
0x48: {  	s3 =	sadd.s32 @!p1 $0x2900, s1;
	[sflag:s11] =	ssyncset.done @!p1 $0x0  }
0x49: {  	s8 =	simm.s32 @!p1 $0x9700;
	[sflag:s11] =	ssyncadd.s32 @!p1 $0xFFFFE800;
	s11 =	simm.s32 @!p1 $0x8  }
0x4a: {  	[spmem:s2] =	stream.indirect.scatter.add.f32 @!p1 [tilespmem:s8], [sflag:$0xA], $0x30, s3, s10, $0xb8;
	[tilespmem:$0x15580] =	vst v63  }
0x4b: {  	_ =	swait.ge @!p1 [sflag:s11], $0x1800  }
0x4c: {  	[sflag:s11] =	ssyncset.done @!p1 $0x0  }
0x4d: {  	s3 =	sadd.s32 @!p1 $0x380, s1;
	s8 =	simm.s32 @!p1 $0x6700;
	[sflag:s11] =	ssyncadd.s32 @!p1 $0xFFFFE800  }
0x4e: {  	[tilespmem:s8], [sflag:$0x2] =	stream.indirect.gather @!p1 [hbm4b:s5+s10], $0x30, s3, s10, $0xb8;
	[tilespmem:$0x15580] =	vst v63  }
0x4f: {  	_ =	swait.ge [sflag:s28], $0x1800  }
0x50: {  	[sflag:s28] =	ssyncset.done $0x0  }
0x51: {  	s20 =	sadd.s32 $0x2980, s9;
	s17 =	rddreg [dreg:$0x5];
	[sflag:s28] =	ssyncadd.s32 $0xFFFFE800  }
0x52: {  	[spmem:s2] =	stream.indirect.scatter.add.f32 [tilespmem:s17], [sflag:$0xB], $0x30, s20, s18, $0xb8;
	[tilespmem:$0x15580] =	vst v63  }
0x53: {  	_ =	swait.ge [sflag:s29], $0x1800  }
0x54: {  	[sflag:s29] =	ssyncset.done $0x0  }
0x55: {  	s1 =	sadd.s32 @!p1 $0x400, s1;
	s3 =	simm.s32 @!p1 $0x7F00;
	[sflag:s29] =	ssyncadd.s32 $0xFFFFE800  }
0x56: {  	[tilespmem:s3], [sflag:$0x3] =	stream.indirect.gather @!p1 [hbm4b:s5+s10], $0x30, s1, s10, $0xb8;
	[tilespmem:$0x15580] =	vst v63  }
0x57: {  	s31 =	simm.s32 $0x100;
	_ =	swait.ge [sflag:s30], $0x1800  }
0x58: {  	s21 =	sadd.s32 $0x2A00, s9;
	[sflag:s30] =	ssyncset.done $0x0;
	s8 =	rddreg [dreg:$0xb]  }
0x59: {  	s13 =	simm.s32 $0x2780;
	s11 =	rddreg [dreg:$0xd];
	[sflag:s30] =	ssyncadd.s32 $0xFFFFE800  }
0x5a: {  	[spmem:s2] =	stream.indirect.scatter.add.f32 [tilespmem:s24], [sflag:$0xC], $0x30, s21, s18, $0xb8;
	[tilespmem:$0x15580] =	vst v63  }
0x5b: {  	s14 =	simm.s32 $0x6700;
	s1 =	simm.s32 $0xA;
	s12 =	rddreg [dreg:$0x1]  }
.LBB2_8:
0x5c: {  	_ =	swait.ge [sflag:s1], $0x1800  }
0x5d: {  	[sflag:s1] =	ssyncset.done $0x0  }
0x5e: {  	s20 =	simm.s32 $0xB;
	[sflag:s1] =	ssyncadd.s32 $0xFFFFE800  }
0x5f: {  	_ =	swait.ge [sflag:s20], $0x1800  }
0x60: {  	[sflag:s20] =	ssyncset.done $0x0  }
0x61: {  	[sflag:s20] =	ssyncadd.s32 $0xFFFFE800  }
0x62: {  	_ =	swait.ge [sflag:s0], $0x1800  }
0x63: {  	s4 =	sadd.s32 $0x1, s4;
	[sflag:s0] =	ssyncset.done $0x0  }
0x64: {  	p1 =	sne.s32 s4, s11;
	[sflag:s0] =	ssyncadd.s32 $0xFFFFE800  }
.Ltmp1:
0x65: {  	s21 =	simm.s32 $0x10;
	[bflag:$0x0] =	sbarrier.arrive $0xFFFF;
	(pc) =	sbr.rel @!p1 .LBB2_9-.Ltmp1, $4  }
0x66: {  	[hbm:s8@s21], [sflag:s6] =	dma.strided [spmem:s15@s30], $0xED0, s23, $0x6   }
0x67: {  	_ =	swait.ge [sflag:s16], $0xED0  }
0x68: {  	[sflag:s16] =	ssyncset.done $0x0  }
0x69: {  	[sflag:s16] =	ssyncadd.s32 $0xFFFFF130  }
.LBB2_1:
0x6a: {  	[spmem:s15], [sflag:s6] =	dma.local [hbm:s12], $0xED0  }
.Ltmp2:
0x6b: {  	_ =	swait.ge [sflag:s16], $0xED0;
	(pc) =	sbr.rel @!p0 .LBB2_2-.Ltmp2, $4  }
0x6c: {  	[sflag:s16] =	ssyncset.done $0x0  }
0x6d: {  	[sflag:s16] =	ssyncadd.s32 $0xFFFFF130  }
0x6e: {  	[bflag:$0x0] =	sbarrier.arrive $0xFFFF  }
0x6f: {  	s1 =	simm.s32 $0x0  }
0x70: {  	s3 =	rddreg [dreg:$0x9]  }
0x71: {  	[tilespmem:s13], [sflag:$0xD] =	stream.linear.gather [hbm4b:s3+s1], $0x2700, $0x38;
	[tilespmem:$0x15580] =	vst v63  }
0x72: {  	_ =	swait.ge [sflag:s16], $0x2700  }
0x73: {  	[sflag:s16] =	ssyncset.done $0x0  }
0x74: {  	s12 =	rddreg [dreg:$0xa];
	[sflag:s16] =	ssyncadd.s32 $0xFFFFD900  }
0x75: {  	[tilespmem:s1], [sflag:$0xD] =	stream.linear.gather [hbm4b:s12+s1], $0x2700, $0x38;
	[tilespmem:$0x15580] =	vst v63  }
0x76: {  	_ =	swait.ge [sflag:s16], $0x2700  }
0x77: {  	[sflag:s16] =	ssyncset.done $0x0  }
0x78: {  	[sflag:s16] =	ssyncadd.s32 $0xFFFFD900  }
0x79: {  	[tilespmem:s19], [sflag:$0x1] =	stream.indirect.gather [hbm4b:s5+s18], $0x30, s1, s18, $0xb8;
	[tilespmem:$0x15580] =	vst v63  }
0x7a: {  	p1 =	por $0x1, $0x1  }
0x7b: {  	[tilespmem:s14], [sflag:$0x2] =	stream.indirect.gather [hbm4b:s5+s18], $0x30, s18, s18, $0xb8;
	[tilespmem:$0x15580] =	vst v63  }
0x7c: {  	s1 =	simm.s32 @!p1 $0xA  }
0x7d: {  	[tilespmem:s22], [sflag:$0x3] =	stream.indirect.gather [hbm4b:s5+s18], $0x30, s31, s18, $0xb8;
	[tilespmem:$0x15580] =	vst v63  }
0x7e: {  	_ =	swait.ge @!p1 [sflag:s1], $0x1800  }
0x7f: {  	[sflag:s1] =	ssyncset.done @!p1 $0x0  }
0x80: {  	s13 =	simm.s32 $0x180;
	s9 =	rddreg [dreg:$0x4];
	[sflag:s1] =	ssyncadd.s32 @!p1 $0xFFFFE800  }
0x81: {  	[tilespmem:s9], [sflag:$0x4] =	stream.indirect.gather [hbm4b:s5+s18], $0x30, s13, s18, $0xb8;
	[tilespmem:$0x15580] =	vst v63  }
0x82: {  	_ =	swait.ge [sflag:s23], $0x1800  }
0x83: {  	[sflag:s23] =	ssyncset.done $0x0  }
0x84: {  	s14 =	simm.s32 $0x2780;
	[sflag:s23] =	ssyncadd.s32 $0xFFFFE800  }
0x85: {  	[spmem:s2] =	stream.indirect.scatter.add.f32 [tilespmem:s19], [sflag:$0x7], $0x30, s14, s18, $0xb8;
	[tilespmem:$0x15580] =	vst v63  }
0x86: {  	s10 =	simm.s32 @p1 $0x80;
	s1 =	simm.s32 @p1 $0xAF00;
	s9 =	simm.s32 @p1 $0x200  }
0x87: {  	[tilespmem:s1], [sflag:$0x5] =	stream.indirect.gather @p1 [hbm4b:s5+s10], $0x30, s9, s10, $0xb8;
	[tilespmem:$0x15580] =	vst v63  }
0x88: {  	s1 =	simm.s32 @p1 $0x2  }
0x89: {  	_ =	swait.ge @p1 [sflag:s1], $0x1800  }
0x8a: {  	[sflag:s1] =	ssyncset.done @p1 $0x0  }
0x8b: {  	s9 =	simm.s32 @p1 $0x2800;
	[sflag:s1] =	ssyncadd.s32 @p1 $0xFFFFE800;
	s1 =	simm.s32 @p1 $0x6700  }
0x8c: {  	[spmem:s2] =	stream.indirect.scatter.add.f32 @p1 [tilespmem:s1], [sflag:$0x8], $0x30, s9, s10, $0xb8;
	[tilespmem:$0x15580] =	vst v63  }
0x8d: {  	s1 =	simm.s32 @!p1 $0xB  }
0x8e: {  	_ =	swait.ge @!p1 [sflag:s1], $0x1800  }
0x8f: {  	s9 =	simm.s32 @!p1 $0x80;
	[sflag:s1] =	ssyncset.done @!p1 $0x0  }
0x90: {  	s10 =	simm.s32 @!p1 $0x200;
	[sflag:s1] =	ssyncadd.s32 @!p1 $0xFFFFE800;
	s1 =	simm.s32 @!p1 $0xAF00  }
0x91: {  	[tilespmem:s1], [sflag:$0x5] =	stream.indirect.gather @!p1 [hbm4b:s5+s9], $0x30, s10, s9, $0xb8;
	[tilespmem:$0x15580] =	vst v63  }
0x92: {  	s1 =	simm.s32 @!p1 $0x2  }
0x93: {  	_ =	swait.ge @!p1 [sflag:s1], $0x1800  }
0x94: {  	[sflag:s1] =	ssyncset.done @!p1 $0x0  }
0x95: {  	s10 =	simm.s32 @!p1 $0x2800;
	[sflag:s1] =	ssyncadd.s32 @!p1 $0xFFFFE800;
	s1 =	simm.s32 @!p1 $0x6700  }
0x96: {  	[spmem:s2] =	stream.indirect.scatter.add.f32 @!p1 [tilespmem:s1], [sflag:$0x8], $0x30, s10, s9, $0xb8;
	[tilespmem:$0x15580] =	vst v63  }
0x97: {  	s1 =	simm.s32 @!p1 $0xC  }
0x98: {  	_ =	swait.ge @!p1 [sflag:s1], $0x1800  }
0x99: {  	[sflag:s1] =	ssyncset.done @!p1 $0x0  }
0x9a: {  	s17 =	simm.s32 $0x280;
	[sflag:s1] =	ssyncadd.s32 @!p1 $0xFFFFE800  }
0x9b: {  	[tilespmem:s24], [sflag:$0x6] =	stream.indirect.gather [hbm4b:s5+s18], $0x30, s17, s18, $0xb8;
	[tilespmem:$0x15580] =	vst v63  }
0x9c: {  	_ =	swait.ge [sflag:s25], $0x1800  }
0x9d: {  	[sflag:s25] =	ssyncset.done $0x0  }
0x9e: {  	s20 =	simm.s32 $0x2880;
	[sflag:s25] =	ssyncadd.s32 $0xFFFFE800  }
0x9f: {  	[spmem:s2] =	stream.indirect.scatter.add.f32 [tilespmem:s22], [sflag:$0x9], $0x30, s20, s18, $0xb8;
	[tilespmem:$0x15580] =	vst v63  }
0xa0: {  	_ =	swait.ge [sflag:s26], $0x1800  }
0xa1: {  	p1 =	por $0x0, $0x0;
	[sflag:s26] =	ssyncset.done $0x0  }
0xa2: {  	s1 =	simm.s32 @p1 $0x4;
	[sflag:s26] =	ssyncadd.s32 $0xFFFFE800  }
0xa3: {  	_ =	swait.ge @p1 [sflag:s1], $0x1800  }
0xa4: {  	s9 =	simm.s32 @p1 $0x9700;
	[sflag:s1] =	ssyncset.done @p1 $0x0  }
0xa5: {  	s10 =	simm.s32 @p1 $0x80;
	[sflag:s1] =	ssyncadd.s32 @p1 $0xFFFFE800;
	s1 =	simm.s32 @p1 $0x2900  }
0xa6: {  	[spmem:s2] =	stream.indirect.scatter.add.f32 @p1 [tilespmem:s9], [sflag:$0xA], $0x30, s1, s10, $0xb8;
	[tilespmem:$0x15580] =	vst v63  }
0xa7: {  	s1 =	simm.s32 @p1 $0x8  }
0xa8: {  	_ =	swait.ge @p1 [sflag:s1], $0x1800  }
0xa9: {  	s9 =	simm.s32 @!p1 $0x300;
	[sflag:s1] =	ssyncset.done @p1 $0x0  }
0xaa: {  	s10 =	simm.s32 @!p1 $0x4F00;
	[sflag:s1] =	ssyncadd.s32 @p1 $0xFFFFE800;
	s1 =	simm.s32 @!p1 $0x80  }
0xab: {  	[tilespmem:s10], [sflag:$0x1] =	stream.indirect.gather @!p1 [hbm4b:s5+s1], $0x30, s9, s1, $0xb8;
	[tilespmem:$0x15580] =	vst v63  }
0xac: {  	s9 =	simm.s32 @!p1 $0x4  }
0xad: {  	_ =	swait.ge @!p1 [sflag:s9], $0x1800  }
0xae: {  	[sflag:s9] =	ssyncset.done @!p1 $0x0  }
0xaf: {  	s10 =	simm.s32 @!p1 $0x2900;
	[sflag:s9] =	ssyncadd.s32 @!p1 $0xFFFFE800;
	s9 =	simm.s32 @!p1 $0x9700  }
0xb0: {  	[spmem:s2] =	stream.indirect.scatter.add.f32 @!p1 [tilespmem:s9], [sflag:$0xA], $0x30, s10, s1, $0xb8;
	[tilespmem:$0x15580] =	vst v63  }
0xb1: {  	s9 =	simm.s32 @!p1 $0x8  }
0xb2: {  	_ =	swait.ge @!p1 [sflag:s9], $0x1800  }
0xb3: {  	[sflag:s9] =	ssyncset.done @!p1 $0x0  }
0xb4: {  	s10 =	simm.s32 @!p1 $0x380;
	[sflag:s9] =	ssyncadd.s32 @!p1 $0xFFFFE800;
	s9 =	simm.s32 @!p1 $0x6700  }
0xb5: {  	[tilespmem:s9], [sflag:$0x2] =	stream.indirect.gather @!p1 [hbm4b:s5+s1], $0x30, s10, s1, $0xb8;
	[tilespmem:$0x15580] =	vst v63  }
0xb6: {  	_ =	swait.ge [sflag:s28], $0x1800  }
0xb7: {  	[sflag:s28] =	ssyncset.done $0x0  }
0xb8: {  	s31 =	simm.s32 $0x2980;
	s21 =	rddreg [dreg:$0x5];
	[sflag:s28] =	ssyncadd.s32 $0xFFFFE800  }
0xb9: {  	[spmem:s2] =	stream.indirect.scatter.add.f32 [tilespmem:s21], [sflag:$0xB], $0x30, s31, s18, $0xb8;
	[tilespmem:$0x15580] =	vst v63  }
0xba: {  	_ =	swait.ge [sflag:s29], $0x1800  }
0xbb: {  	p2 =	por $0x0, $0x0;
	s17 =	simm.s32 $0x1800;
	[sflag:s29] =	ssyncset.done $0x0  }
0xbc: {  	s9 =	simm.s32 @!p1 $0x400;
	s10 =	simm.s32 @!p1 $0x7F00;
	[sflag:s29] =	ssyncadd.s32 $0xFFFFE800  }
0xbd: {  	[tilespmem:s10], [sflag:$0x3] =	stream.indirect.gather @!p1 [hbm4b:s5+s1], $0x30, s9, s1, $0xb8;
	[tilespmem:$0x15580] =	vst v63  }
0xbe: {  	s20 =	simm.s32 $0x2A00;
	s1 =	simm.s32 $0xC00;
	_ =	swait.ge [sflag:s30], $0x1800  }
.LBB2_6:
0xbf: {  	[sflag:s30] =	ssyncset.done $0x0  }
0xc0: {  	s10 =	simm.s32 @!p2 $0xA;
	[sflag:s30] =	ssyncadd.s32 $0xFFFFE800  }
0xc1: {  	[spmem:s2] =	stream.indirect.scatter.add.f32 [tilespmem:s24], [sflag:$0xC], $0x30, s20, s18, $0xb8;
	[tilespmem:$0x15580] =	vst v63  }
0xc2: {  	_ =	swait.ge @!p2 [sflag:s10], $0x1800  }
0xc3: {  	s21 =	sshra.s32 s1, $0x2;
	[sflag:s10] =	ssyncset.done @!p2 $0x0  }
0xc4: {  	s14 =	sadd.s32 $0x180, s21;
	s11 =	rddreg [dreg:$0x4];
	[sflag:s10] =	ssyncadd.s32 @!p2 $0xFFFFE800  }
0xc5: {  	[tilespmem:s11], [sflag:$0x4] =	stream.indirect.gather [hbm4b:s5+s18], $0x30, s14, s18, $0xb8;
	[tilespmem:$0x15580] =	vst v63  }
0xc6: {  	_ =	swait.ge [sflag:s23], $0x1800  }
0xc7: {  	s3 =	sshra.s32 @p2 s1, $0x2;
	[sflag:s23] =	ssyncset.done $0x0  }
0xc8: {  	s8 =	simm.s32 @p2 $0xAF00;
	s31 =	sadd.s32 $0x2780, s21;
	[sflag:s23] =	ssyncadd.s32 $0xFFFFE800  }
0xc9: {  	[spmem:s2] =	stream.indirect.scatter.add.f32 [tilespmem:s19], [sflag:$0x7], $0x30, s31, s18, $0xb8;
	[tilespmem:$0x15580] =	vst v63  }
0xca: {  	s13 =	sadd.s32 @p2 $0x200, s3;
	s10 =	simm.s32 @p2 $0x80;
	s11 =	simm.s32 @p2 $0x2  }
0xcb: {  	[tilespmem:s8], [sflag:$0x5] =	stream.indirect.gather @p2 [hbm4b:s5+s10], $0x30, s13, s10, $0xb8;
	[tilespmem:$0x15580] =	vst v63  }
0xcc: {  	_ =	swait.ge @p2 [sflag:s11], $0x1800  }
0xcd: {  	s3 =	sadd.s32 @p2 $0x2800, s3;
	[sflag:s11] =	ssyncset.done @p2 $0x0  }
0xce: {  	s8 =	simm.s32 @p2 $0x6700;
	s13 =	simm.s32 @!p2 $0xB;
	[sflag:s11] =	ssyncadd.s32 @p2 $0xFFFFE800  }
0xcf: {  	[spmem:s2] =	stream.indirect.scatter.add.f32 @p2 [tilespmem:s8], [sflag:$0x8], $0x30, s3, s10, $0xb8;
	[tilespmem:$0x15580] =	vst v63  }
0xd0: {  	s11 =	simm.s32 @!p2 $0xAF00;
	_ =	swait.ge @!p2 [sflag:s13], $0x1800  }
0xd1: {  	s3 =	sshra.s32 @!p2 s1, $0x2;
	s8 =	simm.s32 @!p2 $0x80;
	[sflag:s13] =	ssyncset.done @!p2 $0x0  }
0xd2: {  	s10 =	sadd.s32 @!p2 $0x200, s3;
	[sflag:s13] =	ssyncadd.s32 @!p2 $0xFFFFE800;
	s13 =	simm.s32 @!p2 $0x2  }
0xd3: {  	[tilespmem:s11], [sflag:$0x5] =	stream.indirect.gather @!p2 [hbm4b:s5+s8], $0x30, s10, s8, $0xb8;
	[tilespmem:$0x15580] =	vst v63  }
0xd4: {  	_ =	swait.ge @!p2 [sflag:s13], $0x1800  }
0xd5: {  	s3 =	sadd.s32 @!p2 $0x2800, s3;
	[sflag:s13] =	ssyncset.done @!p2 $0x0  }
0xd6: {  	s10 =	simm.s32 @!p2 $0x6700;
	s11 =	simm.s32 @!p2 $0xC;
	[sflag:s13] =	ssyncadd.s32 @!p2 $0xFFFFE800  }
0xd7: {  	[spmem:s2] =	stream.indirect.scatter.add.f32 @!p2 [tilespmem:s10], [sflag:$0x8], $0x30, s3, s8, $0xb8;
	[tilespmem:$0x15580] =	vst v63  }
0xd8: {  	_ =	swait.ge @!p2 [sflag:s11], $0x1800  }
0xd9: {  	[sflag:s11] =	ssyncset.done @!p2 $0x0  }
0xda: {  	s12 =	sadd.s32 $0x280, s21;
	[sflag:s11] =	ssyncadd.s32 @!p2 $0xFFFFE800  }
0xdb: {  	[tilespmem:s24], [sflag:$0x6] =	stream.indirect.gather [hbm4b:s5+s18], $0x30, s12, s18, $0xb8;
	[tilespmem:$0x15580] =	vst v63  }
0xdc: {  	_ =	swait.ge [sflag:s25], $0x1800  }
0xdd: {  	[sflag:s25] =	ssyncset.done $0x0  }
0xde: {  	s13 =	sadd.s32 $0x2880, s21;
	[sflag:s25] =	ssyncadd.s32 $0xFFFFE800  }
0xdf: {  	[spmem:s2] =	stream.indirect.scatter.add.f32 [tilespmem:s22], [sflag:$0x9], $0x30, s13, s18, $0xb8;
	[tilespmem:$0x15580] =	vst v63  }
0xe0: {  	_ =	swait.ge [sflag:s26], $0x1800  }
0xe1: {  	p2 =	seq.s32 s1, $0x9000;
	[sflag:s26] =	ssyncset.done $0x0  }
0xe2: {  	s3 =	simm.s32 @p2 $0x4;
	[sflag:s26] =	ssyncadd.s32 $0xFFFFE800  }
0xe3: {  	s8 =	sshra.s32 @!p2 s1, $0x2;
	s1 =	sshra.s32 @p2 s1, $0x2;
	_ =	swait.ge @p2 [sflag:s3], $0x1800  }
0xe4: {  	s10 =	simm.s32 @p2 $0x9700;
	s12 =	simm.s32 @p2 $0x80;
	[sflag:s3] =	ssyncset.done @p2 $0x0  }
0xe5: {  	s14 =	simm.s32 @p2 $0x8;
	s1 =	sadd.s32 @p2 $0x2900, s1;
	[sflag:s3] =	ssyncadd.s32 @p2 $0xFFFFE800  }
0xe6: {  	[spmem:s2] =	stream.indirect.scatter.add.f32 @p2 [tilespmem:s10], [sflag:$0xA], $0x30, s1, s12, $0xb8;
	[tilespmem:$0x15580] =	vst v63  }
0xe7: {  	_ =	swait.ge @p2 [sflag:s14], $0x1800  }
0xe8: {  	s31 =	simm.s32 @!p2 $0x4;
	s11 =	sadd.s32 @!p2 $0x300, s8;
	[sflag:s14] =	ssyncset.done @p2 $0x0  }
0xe9: {  	s10 =	simm.s32 @!p2 $0x4F00;
	s12 =	simm.s32 @!p2 $0x80;
	[sflag:s14] =	ssyncadd.s32 @p2 $0xFFFFE800  }
0xea: {  	[tilespmem:s10], [sflag:$0x1] =	stream.indirect.gather @!p2 [hbm4b:s5+s12], $0x30, s11, s12, $0xb8;
	[tilespmem:$0x15580] =	vst v63  }
0xeb: {  	s9 =	smov.u32 s17;
	_ =	swait.ge @!p2 [sflag:s31], $0x1800  }
0xec: {  	s13 =	sadd.s32 @!p2 $0x2900, s8;
	s1 =	smov.u32 s9;
	[sflag:s31] =	ssyncset.done @!p2 $0x0  }
0xed: {  	s9 =	simm.s32 @!p2 $0x9700;
	s10 =	simm.s32 @!p2 $0x8;
	[sflag:s31] =	ssyncadd.s32 @!p2 $0xFFFFE800  }
0xee: {  	[spmem:s2] =	stream.indirect.scatter.add.f32 @!p2 [tilespmem:s9], [sflag:$0xA], $0x30, s13, s12, $0xb8;
	[tilespmem:$0x15580] =	vst v63  }
0xef: {  	_ =	swait.ge @!p2 [sflag:s10], $0x1800  }
0xf0: {  	[sflag:s10] =	ssyncset.done @!p2 $0x0  }
0xf1: {  	s3 =	sadd.s32 @!p2 $0x380, s8;
	s9 =	simm.s32 @!p2 $0x6700;
	[sflag:s10] =	ssyncadd.s32 @!p2 $0xFFFFE800  }
0xf2: {  	[tilespmem:s9], [sflag:$0x2] =	stream.indirect.gather @!p2 [hbm4b:s5+s12], $0x30, s3, s12, $0xb8;
	[tilespmem:$0x15580] =	vst v63  }
0xf3: {  	s17 =	sadd.s32 $0xC00, s17;
	_ =	swait.ge [sflag:s28], $0x1800  }
0xf4: {  	p1 =	sne.s32 s17, $0x9C00;
	[sflag:s28] =	ssyncset.done $0x0  }
0xf5: {  	s31 =	sadd.s32 $0x2980, s21;
	s14 =	rddreg [dreg:$0x5];
	[sflag:s28] =	ssyncadd.s32 $0xFFFFE800  }
0xf6: {  	[spmem:s2] =	stream.indirect.scatter.add.f32 [tilespmem:s14], [sflag:$0xB], $0x30, s31, s18, $0xb8;
	[tilespmem:$0x15580] =	vst v63  }
.Ltmp3:
0xf7: {  	_ =	swait.ge [sflag:s29], $0x1800;
	(pc) =	sbr.rel @p1 .LBB2_6-.Ltmp3, $4  }
0xf8: {  	[sflag:s29] =	ssyncset.done $0x0  }
0xf9: {  	s8 =	sadd.s32 @!p2 $0x400, s8;
	s3 =	simm.s32 @!p2 $0x7F00;
	[sflag:s29] =	ssyncadd.s32 $0xFFFFE800  }
0xfa: {  	[tilespmem:s3], [sflag:$0x3] =	stream.indirect.gather @!p2 [hbm4b:s5+s12], $0x30, s8, s12, $0xb8;
	[tilespmem:$0x15580] =	vst v63  }
0xfb: {  	s20 =	sadd.s32 $0x2A00, s21;
	p2 =	seq.s32 s1, $0x0;
	_ =	swait.ge [sflag:s30], $0x1800  }
.Ltmp4:
0xfc: {  	_ = 	snop;
	(pc) =	sbr.rel .LBB2_7-.Ltmp4, $1  }
0xfd: {  	_ =	sdelay $0x3  }
.LBB2_2:
0xfe: {  	s3 =	rddreg [dreg:$0x7]  }
0xff: {  	[tilespmem:s13], [sflag:$0xD] =	stream.linear.gather [hbm4b:s3+s1], $0x2780, $0x38;
	[tilespmem:$0x15580] =	vst v63  }
0x100: {  	_ =	swait.ge [sflag:s16], $0x2780  }
0x101: {  	[sflag:s16] =	ssyncset.done $0x0  }
0x102: {  	s21 =	rddreg [dreg:$0x8];
	[sflag:s16] =	ssyncadd.s32 $0xFFFFD880  }
0x103: {  	[tilespmem:s1], [sflag:$0xD] =	stream.linear.gather [hbm4b:s21+s1], $0x2780, $0x38;
	[tilespmem:$0x15580] =	vst v63  }
0x104: {  	_ =	swait.ge [sflag:s16], $0x2780  }
0x105: {  	[sflag:s16] =	ssyncset.done $0x0  }
0x106: {  	[sflag:s16] =	ssyncadd.s32 $0xFFFFD880  }
0x107: {  	[tilespmem:s19], [sflag:$0x1] =	stream.indirect.gather [hbm4b:s5+s18], $0x30, s1, s18, $0xb8;
	[tilespmem:$0x15580] =	vst v63  }
0x108: {  	_ = 	snop  }
0x109: {  	[tilespmem:s14], [sflag:$0x2] =	stream.indirect.gather [hbm4b:s5+s18], $0x30, s18, s18, $0xb8;
	[tilespmem:$0x15580] =	vst v63  }
0x10a: {  	s17 =	simm.s32 $0x8  }
0x10b: {  	[tilespmem:s22], [sflag:$0x3] =	stream.indirect.gather [hbm4b:s5+s18], $0x30, s31, s18, $0xb8;
	[tilespmem:$0x15580] =	vst v63  }
.LBB2_3:
0x10c: {  	s9 =	sadd.s32 $0xFFFFFFF8, s17  }
0x10d: {  	p1 =	sge.u32 s9, s7  }
0x10e: {  	p2 =	seq.s32 @!p1 s1, $0x0  }
0x10f: {  	p2 =	por p2, p1  }
0x110: {  	s20 =	sadd.s32 @!p1 $0xFFFFFFFB, s17;
	s9 =	simm.s32 @!p2 $0xA  }
0x111: {  	p3 =	sge.u32 @!p1 s20, s7;
	_ =	swait.ge @!p2 [sflag:s9], $0x1800  }
0x112: {  	p3 =	por p3, p1;
	[sflag:s9] =	ssyncset.done @!p2 $0x0  }
0x113: {  	[sflag:s9] =	ssyncadd.s32 @!p2 $0xFFFFE800;
	s9 =	sshra.s32 @!p3 s1, $0x2  }
0x114: {  	s20 =	simm.s32 @!p3 $0x80;
	s21 =	simm.s32 @!p3 $0x9700;
	s9 =	sadd.s32 @!p3 $0x180, s9  }
0x115: {  	[tilespmem:s21], [sflag:$0x4] =	stream.indirect.gather @!p3 [hbm4b:s5+s20], $0x30, s9, s20, $0xb8;
	[tilespmem:$0x15580] =	vst v63  }
0x116: {  	s9 =	simm.s32 @!p1 $0x1  }
0x117: {  	_ =	swait.ge @!p1 [sflag:s9], $0x1800  }
0x118: {  	[sflag:s9] =	ssyncset.done @!p1 $0x0  }
0x119: {  	[sflag:s9] =	ssyncadd.s32 @!p1 $0xFFFFE800;
	s9 =	sshra.s32 @!p1 s1, $0x2  }
0x11a: {  	s20 =	simm.s32 @!p1 $0x80;
	s21 =	simm.s32 @!p1 $0x4F00;
	s9 =	sadd.s32 @!p1 $0x2780, s9  }
0x11b: {  	[spmem:s2] =	stream.indirect.scatter.add.f32 @!p1 [tilespmem:s21], [sflag:$0x7], $0x30, s9, s20, $0xb8;
	[tilespmem:$0x15580] =	vst v63  }
0x11c: {  	s21 =	sadd.s32 $0xFFFFFFF9, s17  }
0x11d: {  	p1 =	sge.u32 s21, s7  }
0x11e: {  	p2 =	seq.s32 @!p1 s1, $0x0  }
0x11f: {  	p2 =	por p2, p1  }
0x120: {  	s20 =	sadd.s32 @!p1 $0xFFFFFFFC, s17;
	s9 =	simm.s32 @!p2 $0xB  }
0x121: {  	p3 =	sge.u32 @!p1 s20, s7;
	_ =	swait.ge @!p2 [sflag:s9], $0x1800  }
0x122: {  	p3 =	por p3, p1;
	[sflag:s9] =	ssyncset.done @!p2 $0x0  }
0x123: {  	[sflag:s9] =	ssyncadd.s32 @!p2 $0xFFFFE800;
	s9 =	sshra.s32 @!p3 s1, $0x2  }
0x124: {  	s20 =	simm.s32 @!p3 $0x80;
	s21 =	simm.s32 @!p3 $0xAF00;
	s9 =	sadd.s32 @!p3 $0x200, s9  }
0x125: {  	[tilespmem:s21], [sflag:$0x5] =	stream.indirect.gather @!p3 [hbm4b:s5+s20], $0x30, s9, s20, $0xb8;
	[tilespmem:$0x15580] =	vst v63  }
0x126: {  	s9 =	simm.s32 @!p1 $0x2  }
0x127: {  	_ =	swait.ge @!p1 [sflag:s9], $0x1800  }
0x128: {  	[sflag:s9] =	ssyncset.done @!p1 $0x0  }
0x129: {  	s3 =	sadd.s32 $0xFFFFFFFA, s17;
	[sflag:s9] =	ssyncadd.s32 @!p1 $0xFFFFE800;
	s9 =	sshra.s32 @!p1 s1, $0x2  }
0x12a: {  	s20 =	simm.s32 @!p1 $0x80;
	s21 =	simm.s32 @!p1 $0x6700;
	s9 =	sadd.s32 @!p1 $0x2800, s9  }
0x12b: {  	[spmem:s2] =	stream.indirect.scatter.add.f32 @!p1 [tilespmem:s21], [sflag:$0x8], $0x30, s9, s20, $0xb8;
	[tilespmem:$0x15580] =	vst v63  }
0x12c: {  	p1 =	sge.u32 s3, s7  }
0x12d: {  	p2 =	seq.s32 @!p1 s1, $0x0  }
0x12e: {  	p2 =	por p2, p1  }
0x12f: {  	s20 =	sadd.s32 @!p1 $0xFFFFFFFD, s17;
	s9 =	simm.s32 @!p2 $0xC  }
0x130: {  	p3 =	sge.u32 @!p1 s20, s7;
	_ =	swait.ge @!p2 [sflag:s9], $0x1800  }
0x131: {  	p3 =	por p3, p1;
	[sflag:s9] =	ssyncset.done @!p2 $0x0  }
0x132: {  	[sflag:s9] =	ssyncadd.s32 @!p2 $0xFFFFE800;
	s9 =	sshra.s32 @!p3 s1, $0x2  }
0x133: {  	s20 =	simm.s32 @!p3 $0x80;
	s21 =	simm.s32 @!p3 $0xC700;
	s9 =	sadd.s32 @!p3 $0x280, s9  }
0x134: {  	[tilespmem:s21], [sflag:$0x6] =	stream.indirect.gather @!p3 [hbm4b:s5+s20], $0x30, s9, s20, $0xb8;
	[tilespmem:$0x15580] =	vst v63  }
0x135: {  	s9 =	simm.s32 @!p1 $0x3  }
0x136: {  	_ =	swait.ge @!p1 [sflag:s9], $0x1800  }
0x137: {  	[sflag:s9] =	ssyncset.done @!p1 $0x0  }
0x138: {  	s10 =	sadd.s32 $0xFFFFFFFB, s17;
	[sflag:s9] =	ssyncadd.s32 @!p1 $0xFFFFE800;
	s9 =	sshra.s32 @!p1 s1, $0x2  }
0x139: {  	s20 =	simm.s32 @!p1 $0x80;
	s21 =	simm.s32 @!p1 $0x7F00;
	s9 =	sadd.s32 @!p1 $0x2880, s9  }
0x13a: {  	[spmem:s2] =	stream.indirect.scatter.add.f32 @!p1 [tilespmem:s21], [sflag:$0x9], $0x30, s9, s20, $0xb8;
	[tilespmem:$0x15580] =	vst v63  }
0x13b: {  	p1 =	sge.u32 s10, s7  }
0x13c: {  	s9 =	simm.s32 @!p1 $0x7;
	s20 =	sadd.s32 @!p1 $0xFFFFFFFE, s17  }
0x13d: {  	_ =	swait.ge @!p1 [sflag:s9], $0x1800;
	p2 =	sge.u32 @!p1 s20, s7  }
0x13e: {  	[sflag:s9] =	ssyncset.done @!p1 $0x0;
	p2 =	por p2, p1  }
0x13f: {  	[sflag:s9] =	ssyncadd.s32 @!p1 $0xFFFFE800;
	s9 =	sshra.s32 @!p2 s1, $0x2  }
0x140: {  	s20 =	simm.s32 @!p2 $0x80;
	s21 =	simm.s32 @!p2 $0x4F00;
	s9 =	sadd.s32 @!p2 $0x300, s9  }
0x141: {  	[tilespmem:s21], [sflag:$0x1] =	stream.indirect.gather @!p2 [hbm4b:s5+s20], $0x30, s9, s20, $0xb8;
	[tilespmem:$0x15580] =	vst v63  }
0x142: {  	s9 =	simm.s32 @!p1 $0x4  }
0x143: {  	_ =	swait.ge @!p1 [sflag:s9], $0x1800  }
0x144: {  	[sflag:s9] =	ssyncset.done @!p1 $0x0  }
0x145: {  	[sflag:s9] =	ssyncadd.s32 @!p1 $0xFFFFE800;
	s9 =	sshra.s32 @!p1 s1, $0x2  }
0x146: {  	s20 =	simm.s32 @!p1 $0x80;
	s21 =	simm.s32 @!p1 $0x9700;
	s9 =	sadd.s32 @!p1 $0x2900, s9  }
0x147: {  	[spmem:s2] =	stream.indirect.scatter.add.f32 @!p1 [tilespmem:s21], [sflag:$0xA], $0x30, s9, s20, $0xb8;
	[tilespmem:$0x15580] =	vst v63  }
0x148: {  	s20 =	sadd.s32 $0xFFFFFFFC, s17  }
0x149: {  	p1 =	sge.u32 s20, s7  }
0x14a: {  	s9 =	simm.s32 @!p1 $0x8;
	s20 =	sadd.s32 @!p1 $0xFFFFFFFF, s17  }
0x14b: {  	_ =	swait.ge @!p1 [sflag:s9], $0x1800;
	p2 =	sge.u32 @!p1 s20, s7  }
0x14c: {  	[sflag:s9] =	ssyncset.done @!p1 $0x0;
	p2 =	por p2, p1  }
0x14d: {  	[sflag:s9] =	ssyncadd.s32 @!p1 $0xFFFFE800;
	s9 =	sshra.s32 @!p2 s1, $0x2  }
0x14e: {  	s20 =	simm.s32 @!p2 $0x80;
	s21 =	simm.s32 @!p2 $0x6700;
	s9 =	sadd.s32 @!p2 $0x380, s9  }
0x14f: {  	[tilespmem:s21], [sflag:$0x2] =	stream.indirect.gather @!p2 [hbm4b:s5+s20], $0x30, s9, s20, $0xb8;
	[tilespmem:$0x15580] =	vst v63  }
0x150: {  	s9 =	simm.s32 @!p1 $0x5  }
0x151: {  	_ =	swait.ge @!p1 [sflag:s9], $0x1800  }
0x152: {  	[sflag:s9] =	ssyncset.done @!p1 $0x0  }
0x153: {  	[sflag:s9] =	ssyncadd.s32 @!p1 $0xFFFFE800;
	s9 =	sshra.s32 @!p1 s1, $0x2  }
0x154: {  	s20 =	simm.s32 @!p1 $0x80;
	s21 =	simm.s32 @!p1 $0xAF00;
	s9 =	sadd.s32 @!p1 $0x2980, s9  }
0x155: {  	[spmem:s2] =	stream.indirect.scatter.add.f32 @!p1 [tilespmem:s21], [sflag:$0xB], $0x30, s9, s20, $0xb8;
	[tilespmem:$0x15580] =	vst v63  }
0x156: {  	s21 =	sadd.s32 $0xFFFFFFFD, s17  }
0x157: {  	p1 =	sge.u32 s21, s7  }
0x158: {  	s9 =	simm.s32 @!p1 $0x9  }
0x159: {  	p2 =	sge.u32 @!p1 s17, s7;
	_ =	swait.ge @!p1 [sflag:s9], $0x1800  }
0x15a: {  	p2 =	por p2, p1;
	[sflag:s9] =	ssyncset.done @!p1 $0x0  }
0x15b: {  	[sflag:s9] =	ssyncadd.s32 @!p1 $0xFFFFE800;
	s9 =	sshra.s32 @!p2 s1, $0x2  }
0x15c: {  	s20 =	simm.s32 @!p2 $0x80;
	s21 =	simm.s32 @!p2 $0x7F00;
	s9 =	sadd.s32 @!p2 $0x400, s9  }
0x15d: {  	[tilespmem:s21], [sflag:$0x3] =	stream.indirect.gather @!p2 [hbm4b:s5+s20], $0x30, s9, s20, $0xb8;
	[tilespmem:$0x15580] =	vst v63  }
0x15e: {  	s9 =	simm.s32 @!p1 $0x6  }
0x15f: {  	s20 =	sshra.s32 @!p1 s1, $0x2;
	s21 =	simm.s32 @!p1 $0xC700;
	_ =	swait.ge @!p1 [sflag:s9], $0x1800  }
0x160: {  	s1 =	sadd.s32 $0xC00, s1;
	[sflag:s9] =	ssyncset.done @!p1 $0x0;
	s10 =	rddreg [dreg:$0x6]  }
0x161: {  	[sflag:s9] =	ssyncadd.s32 @!p1 $0xFFFFE800;
	s9 =	sadd.s32 @!p1 $0x2A00, s20;
	s20 =	simm.s32 @!p1 $0x80  }
0x162: {  	[spmem:s2] =	stream.indirect.scatter.add.f32 @!p1 [tilespmem:s21], [sflag:$0xC], $0x30, s9, s20, $0xb8;
	[tilespmem:$0x15580] =	vst v63  }
0x163: {  	p1 =	seq.s32 s10, s1  }
.Ltmp5:
0x164: {  	_ = 	snop;
	(pc) =	sbr.rel @!p1 .LBB2_3-.Ltmp5, $2  }
0x165: {  	_ =	sdelay $0x2  }
0x166: {  	s17 =	sadd.s32 $0x6, s17  }
.Ltmp6:
0x167: {  	(pc) =	sbr.rel .LBB2_8-.Ltmp6, $2  }
0x168: {  	_ =	sdelay $0x2  }
0x169: {  	s1 =	rddreg [dreg:$0xc]  }
.LBB2_9:
0x16a: {  	_ =	sfence.sel $0x180000  }
0x16b: {  	[bflag:$0x0] =	sbarrier.arrive $0xFFFF  }
0x16c: {  	_ =	strace $0x90000047  }
0x16d: {  	s0 =	stileid.u32;
	[bflag:$0x2] =	sbarrier.arrive $0xFFFF  }
0x16e: {  	p0 =	sne.s32 s0, $0x0;
	s0 =	rddreg [dreg:$0x3]  }
0x16f: {  	s0 =	sadd.s32 @!p0 $0x100000, s0  }
0x170: {  	[sflag:s0] =	ssyncadd.tile.s32 @!p0 $0x1;
	_ =	shalt  }
.Lfunc_end2:
_tile_overlayer_lowered:
.L_overlay_start_2:
0x171: {  	(tag) =	ssettag $0x2  }
0x172: {  	s0 =	rddreg [dreg:$0x0];
	s2 =	stileid.u32  }
0x173: {  	s1 =	rddreg [dreg:$0x1];
	p0 =	sne.s32 s2, $0x0  }
0x174: {  	s3 =	rddreg [dreg:$0x2];
	[bflag:$0x3] =	sbarrier.arrive $0xFFFF;
	s2 =	simm.s32 @!p0 $0x1C0D  }
0x175: {  	[timem:s3], [sflag:s2] =	dma.local @!p0 [hbm:s0], s1  }
0x176: {  	s0 =	simm.s32 @!p0 $0xD  }
0x177: {  	_ =	swait.ge @!p0 [sflag:s0], s1  }
0x178: {  	s1 =	ssub.s32 @!p0 $0x0, s1;
	[sflag:s0] =	ssyncset.done @!p0 $0x0  }
0x179: {  	[sflag:s0] =	ssyncadd.s32 @!p0 s1  }
0x17a: {  	[bflag:$0x3] =	sbarrier.arrive $0xFFFF  }
0x17b: {  	_ =	shalt  }

</sc_bundles>
